<compile_context>
chip_gen: v7x
topology: tpu7x:2x2x1
jax: 0.10.2.dev20260603
libtpu: 0.0.44.dev20260713+nightly
codegen_flags: <defaults>
</compile_context>

<pallas_src>
import functools

import jax
import jax.numpy as jnp
from jax import lax
from jax.experimental import pallas as pl
from jax.experimental.pallas import tpu as pltpu
from jax.experimental.pallas import tpu_sc as plsc

N = 10000
E = 320000
D = 128
H = 128

NC = 2
NS = 16
EW = E // (NC * NS)
K = 40
NCHUNK = EW // K
NP = 10240
ROWS_PER_TILE = NP // NS
ZR = 32
NBUF = 5
NW = NC * NS


def _sc_body(x_hbm, ei_hbm, agg_out, cnt_out,
             zrow, czero, ones1, rows, agg_s, cnt_s, *rest):
    idxb = rest[0:2 * NBUF]
    isem = rest[2 * NBUF:4 * NBUF]
    gsem = rest[4 * NBUF:5 * NBUF]
    ssem = rest[5 * NBUF:6 * NBUF]
    zsem = rest[6 * NBUF]
    c = lax.axis_index("c")
    s = lax.axis_index("s")
    wid = c * NS + s

    zero16 = jnp.zeros((16,), jnp.float32)
    one16 = jnp.ones((16,), jnp.float32)

    def fill_zrow(i, _):
        for j in range(D // 16):
            zrow[i, pl.ds(j * 16, 16)] = zero16
        return 0
    lax.fori_loop(0, ZR, fill_zrow, 0)

    def fill_czero(i, _):
        czero[pl.ds(i * 16, 16)] = zero16
        return 0
    lax.fori_loop(0, ROWS_PER_TILE // 16, fill_czero, 0)

    for off in sorted(set(list(range(0, K - 15, 16)) + [K - 16])):
        ones1[pl.ds(off, 16)] = one16

    r0 = s * ROWS_PER_TILE
    base = wid * EW
    d_cz = pltpu.async_copy(czero, cnt_s.at[pl.ds(r0, ROWS_PER_TILE)], zsem)

    def zero_agg(i, _):
        pltpu.async_copy(zrow, agg_s.at[pl.ds(r0 + i * ZR, ZR)], zsem)
        return 0
    lax.fori_loop(0, ROWS_PER_TILE // ZR, zero_agg, 0)

    def zero_agg_wait(i, _):
        pltpu.make_async_copy(zrow, agg_s.at[pl.ds(r0, ZR)], zsem).wait()
        return 0
    lax.fori_loop(0, ROWS_PER_TILE // ZR, zero_agg_wait, 0)
    d_cz.wait()

    plsc.subcore_barrier()

    def src_of(b):
        return idxb[b].at[pl.ds(0, K)]

    def dst_of(b):
        return idxb[b].at[pl.ds(K, K)]

    def load_idx(j, b):
        pltpu.async_copy(ei_hbm.at[pl.ds(base + j * K, K)], src_of(b),
                         isem[b])
        pltpu.async_copy(ei_hbm.at[pl.ds(E + base + j * K, K)], dst_of(b),
                         isem[b])

    def wait_idx(b):
        pltpu.make_async_copy(ei_hbm.at[pl.ds(base, K)], src_of(b),
                              isem[b]).wait()
        pltpu.make_async_copy(ei_hbm.at[pl.ds(base, K)], dst_of(b),
                              isem[b]).wait()

    def issue_gather(bi, br):
        pltpu.async_copy(x_hbm.at[src_of(bi)], rows.at[br], gsem[br])

    def wait_gather(br):
        pltpu.make_async_copy(x_hbm.at[src_of(0)], rows.at[br],
                              gsem[br]).wait()

    def issue_scatter(br, bi):
        pltpu.async_copy(rows.at[br], agg_s.at[dst_of(bi)], ssem[br],
                         add=True)
        pltpu.async_copy(ones1, cnt_s.at[dst_of(bi)], ssem[br], add=True)

    def wait_scatter(br, bi):
        pltpu.make_async_copy(rows.at[br], agg_s.at[dst_of(bi)],
                              ssem[br]).wait()
        pltpu.make_async_copy(ones1, cnt_s.at[dst_of(bi)], ssem[br]).wait()

    for j in range(6):
        load_idx(j, j)
    for j in range(3):
        wait_idx(j)
        issue_gather(j, j % NBUF)

    def outer(g, _):
        for b in range(2 * NBUF):
            i = g * 2 * NBUF + b
            b5 = b % NBUF
            bl = (b + 6) % (2 * NBUF)
            bg = (b + 3) % (2 * NBUF)

            @pl.when(i + 6 < NCHUNK)
            def _load():
                load_idx(i + 6, bl)

            @pl.when(i >= 2)
            def _drain():
                wait_scatter((b - 2) % NBUF, (b - 2) % (2 * NBUF))

            @pl.when(i + 3 < NCHUNK)
            def _gather():
                wait_idx(bg)
                issue_gather(bg, (b + 3) % NBUF)

            wait_gather(b5)
            issue_scatter(b5, b)
        return 0
    lax.fori_loop(0, NCHUNK // (2 * NBUF), outer, 0)

    wait_scatter((NCHUNK - 2) % NBUF, (NCHUNK - 2) % (2 * NBUF))
    wait_scatter((NCHUNK - 1) % NBUF, (NCHUNK - 1) % (2 * NBUF))

    plsc.subcore_barrier()

    pltpu.sync_copy(agg_s.at[pl.ds(r0, ROWS_PER_TILE)],
                    agg_out.at[c, pl.ds(r0, ROWS_PER_TILE)])
    pltpu.sync_copy(cnt_s.at[pl.ds(r0, ROWS_PER_TILE)],
                    cnt_out.at[pl.ds(c * NP + r0, ROWS_PER_TILE)])


@functools.lru_cache(maxsize=1)
def _sc_agg():
    return pl.kernel(
        _sc_body,
        mesh=plsc.VectorSubcoreMesh(core_axis_name="c", subcore_axis_name="s",
                                    num_cores=NC, num_subcores=NS),
        out_type=[jax.ShapeDtypeStruct((NC, NP, D), jnp.float32),
                  jax.ShapeDtypeStruct((NC * NP,), jnp.float32)],
        scratch_types=[
            pltpu.VMEM((ZR, D), jnp.float32),
            pltpu.VMEM((ROWS_PER_TILE,), jnp.float32),
            pltpu.VMEM((K,), jnp.float32),
            pltpu.VMEM((NBUF, K, D), jnp.float32),
            pltpu.VMEM_SHARED((NP, D), jnp.float32),
            pltpu.VMEM_SHARED((NP,), jnp.float32),
        ] + [pltpu.VMEM((2 * K,), jnp.int32)] * (2 * NBUF)
          + [pltpu.SemaphoreType.DMA] * (4 * NBUF + 1),
    )


def _tc_body(agg_ref, cnt_ref, x_ref, wl_ref, bl_ref, wr_ref, wp_ref, bp_ref,
             ws_ref, bs_ref, outp_ref, outs_ref):
    p = agg_ref[0] + agg_ref[1]
    cnt = cnt_ref[0] + cnt_ref[1]
    inv = 1.0 / jnp.maximum(cnt, 1.0)
    aggm = p * inv
    h = jnp.dot(aggm, wl_ref[...], preferred_element_type=jnp.float32)
    h = h + bl_ref[...]
    h = h + jnp.dot(x_ref[...], wr_ref[...], preferred_element_type=jnp.float32)
    h = jnp.maximum(h, 0.0)

    def lsm(z):
        m = jnp.max(z, axis=1, keepdims=True)
        zz = z - m
        return zz - jnp.log(jnp.sum(jnp.exp(zz), axis=1, keepdims=True))

    lp = jnp.dot(h, wp_ref[...], preferred_element_type=jnp.float32)
    outp_ref[...] = lsm(lp + bp_ref[...])
    ls = jnp.dot(h, ws_ref[...], preferred_element_type=jnp.float32)
    outs_ref[...] = lsm(ls + bs_ref[...])


def _tc_head(agg_p, cnt_p, x, W_l, b_l, W_r, W_p, b_p, W_s, b_s):
    B = 2000
    grid = (N // B,)
    return pl.pallas_call(
        _tc_body,
        grid=grid,
        in_specs=[
            pl.BlockSpec((NC, B, D), lambda i: (0, i, 0)),
            pl.BlockSpec((NC, B, 1), lambda i: (0, i, 0)),
            pl.BlockSpec((B, D), lambda i: (i, 0)),
            pl.BlockSpec((D, H), lambda i: (0, 0)),
            pl.BlockSpec((1, H), lambda i: (0, 0)),
            pl.BlockSpec((D, H), lambda i: (0, 0)),
            pl.BlockSpec((H, 7), lambda i: (0, 0)),
            pl.BlockSpec((1, 7), lambda i: (0, 0)),
            pl.BlockSpec((H, 6), lambda i: (0, 0)),
            pl.BlockSpec((1, 6), lambda i: (0, 0)),
        ],
        out_specs=[pl.BlockSpec((B, 7), lambda i: (i, 0)),
                   pl.BlockSpec((B, 6), lambda i: (i, 0))],
        out_shape=[jax.ShapeDtypeStruct((N, 7), jnp.float32),
                   jax.ShapeDtypeStruct((N, 6), jnp.float32)],
    )(agg_p, cnt_p, x, W_l, b_l, W_r, W_p, b_p, W_s, b_s)


def kernel(x, edge_index, W_l, b_l, W_r, W_p, b_p, W_s, b_s):
    agg_p, cnt_p = _sc_agg()(x, edge_index.reshape(2 * E))
    cnt_p = cnt_p.reshape(NC, NP, 1)
    outp, outs = _tc_head(agg_p, cnt_p, x, W_l, b_l.reshape(1, H), W_r,
                          W_p, b_p.reshape(1, 7), W_s, b_s.reshape(1, 6))
    return (outp, outs)

# --- scband reference (transcript-rebuilt; emitter-appended) ---
"""Pipeline reference for scband-firefox-issue-graph-sage-91268055040046 (READ-ONLY COPY).

The authoritative reference and input builder live on the scoring server;
editing this copy changes nothing except your own understanding.
"""

import jax, jax.numpy as jnp
import numpy as np

N = 10000
E = 320000
D = 128
H = 128


def setup_inputs(seed: int = 0) -> dict:
    key = jax.random.key(seed)
    ks = jax.random.split(key, 10)
    x = jax.random.normal(ks[0], (N, D), dtype=jnp.float32)
    edge_index = jax.random.randint(ks[1], (2, E), 0, N, dtype=jnp.int32)
    # SAGEConv params: lin_l (aggregated neighbors, with bias) and lin_r (root, no bias)
    W_l = jax.random.normal(ks[2], (D, H), dtype=jnp.float32) / np.sqrt(D)
    b_l = jnp.zeros((H,), dtype=jnp.float32)
    W_r = jax.random.normal(ks[3], (D, H), dtype=jnp.float32) / np.sqrt(D)
    # output heads
    W_p = jax.random.normal(ks[4], (H, 7), dtype=jnp.float32) / np.sqrt(H)
    b_p = jnp.zeros((7,), dtype=jnp.float32)
    W_s = jax.random.normal(ks[5], (H, 6), dtype=jnp.float32) / np.sqrt(H)
    b_s = jnp.zeros((6,), dtype=jnp.float32)
    return {"x": x, "edge_index": edge_index, "W_l": W_l, "b_l": b_l, "W_r": W_r,
            "W_p": W_p, "b_p": b_p, "W_s": W_s, "b_s": b_s}


def reference(x, edge_index, W_l, b_l, W_r, W_p, b_p, W_s, b_s):
    src = edge_index[0]
    dst = edge_index[1]
    # SAGEConv with mean aggregation: gather messages from src, scatter-mean into dst
    msgs = jnp.take(x, src, axis=0)
    agg = jax.ops.segment_sum(msgs, dst, num_segments=N)
    cnt = jax.ops.segment_sum(jnp.ones((E,), dtype=jnp.float32), dst, num_segments=N)
    agg = agg / jnp.clip(cnt, 1.0, None)[:, None]
    h = agg @ W_l + b_l + x @ W_r
    h = jax.nn.relu(h)
    # dropout is identity in eval mode
    priority = jax.nn.log_softmax(h @ W_p + b_p, axis=1)
    severity = jax.nn.log_softmax(h @ W_s + b_s, axis=1)
    return (priority, severity)

if __name__ == "__main__":
    import jax
    _d = setup_inputs()
    print(jax.jit(kernel)(*tuple(_d.values())))

</pallas_src>

<mosaic_0001>
#map = affine_map<(d0, d1) -> (0, 0)>
#map1 = affine_map<(d0, d1) -> (0)>
#map2 = affine_map<(d0, d1) -> (0, 0, 0)>
module attributes {stable_mosaic.version = 14 : i64} {
  func.func @_sc_body(%arg0: i32, %arg1: i32, %arg2: memref<10000x128xf32, #tpu.memory_space<hbm>>, %arg3: memref<640000xi32, #tpu.memory_space<hbm>>, %arg4: memref<2x10240x128xf32, #tpu.memory_space<hbm>>, %arg5: memref<20480xf32, #tpu.memory_space<hbm>>, %arg6: memref<32x128xf32, #tpu.memory_space<vmem>>, %arg7: memref<640xf32, #tpu.memory_space<vmem>>, %arg8: memref<40xf32, #tpu.memory_space<vmem>>, %arg9: memref<5x40x128xf32, #tpu.memory_space<vmem>>, %arg10: memref<10240x128xf32, #tpu.memory_space<vmem_shared>>, %arg11: memref<10240xf32, #tpu.memory_space<vmem_shared>>, %arg12: memref<80xi32, #tpu.memory_space<vmem>>, %arg13: memref<80xi32, #tpu.memory_space<vmem>>, %arg14: memref<80xi32, #tpu.memory_space<vmem>>, %arg15: memref<80xi32, #tpu.memory_space<vmem>>, %arg16: memref<80xi32, #tpu.memory_space<vmem>>, %arg17: memref<80xi32, #tpu.memory_space<vmem>>, %arg18: memref<80xi32, #tpu.memory_space<vmem>>, %arg19: memref<80xi32, #tpu.memory_space<vmem>>, %arg20: memref<80xi32, #tpu.memory_space<vmem>>, %arg21: memref<80xi32, #tpu.memory_space<vmem>>, %arg22: memref<!tpu.dma_semaphore, #tpu.memory_space<semaphore_mem>>, %arg23: memref<!tpu.dma_semaphore, #tpu.memory_space<semaphore_mem>>, %arg24: memref<!tpu.dma_semaphore, #tpu.memory_space<semaphore_mem>>, %arg25: memref<!tpu.dma_semaphore, #tpu.memory_space<semaphore_mem>>, %arg26: memref<!tpu.dma_semaphore, #tpu.memory_space<semaphore_mem>>, %arg27: memref<!tpu.dma_semaphore, #tpu.memory_space<semaphore_mem>>, %arg28: memref<!tpu.dma_semaphore, #tpu.memory_space<semaphore_mem>>, %arg29: memref<!tpu.dma_semaphore, #tpu.memory_space<semaphore_mem>>, %arg30: memref<!tpu.dma_semaphore, #tpu.memory_space<semaphore_mem>>, %arg31: memref<!tpu.dma_semaphore, #tpu.memory_space<semaphore_mem>>, %arg32: memref<!tpu.dma_semaphore, #tpu.memory_space<semaphore_mem>>, %arg33: memref<!tpu.dma_semaphore, #tpu.memory_space<semaphore_mem>>, %arg34: memref<!tpu.dma_semaphore, #tpu.memory_space<semaphore_mem>>, %arg35: memref<!tpu.dma_semaphore, #tpu.memory_space<semaphore_mem>>, %arg36: memref<!tpu.dma_semaphore, #tpu.memory_space<semaphore_mem>>, %arg37: memref<!tpu.dma_semaphore, #tpu.memory_space<semaphore_mem>>, %arg38: memref<!tpu.dma_semaphore, #tpu.memory_space<semaphore_mem>>, %arg39: memref<!tpu.dma_semaphore, #tpu.memory_space<semaphore_mem>>, %arg40: memref<!tpu.dma_semaphore, #tpu.memory_space<semaphore_mem>>, %arg41: memref<!tpu.dma_semaphore, #tpu.memory_space<semaphore_mem>>, %arg42: memref<!tpu.dma_semaphore, #tpu.memory_space<semaphore_mem>>) attributes {dimension_semantics = [#tpu.dimension_semantics<core_parallel>, #tpu.dimension_semantics<subcore_parallel>], iteration_bounds = array<i64: 2, 16>, scalar_prefetch = 0 : i64, scratch_operands = 37 : i64, tpu.core_type = #tpu.core_type<sc_vector_subcore>, window_params = [{transform_indices = #map}, {transform_indices = #map1}, {transform_indices = #map2}, {transform_indices = #map1}]} {
    %mul3A = arith.constant 16 : i32
    %mul3A_0 = arith.muli %arg0, %mul3A : i32
    %add3A = arith.addi %mul3A_0, %arg1 : i32
    %broadcast_in_dim3A = arith.constant 0.000000e+00 : f32
    %broadcast_in_dim3A_1 = vector.broadcast %broadcast_in_dim3A : f32 to vector<16xf32>
    %broadcast_in_dim3A_2 = arith.constant 1.000000e+00 : f32
    %broadcast_in_dim3A_3 = vector.broadcast %broadcast_in_dim3A_2 : f32 to vector<16xf32>
    %scan3A = arith.constant 0 : i32
    %scan3A_4 = arith.constant 0 : i32
    %scan3A_5 = arith.constant 32 : i32
    %scan3A_6 = arith.addi %scan3A_4, %scan3A_5 : i32
    %scan3A_7 = arith.constant 1 : i32
    %scan3A_8 = scf.for %scan3A_261 = %scan3A_4 to %scan3A_6 step %scan3A_7 iter_args(%scan3A_262 = %scan3A) -> (i32)  : i32 {
      %swap3A_263 = arith.index_cast %scan3A_261 : i32 to index
      %swap3A_264 = arith.constant 0 : index
      %swap3A_265 = tpu.vector_load %arg6[%swap3A_263, %swap3A_264] {strides = array<i32>} : memref<32x128xf32, #tpu.memory_space<vmem>>, vector<1x16xf32>,
      %swap3A_266 = vector.shape_cast %swap3A_265 : vector<1x16xf32> to vector<16xf32>
      %swap3A_267 = vector.shape_cast %broadcast_in_dim3A_1 : vector<16xf32> to vector<1x16xf32>
      tpu.vector_store %arg6[%swap3A_263, %swap3A_264], %swap3A_267 {strides = array<i32>} : memref<32x128xf32, #tpu.memory_space<vmem>>, vector<1x16xf32>,
      %swap3A_268 = arith.index_cast %scan3A_261 : i32 to index
      %swap3A_269 = arith.constant 16 : index
      %swap3A_270 = tpu.vector_load %arg6[%swap3A_268, %swap3A_269] {strides = array<i32>} : memref<32x128xf32, #tpu.memory_space<vmem>>, vector<1x16xf32>,
      %swap3A_271 = vector.shape_cast %swap3A_270 : vector<1x16xf32> to vector<16xf32>
      %swap3A_272 = vector.shape_cast %broadcast_in_dim3A_1 : vector<16xf32> to vector<1x16xf32>
      tpu.vector_store %arg6[%swap3A_268, %swap3A_269], %swap3A_272 {strides = array<i32>} : memref<32x128xf32, #tpu.memory_space<vmem>>, vector<1x16xf32>,
      %swap3A_273 = arith.index_cast %scan3A_261 : i32 to index
      %swap3A_274 = arith.constant 32 : index
      %swap3A_275 = tpu.vector_load %arg6[%swap3A_273, %swap3A_274] {strides = array<i32>} : memref<32x128xf32, #tpu.memory_space<vmem>>, vector<1x16xf32>,
      %swap3A_276 = vector.shape_cast %swap3A_275 : vector<1x16xf32> to vector<16xf32>
      %swap3A_277 = vector.shape_cast %broadcast_in_dim3A_1 : vector<16xf32> to vector<1x16xf32>
      tpu.vector_store %arg6[%swap3A_273, %swap3A_274], %swap3A_277 {strides = array<i32>} : memref<32x128xf32, #tpu.memory_space<vmem>>, vector<1x16xf32>,
      %swap3A_278 = arith.index_cast %scan3A_261 : i32 to index
      %swap3A_279 = arith.constant 48 : index
      %swap3A_280 = tpu.vector_load %arg6[%swap3A_278, %swap3A_279] {strides = array<i32>} : memref<32x128xf32, #tpu.memory_space<vmem>>, vector<1x16xf32>,
      %swap3A_281 = vector.shape_cast %swap3A_280 : vector<1x16xf32> to vector<16xf32>
      %swap3A_282 = vector.shape_cast %broadcast_in_dim3A_1 : vector<16xf32> to vector<1x16xf32>
      tpu.vector_store %arg6[%swap3A_278, %swap3A_279], %swap3A_282 {strides = array<i32>} : memref<32x128xf32, #tpu.memory_space<vmem>>, vector<1x16xf32>,
      %swap3A_283 = arith.index_cast %scan3A_261 : i32 to index
      %swap3A_284 = arith.constant 64 : index
      %swap3A_285 = tpu.vector_load %arg6[%swap3A_283, %swap3A_284] {strides = array<i32>} : memref<32x128xf32, #tpu.memory_space<vmem>>, vector<1x16xf32>,
      %swap3A_286 = vector.shape_cast %swap3A_285 : vector<1x16xf32> to vector<16xf32>
      %swap3A_287 = vector.shape_cast %broadcast_in_dim3A_1 : vector<16xf32> to vector<1x16xf32>
      tpu.vector_store %arg6[%swap3A_283, %swap3A_284], %swap3A_287 {strides = array<i32>} : memref<32x128xf32, #tpu.memory_space<vmem>>, vector<1x16xf32>,
      %swap3A_288 = arith.index_cast %scan3A_261 : i32 to index
      %swap3A_289 = arith.constant 80 : index
      %swap3A_290 = tpu.vector_load %arg6[%swap3A_288, %swap3A_289] {strides = array<i32>} : memref<32x128xf32, #tpu.memory_space<vmem>>, vector<1x16xf32>,
      %swap3A_291 = vector.shape_cast %swap3A_290 : vector<1x16xf32> to vector<16xf32>
      %swap3A_292 = vector.shape_cast %broadcast_in_dim3A_1 : vector<16xf32> to vector<1x16xf32>
      tpu.vector_store %arg6[%swap3A_288, %swap3A_289], %swap3A_292 {strides = array<i32>} : memref<32x128xf32, #tpu.memory_space<vmem>>, vector<1x16xf32>,
      %swap3A_293 = arith.index_cast %scan3A_261 : i32 to index
      %swap3A_294 = arith.constant 96 : index
      %swap3A_295 = tpu.vector_load %arg6[%swap3A_293, %swap3A_294] {strides = array<i32>} : memref<32x128xf32, #tpu.memory_space<vmem>>, vector<1x16xf32>,
      %swap3A_296 = vector.shape_cast %swap3A_295 : vector<1x16xf32> to vector<16xf32>
      %swap3A_297 = vector.shape_cast %broadcast_in_dim3A_1 : vector<16xf32> to vector<1x16xf32>
      tpu.vector_store %arg6[%swap3A_293, %swap3A_294], %swap3A_297 {strides = array<i32>} : memref<32x128xf32, #tpu.memory_space<vmem>>, vector<1x16xf32>,
      %swap3A_298 = arith.index_cast %scan3A_261 : i32 to index
      %swap3A_299 = arith.constant 112 : index
      %swap3A_300 = tpu.vector_load %arg6[%swap3A_298, %swap3A_299] {strides = array<i32>} : memref<32x128xf32, #tpu.memory_space<vmem>>, vector<1x16xf32>,
      %swap3A_301 = vector.shape_cast %swap3A_300 : vector<1x16xf32> to vector<16xf32>
      %swap3A_302 = vector.shape_cast %broadcast_in_dim3A_1 : vector<16xf32> to vector<1x16xf32>
      tpu.vector_store %arg6[%swap3A_298, %swap3A_299], %swap3A_302 {strides = array<i32>} : memref<32x128xf32, #tpu.memory_space<vmem>>, vector<1x16xf32>,
      %scan3A_303 = arith.constant 0 : i32
      scf.yield %scan3A_303 : i32
    }
    %scan3A_9 = arith.constant 32 : i32
    %scan3A_10 = arith.constant 0 : i32
    %scan3A_11 = arith.constant 0 : i32
    %scan3A_12 = arith.constant 40 : i32
    %scan3A_13 = arith.addi %scan3A_11, %scan3A_12 : i32
    %scan3A_14 = arith.constant 1 : i32
    %scan3A_15 = scf.for %scan3A_261 = %scan3A_11 to %scan3A_13 step %scan3A_14 iter_args(%scan3A_262 = %scan3A_10) -> (i32)  : i32 {
      %mul3A_263 = arith.constant 16 : i32
      %mul3A_264 = arith.muli %scan3A_261, %mul3A_263 : i32
      %swap3A_265 = arith.index_cast %mul3A_264 : i32 to index
      %swap3A_266 = tpu.vector_load %arg7[%swap3A_265] {strides = array<i32>} : memref<640xf32, #tpu.memory_space<vmem>>, vector<16xf32>,
      %swap3A_267 = vector.shape_cast %swap3A_266 : vector<16xf32> to vector<16xf32>
      %swap3A_268 = vector.shape_cast %broadcast_in_dim3A_1 : vector<16xf32> to vector<16xf32>
      tpu.vector_store %arg7[%swap3A_265], %swap3A_268 {strides = array<i32>} : memref<640xf32, #tpu.memory_space<vmem>>, vector<16xf32>,
      %scan3A_269 = arith.constant 0 : i32
      scf.yield %scan3A_269 : i32
    }
    %scan3A_16 = arith.constant 40 : i32
    %swap3A = arith.constant 0 : index
    %swap3A_17 = tpu.vector_load %arg8[%swap3A] {strides = array<i32>} : memref<40xf32, #tpu.memory_space<vmem>>, vector<16xf32>,
    %swap3A_18 = vector.shape_cast %swap3A_17 : vector<16xf32> to vector<16xf32>
    %swap3A_19 = vector.shape_cast %broadcast_in_dim3A_3 : vector<16xf32> to vector<16xf32>
    tpu.vector_store %arg8[%swap3A], %swap3A_19 {strides = array<i32>} : memref<40xf32, #tpu.memory_space<vmem>>, vector<16xf32>,
    %swap3A_20 = arith.constant 16 : index
    %swap3A_21 = tpu.vector_load %arg8[%swap3A_20] {strides = array<i32>} : memref<40xf32, #tpu.memory_space<vmem>>, vector<16xf32>,
    %swap3A_22 = vector.shape_cast %swap3A_21 : vector<16xf32> to vector<16xf32>
    %swap3A_23 = vector.shape_cast %broadcast_in_dim3A_3 : vector<16xf32> to vector<16xf32>
    tpu.vector_store %arg8[%swap3A_20], %swap3A_23 {strides = array<i32>} : memref<40xf32, #tpu.memory_space<vmem>>, vector<16xf32>,
    %swap3A_24 = arith.constant 24 : index
    %swap3A_25 = tpu.vector_load %arg8[%swap3A_24] {strides = array<i32>} : memref<40xf32, #tpu.memory_space<vmem>>, vector<16xf32>,
    %swap3A_26 = vector.shape_cast %swap3A_25 : vector<16xf32> to vector<16xf32>
    %swap3A_27 = vector.shape_cast %broadcast_in_dim3A_3 : vector<16xf32> to vector<16xf32>
    tpu.vector_store %arg8[%swap3A_24], %swap3A_27 {strides = array<i32>} : memref<40xf32, #tpu.memory_space<vmem>>, vector<16xf32>,
    %mul3A_28 = arith.constant 640 : i32
    %mul3A_29 = arith.muli %arg1, %mul3A_28 : i32
    %mul3A_30 = arith.constant 10000 : i32
    %mul3A_31 = arith.muli %add3A, %mul3A_30 : i32
    %dma_start3A = tpu.memref_slice %arg11[%mul3A_29] : memref<10240xf32, #tpu.memory_space<vmem_shared>> -> memref<640xf32, #tpu.memory_space<vmem_shared>>
    %dma_start3A_32 = tpu.memref_slice %arg11[%mul3A_29] : memref<10240xf32, #tpu.memory_space<vmem_shared>> -> memref<640xf32, #tpu.memory_space<vmem_shared>>
    tpu.enqueue_dma source(%arg7 : memref<640xf32, #tpu.memory_space<vmem>>) target(%dma_start3A_32 : memref<640xf32, #tpu.memory_space<vmem_shared>>) target_semaphore(%arg42 : memref<!tpu.dma_semaphore, #tpu.memory_space<semaphore_mem>>)
    %scan3A_33 = arith.constant 0 : i32
    %scan3A_34 = arith.constant 0 : i32
    %scan3A_35 = arith.constant 20 : i32
    %scan3A_36 = arith.addi %scan3A_34, %scan3A_35 : i32
    %scan3A_37 = arith.constant 1 : i32
    %scan3A_38 = scf.for %scan3A_261 = %scan3A_34 to %scan3A_36 step %scan3A_37 iter_args(%scan3A_262 = %scan3A_33) -> (i32)  : i32 {
      %mul3A_263 = arith.constant 32 : i32
      %mul3A_264 = arith.muli %scan3A_261, %mul3A_263 : i32
      %add3A_265 = arith.addi %mul3A_29, %mul3A_264 : i32
      %dma_start3A_266 = arith.constant 0 : i32
      %dma_start3A_267 = tpu.memref_slice %arg10[%add3A_265, %dma_start3A_266] : memref<10240x128xf32, #tpu.memory_space<vmem_shared>> -> memref<32x128xf32, #tpu.memory_space<vmem_shared>>
      %dma_start3A_268 = arith.constant 0 : i32
      %dma_start3A_269 = tpu.memref_slice %arg10[%add3A_265, %dma_start3A_268] : memref<10240x128xf32, #tpu.memory_space<vmem_shared>> -> memref<32x128xf32, #tpu.memory_space<vmem_shared>>
      tpu.enqueue_dma source(%arg6 : memref<32x128xf32, #tpu.memory_space<vmem>>) target(%dma_start3A_269 : memref<32x128xf32, #tpu.memory_space<vmem_shared>>) target_semaphore(%arg42 : memref<!tpu.dma_semaphore, #tpu.memory_space<semaphore_mem>>)
      %scan3A_270 = arith.constant 0 : i32
      scf.yield %scan3A_270 : i32
    }
    %scan3A_39 = arith.constant 20 : i32
    %scan3A_40 = arith.constant 0 : i32
    %scan3A_41 = arith.constant 0 : i32
    %scan3A_42 = arith.constant 20 : i32
    %scan3A_43 = arith.addi %scan3A_41, %scan3A_42 : i32
    %scan3A_44 = arith.constant 1 : i32
    %scan3A_45 = scf.for %scan3A_261 = %scan3A_41 to %scan3A_43 step %scan3A_44 iter_args(%scan3A_262 = %scan3A_40) -> (i32)  : i32 {
      %dma_wait3A_263 = arith.constant 0 : i32
      %dma_wait3A_264 = tpu.memref_slice %arg10[%mul3A_29, %dma_wait3A_263] : memref<10240x128xf32, #tpu.memory_space<vmem_shared>> -> memref<32x128xf32, #tpu.memory_space<vmem_shared>>
      %dma_wait3A_265 = arith.constant 0 : i32
      %dma_wait3A_266 = tpu.memref_slice %arg10[%mul3A_29, %dma_wait3A_265] : memref<10240x128xf32, #tpu.memory_space<vmem_shared>> -> memref<32x128xf32, #tpu.memory_space<vmem_shared>>
      tpu.wait_dma2 semaphore(%arg42 : memref<!tpu.dma_semaphore, #tpu.memory_space<semaphore_mem>>) src(%arg6 : memref<32x128xf32, #tpu.memory_space<vmem>>) dst(%dma_wait3A_266 : memref<32x128xf32, #tpu.memory_space<vmem_shared>>)
      %scan3A_267 = arith.constant 0 : i32
      scf.yield %scan3A_267 : i32
    }
    %scan3A_46 = arith.constant 20 : i32
    %dma_wait3A = tpu.memref_slice %arg11[%mul3A_29] : memref<10240xf32, #tpu.memory_space<vmem_shared>> -> memref<640xf32, #tpu.memory_space<vmem_shared>>
    %dma_wait3A_47 = tpu.memref_slice %arg11[%mul3A_29] : memref<10240xf32, #tpu.memory_space<vmem_shared>> -> memref<640xf32, #tpu.memory_space<vmem_shared>>
    tpu.wait_dma2 semaphore(%arg42 : memref<!tpu.dma_semaphore, #tpu.memory_space<semaphore_mem>>) src(%arg7 : memref<640xf32, #tpu.memory_space<vmem>>) dst(%dma_wait3A_47 : memref<640xf32, #tpu.memory_space<vmem_shared>>)
    %barrier3A = arith.constant 0 : index
    tpu.barrier barrier_id(%barrier3A)
    %add3A_48 = arith.constant 0 : i32
    %add3A_49 = arith.addi %mul3A_31, %add3A_48 : i32
    %dma_start3A_50 = arith.constant 0 : i32
    %dma_start3A_51 = tpu.memref_slice %arg12[%dma_start3A_50] : memref<80xi32, #tpu.memory_space<vmem>> -> memref<40xi32, #tpu.memory_space<vmem>>
    %dma_start3A_52 = tpu.memref_slice %arg3[%add3A_49] : memref<640000xi32, #tpu.memory_space<hbm>> -> memref<40xi32, #tpu.memory_space<hbm>>
    %dma_start3A_53 = arith.constant 0 : i32
    %dma_start3A_54 = tpu.memref_slice %arg12[%dma_start3A_53] : memref<80xi32, #tpu.memory_space<vmem>> -> memref<40xi32, #tpu.memory_space<vmem>>
    %dma_start3A_55 = tpu.memref_slice %arg3[%add3A_49] : memref<640000xi32, #tpu.memory_space<hbm>> -> memref<40xi32, #tpu.memory_space<hbm>>
    tpu.enqueue_dma source(%dma_start3A_55 : memref<40xi32, #tpu.memory_space<hbm>>) target(%dma_start3A_54 : memref<40xi32, #tpu.memory_space<vmem>>) target_semaphore(%arg22 : memref<!tpu.dma_semaphore, #tpu.memory_space<semaphore_mem>>)
    %add3A_56 = arith.constant 320000 : i32
    %add3A_57 = arith.addi %add3A_56, %mul3A_31 : i32
    %add3A_58 = arith.constant 0 : i32
    %add3A_59 = arith.addi %add3A_57, %add3A_58 : i32
    %dma_start3A_60 = arith.constant 40 : i32
    %dma_start3A_61 = tpu.memref_slice %arg12[%dma_start3A_60] : memref<80xi32, #tpu.memory_space<vmem>> -> memref<40xi32, #tpu.memory_space<vmem>>
    %dma_start3A_62 = tpu.memref_slice %arg3[%add3A_59] : memref<640000xi32, #tpu.memory_space<hbm>> -> memref<40xi32, #tpu.memory_space<hbm>>
    %dma_start3A_63 = arith.constant 40 : i32
    %dma_start3A_64 = tpu.memref_slice %arg12[%dma_start3A_63] : memref<80xi32, #tpu.memory_space<vmem>> -> memref<40xi32, #tpu.memory_space<vmem>>
    %dma_start3A_65 = tpu.memref_slice %arg3[%add3A_59] : memref<640000xi32, #tpu.memory_space<hbm>> -> memref<40xi32, #tpu.memory_space<hbm>>
    tpu.enqueue_dma source(%dma_start3A_65 : memref<40xi32, #tpu.memory_space<hbm>>) target(%dma_start3A_64 : memref<40xi32, #tpu.memory_space<vmem>>) target_semaphore(%arg22 : memref<!tpu.dma_semaphore, #tpu.memory_space<semaphore_mem>>)
    %add3A_66 = arith.constant 40 : i32
    %add3A_67 = arith.addi %mul3A_31, %add3A_66 : i32
    %dma_start3A_68 = arith.constant 0 : i32
    %dma_start3A_69 = tpu.memref_slice %arg13[%dma_start3A_68] : memref<80xi32, #tpu.memory_space<vmem>> -> memref<40xi32, #tpu.memory_space<vmem>>
    %dma_start3A_70 = tpu.memref_slice %arg3[%add3A_67] : memref<640000xi32, #tpu.memory_space<hbm>> -> memref<40xi32, #tpu.memory_space<hbm>>
    %dma_start3A_71 = arith.constant 0 : i32
    %dma_start3A_72 = tpu.memref_slice %arg13[%dma_start3A_71] : memref<80xi32, #tpu.memory_space<vmem>> -> memref<40xi32, #tpu.memory_space<vmem>>
    %dma_start3A_73 = tpu.memref_slice %arg3[%add3A_67] : memref<640000xi32, #tpu.memory_space<hbm>> -> memref<40xi32, #tpu.memory_space<hbm>>
    tpu.enqueue_dma source(%dma_start3A_73 : memref<40xi32, #tpu.memory_space<hbm>>) target(%dma_start3A_72 : memref<40xi32, #tpu.memory_space<vmem>>) target_semaphore(%arg23 : memref<!tpu.dma_semaphore, #tpu.memory_space<semaphore_mem>>)
    %add3A_74 = arith.constant 320000 : i32
    %add3A_75 = arith.addi %add3A_74, %mul3A_31 : i32
    %add3A_76 = arith.constant 40 : i32
    %add3A_77 = arith.addi %add3A_75, %add3A_76 : i32
    %dma_start3A_78 = arith.constant 40 : i32
    %dma_start3A_79 = tpu.memref_slice %arg13[%dma_start3A_78] : memref<80xi32, #tpu.memory_space<vmem>> -> memref<40xi32, #tpu.memory_space<vmem>>
    %dma_start3A_80 = tpu.memref_slice %arg3[%add3A_77] : memref<640000xi32, #tpu.memory_space<hbm>> -> memref<40xi32, #tpu.memory_space<hbm>>
    %dma_start3A_81 = arith.constant 40 : i32
    %dma_start3A_82 = tpu.memref_slice %arg13[%dma_start3A_81] : memref<80xi32, #tpu.memory_space<vmem>> -> memref<40xi32, #tpu.memory_space<vmem>>
    %dma_start3A_83 = tpu.memref_slice %arg3[%add3A_77] : memref<640000xi32, #tpu.memory_space<hbm>> -> memref<40xi32, #tpu.memory_space<hbm>>
    tpu.enqueue_dma source(%dma_start3A_83 : memref<40xi32, #tpu.memory_space<hbm>>) target(%dma_start3A_82 : memref<40xi32, #tpu.memory_space<vmem>>) target_semaphore(%arg23 : memref<!tpu.dma_semaphore, #tpu.memory_space<semaphore_mem>>)
    %add3A_84 = arith.constant 80 : i32
    %add3A_85 = arith.addi %mul3A_31, %add3A_84 : i32
    %dma_start3A_86 = arith.constant 0 : i32
    %dma_start3A_87 = tpu.memref_slice %arg14[%dma_start3A_86] : memref<80xi32, #tpu.memory_space<vmem>> -> memref<40xi32, #tpu.memory_space<vmem>>
    %dma_start3A_88 = tpu.memref_slice %arg3[%add3A_85] : memref<640000xi32, #tpu.memory_space<hbm>> -> memref<40xi32, #tpu.memory_space<hbm>>
    %dma_start3A_89 = arith.constant 0 : i32
    %dma_start3A_90 = tpu.memref_slice %arg14[%dma_start3A_89] : memref<80xi32, #tpu.memory_space<vmem>> -> memref<40xi32, #tpu.memory_space<vmem>>
    %dma_start3A_91 = tpu.memref_slice %arg3[%add3A_85] : memref<640000xi32, #tpu.memory_space<hbm>> -> memref<40xi32, #tpu.memory_space<hbm>>
    tpu.enqueue_dma source(%dma_start3A_91 : memref<40xi32, #tpu.memory_space<hbm>>) target(%dma_start3A_90 : memref<40xi32, #tpu.memory_space<vmem>>) target_semaphore(%arg24 : memref<!tpu.dma_semaphore, #tpu.memory_space<semaphore_mem>>)
    %add3A_92 = arith.constant 320000 : i32
    %add3A_93 = arith.addi %add3A_92, %mul3A_31 : i32
    %add3A_94 = arith.constant 80 : i32
    %add3A_95 = arith.addi %add3A_93, %add3A_94 : i32
    %dma_start3A_96 = arith.constant 40 : i32
    %dma_start3A_97 = tpu.memref_slice %arg14[%dma_start3A_96] : memref<80xi32, #tpu.memory_space<vmem>> -> memref<40xi32, #tpu.memory_space<vmem>>
    %dma_start3A_98 = tpu.memref_slice %arg3[%add3A_95] : memref<640000xi32, #tpu.memory_space<hbm>> -> memref<40xi32, #tpu.memory_space<hbm>>
    %dma_start3A_99 = arith.constant 40 : i32
    %dma_start3A_100 = tpu.memref_slice %arg14[%dma_start3A_99] : memref<80xi32, #tpu.memory_space<vmem>> -> memref<40xi32, #tpu.memory_space<vmem>>
    %dma_start3A_101 = tpu.memref_slice %arg3[%add3A_95] : memref<640000xi32, #tpu.memory_space<hbm>> -> memref<40xi32, #tpu.memory_space<hbm>>
    tpu.enqueue_dma source(%dma_start3A_101 : memref<40xi32, #tpu.memory_space<hbm>>) target(%dma_start3A_100 : memref<40xi32, #tpu.memory_space<vmem>>) target_semaphore(%arg24 : memref<!tpu.dma_semaphore, #tpu.memory_space<semaphore_mem>>)
    %add3A_102 = arith.constant 120 : i32
    %add3A_103 = arith.addi %mul3A_31, %add3A_102 : i32
    %dma_start3A_104 = arith.constant 0 : i32
    %dma_start3A_105 = tpu.memref_slice %arg15[%dma_start3A_104] : memref<80xi32, #tpu.memory_space<vmem>> -> memref<40xi32, #tpu.memory_space<vmem>>
    %dma_start3A_106 = tpu.memref_slice %arg3[%add3A_103] : memref<640000xi32, #tpu.memory_space<hbm>> -> memref<40xi32, #tpu.memory_space<hbm>>
    %dma_start3A_107 = arith.constant 0 : i32
    %dma_start3A_108 = tpu.memref_slice %arg15[%dma_start3A_107] : memref<80xi32, #tpu.memory_space<vmem>> -> memref<40xi32, #tpu.memory_space<vmem>>
    %dma_start3A_109 = tpu.memref_slice %arg3[%add3A_103] : memref<640000xi32, #tpu.memory_space<hbm>> -> memref<40xi32, #tpu.memory_space<hbm>>
    tpu.enqueue_dma source(%dma_start3A_109 : memref<40xi32, #tpu.memory_space<hbm>>) target(%dma_start3A_108 : memref<40xi32, #tpu.memory_space<vmem>>) target_semaphore(%arg25 : memref<!tpu.dma_semaphore, #tpu.memory_space<semaphore_mem>>)
    %add3A_110 = arith.constant 320000 : i32
    %add3A_111 = arith.addi %add3A_110, %mul3A_31 : i32
    %add3A_112 = arith.constant 120 : i32
    %add3A_113 = arith.addi %add3A_111, %add3A_112 : i32
    %dma_start3A_114 = arith.constant 40 : i32
    %dma_start3A_115 = tpu.memref_slice %arg15[%dma_start3A_114] : memref<80xi32, #tpu.memory_space<vmem>> -> memref<40xi32, #tpu.memory_space<vmem>>
    %dma_start3A_116 = tpu.memref_slice %arg3[%add3A_113] : memref<640000xi32, #tpu.memory_space<hbm>> -> memref<40xi32, #tpu.memory_space<hbm>>
    %dma_start3A_117 = arith.constant 40 : i32
    %dma_start3A_118 = tpu.memref_slice %arg15[%dma_start3A_117] : memref<80xi32, #tpu.memory_space<vmem>> -> memref<40xi32, #tpu.memory_space<vmem>>
    %dma_start3A_119 = tpu.memref_slice %arg3[%add3A_113] : memref<640000xi32, #tpu.memory_space<hbm>> -> memref<40xi32, #tpu.memory_space<hbm>>
    tpu.enqueue_dma source(%dma_start3A_119 : memref<40xi32, #tpu.memory_space<hbm>>) target(%dma_start3A_118 : memref<40xi32, #tpu.memory_space<vmem>>) target_semaphore(%arg25 : memref<!tpu.dma_semaphore, #tpu.memory_space<semaphore_mem>>)
    %add3A_120 = arith.constant 160 : i32
    %add3A_121 = arith.addi %mul3A_31, %add3A_120 : i32
    %dma_start3A_122 = arith.constant 0 : i32
    %dma_start3A_123 = tpu.memref_slice %arg16[%dma_start3A_122] : memref<80xi32, #tpu.memory_space<vmem>> -> memref<40xi32, #tpu.memory_space<vmem>>
    %dma_start3A_124 = tpu.memref_slice %arg3[%add3A_121] : memref<640000xi32, #tpu.memory_space<hbm>> -> memref<40xi32, #tpu.memory_space<hbm>>
    %dma_start3A_125 = arith.constant 0 : i32
    %dma_start3A_126 = tpu.memref_slice %arg16[%dma_start3A_125] : memref<80xi32, #tpu.memory_space<vmem>> -> memref<40xi32, #tpu.memory_space<vmem>>
    %dma_start3A_127 = tpu.memref_slice %arg3[%add3A_121] : memref<640000xi32, #tpu.memory_space<hbm>> -> memref<40xi32, #tpu.memory_space<hbm>>
    tpu.enqueue_dma source(%dma_start3A_127 : memref<40xi32, #tpu.memory_space<hbm>>) target(%dma_start3A_126 : memref<40xi32, #tpu.memory_space<vmem>>) target_semaphore(%arg26 : memref<!tpu.dma_semaphore, #tpu.memory_space<semaphore_mem>>)
    %add3A_128 = arith.constant 320000 : i32
    %add3A_129 = arith.addi %add3A_128, %mul3A_31 : i32
    %add3A_130 = arith.constant 160 : i32
    %add3A_131 = arith.addi %add3A_129, %add3A_130 : i32
    %dma_start3A_132 = arith.constant 40 : i32
    %dma_start3A_133 = tpu.memref_slice %arg16[%dma_start3A_132] : memref<80xi32, #tpu.memory_space<vmem>> -> memref<40xi32, #tpu.memory_space<vmem>>
    %dma_start3A_134 = tpu.memref_slice %arg3[%add3A_131] : memref<640000xi32, #tpu.memory_space<hbm>> -> memref<40xi32, #tpu.memory_space<hbm>>
    %dma_start3A_135 = arith.constant 40 : i32
    %dma_start3A_136 = tpu.memref_slice %arg16[%dma_start3A_135] : memref<80xi32, #tpu.memory_space<vmem>> -> memref<40xi32, #tpu.memory_space<vmem>>
    %dma_start3A_137 = tpu.memref_slice %arg3[%add3A_131] : memref<640000xi32, #tpu.memory_space<hbm>> -> memref<40xi32, #tpu.memory_space<hbm>>
    tpu.enqueue_dma source(%dma_start3A_137 : memref<40xi32, #tpu.memory_space<hbm>>) target(%dma_start3A_136 : memref<40xi32, #tpu.memory_space<vmem>>) target_semaphore(%arg26 : memref<!tpu.dma_semaphore, #tpu.memory_space<semaphore_mem>>)
    %add3A_138 = arith.constant 200 : i32
    %add3A_139 = arith.addi %mul3A_31, %add3A_138 : i32
    %dma_start3A_140 = arith.constant 0 : i32
    %dma_start3A_141 = tpu.memref_slice %arg17[%dma_start3A_140] : memref<80xi32, #tpu.memory_space<vmem>> -> memref<40xi32, #tpu.memory_space<vmem>>
    %dma_start3A_142 = tpu.memref_slice %arg3[%add3A_139] : memref<640000xi32, #tpu.memory_space<hbm>> -> memref<40xi32, #tpu.memory_space<hbm>>
    %dma_start3A_143 = arith.constant 0 : i32
    %dma_start3A_144 = tpu.memref_slice %arg17[%dma_start3A_143] : memref<80xi32, #tpu.memory_space<vmem>> -> memref<40xi32, #tpu.memory_space<vmem>>
    %dma_start3A_145 = tpu.memref_slice %arg3[%add3A_139] : memref<640000xi32, #tpu.memory_space<hbm>> -> memref<40xi32, #tpu.memory_space<hbm>>
    tpu.enqueue_dma source(%dma_start3A_145 : memref<40xi32, #tpu.memory_space<hbm>>) target(%dma_start3A_144 : memref<40xi32, #tpu.memory_space<vmem>>) target_semaphore(%arg27 : memref<!tpu.dma_semaphore, #tpu.memory_space<semaphore_mem>>)
    %add3A_146 = arith.constant 320000 : i32
    %add3A_147 = arith.addi %add3A_146, %mul3A_31 : i32
    %add3A_148 = arith.constant 200 : i32
    %add3A_149 = arith.addi %add3A_147, %add3A_148 : i32
    %dma_start3A_150 = arith.constant 40 : i32
    %dma_start3A_151 = tpu.memref_slice %arg17[%dma_start3A_150] : memref<80xi32, #tpu.memory_space<vmem>> -> memref<40xi32, #tpu.memory_space<vmem>>
    %dma_start3A_152 = tpu.memref_slice %arg3[%add3A_149] : memref<640000xi32, #tpu.memory_space<hbm>> -> memref<40xi32, #tpu.memory_space<hbm>>
    %dma_start3A_153 = arith.constant 40 : i32
    %dma_start3A_154 = tpu.memref_slice %arg17[%dma_start3A_153] : memref<80xi32, #tpu.memory_space<vmem>> -> memref<40xi32, #tpu.memory_space<vmem>>
    %dma_start3A_155 = tpu.memref_slice %arg3[%add3A_149] : memref<640000xi32, #tpu.memory_space<hbm>> -> memref<40xi32, #tpu.memory_space<hbm>>
    tpu.enqueue_dma source(%dma_start3A_155 : memref<40xi32, #tpu.memory_space<hbm>>) target(%dma_start3A_154 : memref<40xi32, #tpu.memory_space<vmem>>) target_semaphore(%arg27 : memref<!tpu.dma_semaphore, #tpu.memory_space<semaphore_mem>>)
    %dma_wait3A_156 = arith.constant 0 : i32
    %dma_wait3A_157 = tpu.memref_slice %arg12[%dma_wait3A_156] : memref<80xi32, #tpu.memory_space<vmem>> -> memref<40xi32, #tpu.memory_space<vmem>>
    %dma_wait3A_158 = tpu.memref_slice %arg3[%mul3A_31] : memref<640000xi32, #tpu.memory_space<hbm>> -> memref<40xi32, #tpu.memory_space<hbm>>
    %dma_wait3A_159 = arith.constant 0 : i32
    %dma_wait3A_160 = tpu.memref_slice %arg12[%dma_wait3A_159] : memref<80xi32, #tpu.memory_space<vmem>> -> memref<40xi32, #tpu.memory_space<vmem>>
    %dma_wait3A_161 = tpu.memref_slice %arg3[%mul3A_31] : memref<640000xi32, #tpu.memory_space<hbm>> -> memref<40xi32, #tpu.memory_space<hbm>>
    tpu.wait_dma2 semaphore(%arg22 : memref<!tpu.dma_semaphore, #tpu.memory_space<semaphore_mem>>) src(%dma_wait3A_161 : memref<40xi32, #tpu.memory_space<hbm>>) dst(%dma_wait3A_160 : memref<40xi32, #tpu.memory_space<vmem>>)
    %dma_wait3A_162 = arith.constant 40 : i32
    %dma_wait3A_163 = tpu.memref_slice %arg12[%dma_wait3A_162] : memref<80xi32, #tpu.memory_space<vmem>> -> memref<40xi32, #tpu.memory_space<vmem>>
    %dma_wait3A_164 = tpu.memref_slice %arg3[%mul3A_31] : memref<640000xi32, #tpu.memory_space<hbm>> -> memref<40xi32, #tpu.memory_space<hbm>>
    %dma_wait3A_165 = arith.constant 40 : i32
    %dma_wait3A_166 = tpu.memref_slice %arg12[%dma_wait3A_165] : memref<80xi32, #tpu.memory_space<vmem>> -> memref<40xi32, #tpu.memory_space<vmem>>
    %dma_wait3A_167 = tpu.memref_slice %arg3[%mul3A_31] : memref<640000xi32, #tpu.memory_space<hbm>> -> memref<40xi32, #tpu.memory_space<hbm>>
    tpu.wait_dma2 semaphore(%arg22 : memref<!tpu.dma_semaphore, #tpu.memory_space<semaphore_mem>>) src(%dma_wait3A_167 : memref<40xi32, #tpu.memory_space<hbm>>) dst(%dma_wait3A_166 : memref<40xi32, #tpu.memory_space<vmem>>)
    %dma_start3A_168 = arith.constant 0 : i32
    %dma_start3A_169 = arith.constant 0 : i32
    %dma_start3A_170 = arith.constant 0 : i32
    %dma_start3A_171 = tpu.memref_slice %arg9[%dma_start3A_168, %dma_start3A_169, %dma_start3A_170] : memref<5x40x128xf32, #tpu.memory_space<vmem>> -> memref<1x40x128xf32, #tpu.memory_space<vmem>>
    %dma_start3A_172 = tpu.memref_squeeze %dma_start3A_171 : memref<1x40x128xf32, #tpu.memory_space<vmem>> -> memref<40x128xf32, #tpu.memory_space<vmem>>
    %dma_start3A_173 = arith.constant 0 : i32
    %dma_start3A_174 = tpu.memref_slice %arg12[%dma_start3A_173] : memref<80xi32, #tpu.memory_space<vmem>> -> memref<40xi32, #tpu.memory_space<vmem>>
    %dma_start3A_175 = arith.constant 0 : i32
    %dma_start3A_176 = arith.constant 0 : i32
    %dma_start3A_177 = tpu.memref_slice %arg2[%dma_start3A_175, %dma_start3A_176] : memref<10000x128xf32, #tpu.memory_space<hbm>> -> memref<10000x128xf32, #tpu.memory_space<hbm>>
    tpu.enqueue_indirect_dma source(%dma_start3A_177 : memref<10000x128xf32, #tpu.memory_space<hbm>>) target(%dma_start3A_172 : memref<40x128xf32, #tpu.memory_space<vmem>>) offsets(%dma_start3A_174 : memref<40xi32, #tpu.memory_space<vmem>>) semaphore(%arg32 : memref<!tpu.dma_semaphore, #tpu.memory_space<semaphore_mem>>)
    %dma_wait3A_178 = arith.constant 0 : i32
    %dma_wait3A_179 = tpu.memref_slice %arg13[%dma_wait3A_178] : memref<80xi32, #tpu.memory_space<vmem>> -> memref<40xi32, #tpu.memory_space<vmem>>
    %dma_wait3A_180 = tpu.memref_slice %arg3[%mul3A_31] : memref<640000xi32, #tpu.memory_space<hbm>> -> memref<40xi32, #tpu.memory_space<hbm>>
    %dma_wait3A_181 = arith.constant 0 : i32
    %dma_wait3A_182 = tpu.memref_slice %arg13[%dma_wait3A_181] : memref<80xi32, #tpu.memory_space<vmem>> -> memref<40xi32, #tpu.memory_space<vmem>>
    %dma_wait3A_183 = tpu.memref_slice %arg3[%mul3A_31] : memref<640000xi32, #tpu.memory_space<hbm>> -> memref<40xi32, #tpu.memory_space<hbm>>
    tpu.wait_dma2 semaphore(%arg23 : memref<!tpu.dma_semaphore, #tpu.memory_space<semaphore_mem>>) src(%dma_wait3A_183 : memref<40xi32, #tpu.memory_space<hbm>>) dst(%dma_wait3A_182 : memref<40xi32, #tpu.memory_space<vmem>>)
    %dma_wait3A_184 = arith.constant 40 : i32
    %dma_wait3A_185 = tpu.memref_slice %arg13[%dma_wait3A_184] : memref<80xi32, #tpu.memory_space<vmem>> -> memref<40xi32, #tpu.memory_space<vmem>>
    %dma_wait3A_186 = tpu.memref_slice %arg3[%mul3A_31] : memref<640000xi32, #tpu.memory_space<hbm>> -> memref<40xi32, #tpu.memory_space<hbm>>
    %dma_wait3A_187 = arith.constant 40 : i32
    %dma_wait3A_188 = tpu.memref_slice %arg13[%dma_wait3A_187] : memref<80xi32, #tpu.memory_space<vmem>> -> memref<40xi32, #tpu.memory_space<vmem>>
    %dma_wait3A_189 = tpu.memref_slice %arg3[%mul3A_31] : memref<640000xi32, #tpu.memory_space<hbm>> -> memref<40xi32, #tpu.memory_space<hbm>>
    tpu.wait_dma2 semaphore(%arg23 : memref<!tpu.dma_semaphore, #tpu.memory_space<semaphore_mem>>) src(%dma_wait3A_189 : memref<40xi32, #tpu.memory_space<hbm>>) dst(%dma_wait3A_188 : memref<40xi32, #tpu.memory_space<vmem>>)
    %dma_start3A_190 = arith.constant 1 : i32
    %dma_start3A_191 = arith.constant 0 : i32
    %dma_start3A_192 = arith.constant 0 : i32
    %dma_start3A_193 = tpu.memref_slice %arg9[%dma_start3A_190, %dma_start3A_191, %dma_start3A_192] : memref<5x40x128xf32, #tpu.memory_space<vmem>> -> memref<1x40x128xf32, #tpu.memory_space<vmem>>
    %dma_start3A_194 = tpu.memref_squeeze %dma_start3A_193 : memref<1x40x128xf32, #tpu.memory_space<vmem>> -> memref<40x128xf32, #tpu.memory_space<vmem>>
    %dma_start3A_195 = arith.constant 0 : i32
    %dma_start3A_196 = tpu.memref_slice %arg13[%dma_start3A_195] : memref<80xi32, #tpu.memory_space<vmem>> -> memref<40xi32, #tpu.memory_space<vmem>>
    %dma_start3A_197 = arith.constant 0 : i32
    %dma_start3A_198 = arith.constant 0 : i32
    %dma_start3A_199 = tpu.memref_slice %arg2[%dma_start3A_197, %dma_start3A_198] : memref<10000x128xf32, #tpu.memory_space<hbm>> -> memref<10000x128xf32, #tpu.memory_space<hbm>>
    tpu.enqueue_indirect_dma source(%dma_start3A_199 : memref<10000x128xf32, #tpu.memory_space<hbm>>) target(%dma_start3A_194 : memref<40x128xf32, #tpu.memory_space<vmem>>) offsets(%dma_start3A_196 : memref<40xi32, #tpu.memory_space<vmem>>) semaphore(%arg33 : memref<!tpu.dma_semaphore, #tpu.memory_space<semaphore_mem>>)
    %dma_wait3A_200 = arith.constant 0 : i32
    %dma_wait3A_201 = tpu.memref_slice %arg14[%dma_wait3A_200] : memref<80xi32, #tpu.memory_space<vmem>> -> memref<40xi32, #tpu.memory_space<vmem>>
    %dma_wait3A_202 = tpu.memref_slice %arg3[%mul3A_31] : memref<640000xi32, #tpu.memory_space<hbm>> -> memref<40xi32, #tpu.memory_space<hbm>>
    %dma_wait3A_203 = arith.constant 0 : i32
    %dma_wait3A_204 = tpu.memref_slice %arg14[%dma_wait3A_203] : memref<80xi32, #tpu.memory_space<vmem>> -> memref<40xi32, #tpu.memory_space<vmem>>
    %dma_wait3A_205 = tpu.memref_slice %arg3[%mul3A_31] : memref<640000xi32, #tpu.memory_space<hbm>> -> memref<40xi32, #tpu.memory_space<hbm>>
    tpu.wait_dma2 semaphore(%arg24 : memref<!tpu.dma_semaphore, #tpu.memory_space<semaphore_mem>>) src(%dma_wait3A_205 : memref<40xi32, #tpu.memory_space<hbm>>) dst(%dma_wait3A_204 : memref<40xi32, #tpu.memory_space<vmem>>)
    %dma_wait3A_206 = arith.constant 40 : i32
    %dma_wait3A_207 = tpu.memref_slice %arg14[%dma_wait3A_206] : memref<80xi32, #tpu.memory_space<vmem>> -> memref<40xi32, #tpu.memory_space<vmem>>
    %dma_wait3A_208 = tpu.memref_slice %arg3[%mul3A_31] : memref<640000xi32, #tpu.memory_space<hbm>> -> memref<40xi32, #tpu.memory_space<hbm>>
    %dma_wait3A_209 = arith.constant 40 : i32
    %dma_wait3A_210 = tpu.memref_slice %arg14[%dma_wait3A_209] : memref<80xi32, #tpu.memory_space<vmem>> -> memref<40xi32, #tpu.memory_space<vmem>>
    %dma_wait3A_211 = tpu.memref_slice %arg3[%mul3A_31] : memref<640000xi32, #tpu.memory_space<hbm>> -> memref<40xi32, #tpu.memory_space<hbm>>
    tpu.wait_dma2 semaphore(%arg24 : memref<!tpu.dma_semaphore, #tpu.memory_space<semaphore_mem>>) src(%dma_wait3A_211 : memref<40xi32, #tpu.memory_space<hbm>>) dst(%dma_wait3A_210 : memref<40xi32, #tpu.memory_space<vmem>>)
    %dma_start3A_212 = arith.constant 2 : i32
    %dma_start3A_213 = arith.constant 0 : i32
    %dma_start3A_214 = arith.constant 0 : i32
    %dma_start3A_215 = tpu.memref_slice %arg9[%dma_start3A_212, %dma_start3A_213, %dma_start3A_214] : memref<5x40x128xf32, #tpu.memory_space<vmem>> -> memref<1x40x128xf32, #tpu.memory_space<vmem>>
    %dma_start3A_216 = tpu.memref_squeeze %dma_start3A_215 : memref<1x40x128xf32, #tpu.memory_space<vmem>> -> memref<40x128xf32, #tpu.memory_space<vmem>>
    %dma_start3A_217 = arith.constant 0 : i32
    %dma_start3A_218 = tpu.memref_slice %arg14[%dma_start3A_217] : memref<80xi32, #tpu.memory_space<vmem>> -> memref<40xi32, #tpu.memory_space<vmem>>
    %dma_start3A_219 = arith.constant 0 : i32
    %dma_start3A_220 = arith.constant 0 : i32
    %dma_start3A_221 = tpu.memref_slice %arg2[%dma_start3A_219, %dma_start3A_220] : memref<10000x128xf32, #tpu.memory_space<hbm>> -> memref<10000x128xf32, #tpu.memory_space<hbm>>
    tpu.enqueue_indirect_dma source(%dma_start3A_221 : memref<10000x128xf32, #tpu.memory_space<hbm>>) target(%dma_start3A_216 : memref<40x128xf32, #tpu.memory_space<vmem>>) offsets(%dma_start3A_218 : memref<40xi32, #tpu.memory_space<vmem>>) semaphore(%arg34 : memref<!tpu.dma_semaphore, #tpu.memory_space<semaphore_mem>>)
    %scan3A_222 = arith.constant 0 : i32
    %scan3A_223 = arith.constant 0 : i32
    %scan3A_224 = arith.constant 25 : i32
    %scan3A_225 = arith.addi %scan3A_223, %scan3A_224 : i32
    %scan3A_226 = arith.constant 1 : i32
    %scan3A_227 = scf.for %scan3A_261 = %scan3A_223 to %scan3A_225 step %scan3A_226 iter_args(%scan3A_262 = %scan3A_222) -> (i32)  : i32 {
      %mul3A_263 = arith.constant 2 : i32
      %mul3A_264 = arith.muli %scan3A_261, %mul3A_263 : i32
      %mul3A_265 = arith.constant 5 : i32
      %mul3A_266 = arith.muli %mul3A_264, %mul3A_265 : i32
      %add3A_267 = arith.constant 0 : i32
      %add3A_268 = arith.addi %mul3A_266, %add3A_267 : i32
      %add3A_269 = arith.constant 6 : i32
      %add3A_270 = arith.addi %add3A_268, %add3A_269 : i32
      %lt3A = arith.constant 250 : i32
      %lt3A_271 = arith.cmpi slt, %add3A_270, %lt3A : i32
      %convert_element_type3A = arith.extui %lt3A_271 : i1 to i32
      %cond3A = arith.constant 0 : i32
      %cond3A_272 = arith.cmpi ne, %convert_element_type3A, %cond3A : i32
      scf.if %cond3A_272 {
        %add3A_750 = arith.constant 6 : i32
        %add3A_751 = arith.addi %add3A_268, %add3A_750 : i32
        %mul3A_752 = arith.constant 40 : i32
        %mul3A_753 = arith.muli %add3A_751, %mul3A_752 : i32
        %add3A_754 = arith.addi %mul3A_31, %mul3A_753 : i32
        %dma_start3A_755 = arith.constant 0 : i32
        %dma_start3A_756 = tpu.memref_slice %arg18[%dma_start3A_755] : memref<80xi32, #tpu.memory_space<vmem>> -> memref<40xi32, #tpu.memory_space<vmem>>
        %dma_start3A_757 = tpu.memref_slice %arg3[%add3A_754] : memref<640000xi32, #tpu.memory_space<hbm>> -> memref<40xi32, #tpu.memory_space<hbm>>
        %dma_start3A_758 = arith.constant 0 : i32
        %dma_start3A_759 = tpu.memref_slice %arg18[%dma_start3A_758] : memref<80xi32, #tpu.memory_space<vmem>> -> memref<40xi32, #tpu.memory_space<vmem>>
        %dma_start3A_760 = tpu.memref_slice %arg3[%add3A_754] : memref<640000xi32, #tpu.memory_space<hbm>> -> memref<40xi32, #tpu.memory_space<hbm>>
        tpu.enqueue_dma source(%dma_start3A_760 : memref<40xi32, #tpu.memory_space<hbm>>) target(%dma_start3A_759 : memref<40xi32, #tpu.memory_space<vmem>>) target_semaphore(%arg28 : memref<!tpu.dma_semaphore, #tpu.memory_space<semaphore_mem>>)
        %add3A_761 = arith.constant 320000 : i32
        %add3A_762 = arith.addi %add3A_761, %mul3A_31 : i32
        %mul3A_763 = arith.constant 40 : i32
        %mul3A_764 = arith.muli %add3A_751, %mul3A_763 : i32
        %add3A_765 = arith.addi %add3A_762, %mul3A_764 : i32
        %dma_start3A_766 = arith.constant 40 : i32
        %dma_start3A_767 = tpu.memref_slice %arg18[%dma_start3A_766] : memref<80xi32, #tpu.memory_space<vmem>> -> memref<40xi32, #tpu.memory_space<vmem>>
        %dma_start3A_768 = tpu.memref_slice %arg3[%add3A_765] : memref<640000xi32, #tpu.memory_space<hbm>> -> memref<40xi32, #tpu.memory_space<hbm>>
        %dma_start3A_769 = arith.constant 40 : i32
        %dma_start3A_770 = tpu.memref_slice %arg18[%dma_start3A_769] : memref<80xi32, #tpu.memory_space<vmem>> -> memref<40xi32, #tpu.memory_space<vmem>>
        %dma_start3A_771 = tpu.memref_slice %arg3[%add3A_765] : memref<640000xi32, #tpu.memory_space<hbm>> -> memref<40xi32, #tpu.memory_space<hbm>>
        tpu.enqueue_dma source(%dma_start3A_771 : memref<40xi32, #tpu.memory_space<hbm>>) target(%dma_start3A_770 : memref<40xi32, #tpu.memory_space<vmem>>) target_semaphore(%arg28 : memref<!tpu.dma_semaphore, #tpu.memory_space<semaphore_mem>>)
      } else {
      }
      %ge3A = arith.constant 2 : i32
      %ge3A_273 = arith.cmpi sge, %add3A_268, %ge3A : i32
      %convert_element_type3A_274 = arith.extui %ge3A_273 : i1 to i32
      %cond3A_275 = arith.constant 0 : i32
      %cond3A_276 = arith.cmpi ne, %convert_element_type3A_274, %cond3A_275 : i32
      scf.if %cond3A_276 {
        %dma_wait3A_750 = arith.constant 3 : i32
        %dma_wait3A_751 = arith.constant 0 : i32
        %dma_wait3A_752 = arith.constant 0 : i32
        %dma_wait3A_753 = tpu.memref_slice %arg9[%dma_wait3A_750, %dma_wait3A_751, %dma_wait3A_752] : memref<5x40x128xf32, #tpu.memory_space<vmem>> -> memref<1x40x128xf32, #tpu.memory_space<vmem>>
        %dma_wait3A_754 = tpu.memref_squeeze %dma_wait3A_753 : memref<1x40x128xf32, #tpu.memory_space<vmem>> -> memref<40x128xf32, #tpu.memory_space<vmem>>
        %dma_wait3A_755 = arith.constant 40 : i32
        %dma_wait3A_756 = tpu.memref_slice %arg20[%dma_wait3A_755] : memref<80xi32, #tpu.memory_space<vmem>> -> memref<40xi32, #tpu.memory_space<vmem>>
        %dma_wait3A_757 = arith.constant 0 : i32
        %dma_wait3A_758 = arith.constant 0 : i32
        %dma_wait3A_759 = tpu.memref_slice %arg10[%dma_wait3A_757, %dma_wait3A_758] : memref<10240x128xf32, #tpu.memory_space<vmem_shared>> -> memref<10240x128xf32, #tpu.memory_space<vmem_shared>>
        tpu.wait_indirect_dma semaphore(%arg40 : memref<!tpu.dma_semaphore, #tpu.memory_space<semaphore_mem>>) src(%dma_wait3A_754 : memref<40x128xf32, #tpu.memory_space<vmem>>) dst(%dma_wait3A_759 : memref<10240x128xf32, #tpu.memory_space<vmem_shared>>)
        %dma_wait3A_760 = arith.constant 40 : i32
        %dma_wait3A_761 = tpu.memref_slice %arg20[%dma_wait3A_760] : memref<80xi32, #tpu.memory_space<vmem>> -> memref<40xi32, #tpu.memory_space<vmem>>
        %dma_wait3A_762 = arith.constant 0 : i32
        %dma_wait3A_763 = tpu.memref_slice %arg11[%dma_wait3A_762] : memref<10240xf32, #tpu.memory_space<vmem_shared>> -> memref<10240xf32, #tpu.memory_space<vmem_shared>>
        tpu.wait_indirect_dma semaphore(%arg40 : memref<!tpu.dma_semaphore, #tpu.memory_space<semaphore_mem>>) src(%arg8 : memref<40xf32, #tpu.memory_space<vmem>>) dst(%dma_wait3A_763 : memref<10240xf32, #tpu.memory_space<vmem_shared>>)
      } else {
      }
      %add3A_277 = arith.constant 3 : i32
      %add3A_278 = arith.addi %add3A_268, %add3A_277 : i32
      %lt3A_279 = arith.constant 250 : i32
      %lt3A_280 = arith.cmpi slt, %add3A_278, %lt3A_279 : i32
      %convert_element_type3A_281 = arith.extui %lt3A_280 : i1 to i32
      %cond3A_282 = arith.constant 0 : i32
      %cond3A_283 = arith.cmpi ne, %convert_element_type3A_281, %cond3A_282 : i32
      scf.if %cond3A_283 {
        %dma_wait3A_750 = arith.constant 0 : i32
        %dma_wait3A_751 = tpu.memref_slice %arg15[%dma_wait3A_750] : memref<80xi32, #tpu.memory_space<vmem>> -> memref<40xi32, #tpu.memory_space<vmem>>
        %dma_wait3A_752 = tpu.memref_slice %arg3[%mul3A_31] : memref<640000xi32, #tpu.memory_space<hbm>> -> memref<40xi32, #tpu.memory_space<hbm>>
        %dma_wait3A_753 = arith.constant 0 : i32
        %dma_wait3A_754 = tpu.memref_slice %arg15[%dma_wait3A_753] : memref<80xi32, #tpu.memory_space<vmem>> -> memref<40xi32, #tpu.memory_space<vmem>>
        %dma_wait3A_755 = tpu.memref_slice %arg3[%mul3A_31] : memref<640000xi32, #tpu.memory_space<hbm>> -> memref<40xi32, #tpu.memory_space<hbm>>
        tpu.wait_dma2 semaphore(%arg25 : memref<!tpu.dma_semaphore, #tpu.memory_space<semaphore_mem>>) src(%dma_wait3A_755 : memref<40xi32, #tpu.memory_space<hbm>>) dst(%dma_wait3A_754 : memref<40xi32, #tpu.memory_space<vmem>>)
        %dma_wait3A_756 = arith.constant 40 : i32
        %dma_wait3A_757 = tpu.memref_slice %arg15[%dma_wait3A_756] : memref<80xi32, #tpu.memory_space<vmem>> -> memref<40xi32, #tpu.memory_space<vmem>>
        %dma_wait3A_758 = tpu.memref_slice %arg3[%mul3A_31] : memref<640000xi32, #tpu.memory_space<hbm>> -> memref<40xi32, #tpu.memory_space<hbm>>
        %dma_wait3A_759 = arith.constant 40 : i32
        %dma_wait3A_760 = tpu.memref_slice %arg15[%dma_wait3A_759] : memref<80xi32, #tpu.memory_space<vmem>> -> memref<40xi32, #tpu.memory_space<vmem>>
        %dma_wait3A_761 = tpu.memref_slice %arg3[%mul3A_31] : memref<640000xi32, #tpu.memory_space<hbm>> -> memref<40xi32, #tpu.memory_space<hbm>>
        tpu.wait_dma2 semaphore(%arg25 : memref<!tpu.dma_semaphore, #tpu.memory_space<semaphore_mem>>) src(%dma_wait3A_761 : memref<40xi32, #tpu.memory_space<hbm>>) dst(%dma_wait3A_760 : memref<40xi32, #tpu.memory_space<vmem>>)
        %dma_start3A_762 = arith.constant 3 : i32
        %dma_start3A_763 = arith.constant 0 : i32
        %dma_start3A_764 = arith.constant 0 : i32
        %dma_start3A_765 = tpu.memref_slice %arg9[%dma_start3A_762, %dma_start3A_763, %dma_start3A_764] : memref<5x40x128xf32, #tpu.memory_space<vmem>> -> memref<1x40x128xf32, #tpu.memory_space<vmem>>
        %dma_start3A_766 = tpu.memref_squeeze %dma_start3A_765 : memref<1x40x128xf32, #tpu.memory_space<vmem>> -> memref<40x128xf32, #tpu.memory_space<vmem>>
        %dma_start3A_767 = arith.constant 0 : i32
        %dma_start3A_768 = tpu.memref_slice %arg15[%dma_start3A_767] : memref<80xi32, #tpu.memory_space<vmem>> -> memref<40xi32, #tpu.memory_space<vmem>>
        %dma_start3A_769 = arith.constant 0 : i32
        %dma_start3A_770 = arith.constant 0 : i32
        %dma_start3A_771 = tpu.memref_slice %arg2[%dma_start3A_769, %dma_start3A_770] : memref<10000x128xf32, #tpu.memory_space<hbm>> -> memref<10000x128xf32, #tpu.memory_space<hbm>>
        tpu.enqueue_indirect_dma source(%dma_start3A_771 : memref<10000x128xf32, #tpu.memory_space<hbm>>) target(%dma_start3A_766 : memref<40x128xf32, #tpu.memory_space<vmem>>) offsets(%dma_start3A_768 : memref<40xi32, #tpu.memory_space<vmem>>) semaphore(%arg35 : memref<!tpu.dma_semaphore, #tpu.memory_space<semaphore_mem>>)
      } else {
      }
      %dma_wait3A_284 = arith.constant 0 : i32
      %dma_wait3A_285 = arith.constant 0 : i32
      %dma_wait3A_286 = arith.constant 0 : i32
      %dma_wait3A_287 = tpu.memref_slice %arg9[%dma_wait3A_284, %dma_wait3A_285, %dma_wait3A_286] : memref<5x40x128xf32, #tpu.memory_space<vmem>> -> memref<1x40x128xf32, #tpu.memory_space<vmem>>
      %dma_wait3A_288 = tpu.memref_squeeze %dma_wait3A_287 : memref<1x40x128xf32, #tpu.memory_space<vmem>> -> memref<40x128xf32, #tpu.memory_space<vmem>>
      %dma_wait3A_289 = arith.constant 0 : i32
      %dma_wait3A_290 = tpu.memref_slice %arg12[%dma_wait3A_289] : memref<80xi32, #tpu.memory_space<vmem>> -> memref<40xi32, #tpu.memory_space<vmem>>
      %dma_wait3A_291 = arith.constant 0 : i32
      %dma_wait3A_292 = arith.constant 0 : i32
      %dma_wait3A_293 = tpu.memref_slice %arg2[%dma_wait3A_291, %dma_wait3A_292] : memref<10000x128xf32, #tpu.memory_space<hbm>> -> memref<10000x128xf32, #tpu.memory_space<hbm>>
      tpu.wait_indirect_dma semaphore(%arg32 : memref<!tpu.dma_semaphore, #tpu.memory_space<semaphore_mem>>) src(%dma_wait3A_293 : memref<10000x128xf32, #tpu.memory_space<hbm>>) dst(%dma_wait3A_288 : memref<40x128xf32, #tpu.memory_space<vmem>>)
      %dma_start3A_294 = arith.constant 0 : i32
      %dma_start3A_295 = arith.constant 0 : i32
      %dma_start3A_296 = arith.constant 0 : i32
      %dma_start3A_297 = tpu.memref_slice %arg9[%dma_start3A_294, %dma_start3A_295, %dma_start3A_296] : memref<5x40x128xf32, #tpu.memory_space<vmem>> -> memref<1x40x128xf32, #tpu.memory_space<vmem>>
      %dma_start3A_298 = tpu.memref_squeeze %dma_start3A_297 : memref<1x40x128xf32, #tpu.memory_space<vmem>> -> memref<40x128xf32, #tpu.memory_space<vmem>>
      %dma_start3A_299 = arith.constant 40 : i32
      %dma_start3A_300 = tpu.memref_slice %arg12[%dma_start3A_299] : memref<80xi32, #tpu.memory_space<vmem>> -> memref<40xi32, #tpu.memory_space<vmem>>
      %dma_start3A_301 = arith.constant 0 : i32
      %dma_start3A_302 = arith.constant 0 : i32
      %dma_start3A_303 = tpu.memref_slice %arg10[%dma_start3A_301, %dma_start3A_302] : memref<10240x128xf32, #tpu.memory_space<vmem_shared>> -> memref<10240x128xf32, #tpu.memory_space<vmem_shared>>
      tpu.enqueue_indirect_dma source(%dma_start3A_298 : memref<40x128xf32, #tpu.memory_space<vmem>>) target(%dma_start3A_303 : memref<10240x128xf32, #tpu.memory_space<vmem_shared>>) offsets(%dma_start3A_300 : memref<40xi32, #tpu.memory_space<vmem>>) semaphore(%arg37 : memref<!tpu.dma_semaphore, #tpu.memory_space<semaphore_mem>>) {add = true}
      %dma_start3A_304 = arith.constant 40 : i32
      %dma_start3A_305 = tpu.memref_slice %arg12[%dma_start3A_304] : memref<80xi32, #tpu.memory_space<vmem>> -> memref<40xi32, #tpu.memory_space<vmem>>
      %dma_start3A_306 = arith.constant 0 : i32
      %dma_start3A_307 = tpu.memref_slice %arg11[%dma_start3A_306] : memref<10240xf32, #tpu.memory_space<vmem_shared>> -> memref<10240xf32, #tpu.memory_space<vmem_shared>>
      tpu.enqueue_indirect_dma source(%arg8 : memref<40xf32, #tpu.memory_space<vmem>>) target(%dma_start3A_307 : memref<10240xf32, #tpu.memory_space<vmem_shared>>) offsets(%dma_start3A_305 : memref<40xi32, #tpu.memory_space<vmem>>) semaphore(%arg37 : memref<!tpu.dma_semaphore, #tpu.memory_space<semaphore_mem>>) {add = true}
      %mul3A_308 = arith.constant 2 : i32
      %mul3A_309 = arith.muli %scan3A_261, %mul3A_308 : i32
      %mul3A_310 = arith.constant 5 : i32
      %mul3A_311 = arith.muli %mul3A_309, %mul3A_310 : i32
      %add3A_312 = arith.constant 1 : i32
      %add3A_313 = arith.addi %mul3A_311, %add3A_312 : i32
      %add3A_314 = arith.constant 6 : i32
      %add3A_315 = arith.addi %add3A_313, %add3A_314 : i32
      %lt3A_316 = arith.constant 250 : i32
      %lt3A_317 = arith.cmpi slt, %add3A_315, %lt3A_316 : i32
      %convert_element_type3A_318 = arith.extui %lt3A_317 : i1 to i32
      %cond3A_319 = arith.constant 0 : i32
      %cond3A_320 = arith.cmpi ne, %convert_element_type3A_318, %cond3A_319 : i32
      scf.if %cond3A_320 {
        %add3A_750 = arith.constant 6 : i32
        %add3A_751 = arith.addi %add3A_313, %add3A_750 : i32
        %mul3A_752 = arith.constant 40 : i32
        %mul3A_753 = arith.muli %add3A_751, %mul3A_752 : i32
        %add3A_754 = arith.addi %mul3A_31, %mul3A_753 : i32
        %dma_start3A_755 = arith.constant 0 : i32
        %dma_start3A_756 = tpu.memref_slice %arg19[%dma_start3A_755] : memref<80xi32, #tpu.memory_space<vmem>> -> memref<40xi32, #tpu.memory_space<vmem>>
        %dma_start3A_757 = tpu.memref_slice %arg3[%add3A_754] : memref<640000xi32, #tpu.memory_space<hbm>> -> memref<40xi32, #tpu.memory_space<hbm>>
        %dma_start3A_758 = arith.constant 0 : i32
        %dma_start3A_759 = tpu.memref_slice %arg19[%dma_start3A_758] : memref<80xi32, #tpu.memory_space<vmem>> -> memref<40xi32, #tpu.memory_space<vmem>>
        %dma_start3A_760 = tpu.memref_slice %arg3[%add3A_754] : memref<640000xi32, #tpu.memory_space<hbm>> -> memref<40xi32, #tpu.memory_space<hbm>>
        tpu.enqueue_dma source(%dma_start3A_760 : memref<40xi32, #tpu.memory_space<hbm>>) target(%dma_start3A_759 : memref<40xi32, #tpu.memory_space<vmem>>) target_semaphore(%arg29 : memref<!tpu.dma_semaphore, #tpu.memory_space<semaphore_mem>>)
        %add3A_761 = arith.constant 320000 : i32
        %add3A_762 = arith.addi %add3A_761, %mul3A_31 : i32
        %mul3A_763 = arith.constant 40 : i32
        %mul3A_764 = arith.muli %add3A_751, %mul3A_763 : i32
        %add3A_765 = arith.addi %add3A_762, %mul3A_764 : i32
        %dma_start3A_766 = arith.constant 40 : i32
        %dma_start3A_767 = tpu.memref_slice %arg19[%dma_start3A_766] : memref<80xi32, #tpu.memory_space<vmem>> -> memref<40xi32, #tpu.memory_space<vmem>>
        %dma_start3A_768 = tpu.memref_slice %arg3[%add3A_765] : memref<640000xi32, #tpu.memory_space<hbm>> -> memref<40xi32, #tpu.memory_space<hbm>>
        %dma_start3A_769 = arith.constant 40 : i32
        %dma_start3A_770 = tpu.memref_slice %arg19[%dma_start3A_769] : memref<80xi32, #tpu.memory_space<vmem>> -> memref<40xi32, #tpu.memory_space<vmem>>
        %dma_start3A_771 = tpu.memref_slice %arg3[%add3A_765] : memref<640000xi32, #tpu.memory_space<hbm>> -> memref<40xi32, #tpu.memory_space<hbm>>
        tpu.enqueue_dma source(%dma_start3A_771 : memref<40xi32, #tpu.memory_space<hbm>>) target(%dma_start3A_770 : memref<40xi32, #tpu.memory_space<vmem>>) target_semaphore(%arg29 : memref<!tpu.dma_semaphore, #tpu.memory_space<semaphore_mem>>)
      } else {
      }
      %ge3A_321 = arith.constant 2 : i32
      %ge3A_322 = arith.cmpi sge, %add3A_313, %ge3A_321 : i32
      %convert_element_type3A_323 = arith.extui %ge3A_322 : i1 to i32
      %cond3A_324 = arith.constant 0 : i32
      %cond3A_325 = arith.cmpi ne, %convert_element_type3A_323, %cond3A_324 : i32
      scf.if %cond3A_325 {
        %dma_wait3A_750 = arith.constant 4 : i32
        %dma_wait3A_751 = arith.constant 0 : i32
        %dma_wait3A_752 = arith.constant 0 : i32
        %dma_wait3A_753 = tpu.memref_slice %arg9[%dma_wait3A_750, %dma_wait3A_751, %dma_wait3A_752] : memref<5x40x128xf32, #tpu.memory_space<vmem>> -> memref<1x40x128xf32, #tpu.memory_space<vmem>>
        %dma_wait3A_754 = tpu.memref_squeeze %dma_wait3A_753 : memref<1x40x128xf32, #tpu.memory_space<vmem>> -> memref<40x128xf32, #tpu.memory_space<vmem>>
        %dma_wait3A_755 = arith.constant 40 : i32
        %dma_wait3A_756 = tpu.memref_slice %arg21[%dma_wait3A_755] : memref<80xi32, #tpu.memory_space<vmem>> -> memref<40xi32, #tpu.memory_space<vmem>>
        %dma_wait3A_757 = arith.constant 0 : i32
        %dma_wait3A_758 = arith.constant 0 : i32
        %dma_wait3A_759 = tpu.memref_slice %arg10[%dma_wait3A_757, %dma_wait3A_758] : memref<10240x128xf32, #tpu.memory_space<vmem_shared>> -> memref<10240x128xf32, #tpu.memory_space<vmem_shared>>
        tpu.wait_indirect_dma semaphore(%arg41 : memref<!tpu.dma_semaphore, #tpu.memory_space<semaphore_mem>>) src(%dma_wait3A_754 : memref<40x128xf32, #tpu.memory_space<vmem>>) dst(%dma_wait3A_759 : memref<10240x128xf32, #tpu.memory_space<vmem_shared>>)
        %dma_wait3A_760 = arith.constant 40 : i32
        %dma_wait3A_761 = tpu.memref_slice %arg21[%dma_wait3A_760] : memref<80xi32, #tpu.memory_space<vmem>> -> memref<40xi32, #tpu.memory_space<vmem>>
        %dma_wait3A_762 = arith.constant 0 : i32
        %dma_wait3A_763 = tpu.memref_slice %arg11[%dma_wait3A_762] : memref<10240xf32, #tpu.memory_space<vmem_shared>> -> memref<10240xf32, #tpu.memory_space<vmem_shared>>
        tpu.wait_indirect_dma semaphore(%arg41 : memref<!tpu.dma_semaphore, #tpu.memory_space<semaphore_mem>>) src(%arg8 : memref<40xf32, #tpu.memory_space<vmem>>) dst(%dma_wait3A_763 : memref<10240xf32, #tpu.memory_space<vmem_shared>>)
      } else {
      }
      %add3A_326 = arith.constant 3 : i32
      %add3A_327 = arith.addi %add3A_313, %add3A_326 : i32
      %lt3A_328 = arith.constant 250 : i32
      %lt3A_329 = arith.cmpi slt, %add3A_327, %lt3A_328 : i32
      %convert_element_type3A_330 = arith.extui %lt3A_329 : i1 to i32
      %cond3A_331 = arith.constant 0 : i32
      %cond3A_332 = arith.cmpi ne, %convert_element_type3A_330, %cond3A_331 : i32
      scf.if %cond3A_332 {
        %dma_wait3A_750 = arith.constant 0 : i32
        %dma_wait3A_751 = tpu.memref_slice %arg16[%dma_wait3A_750] : memref<80xi32, #tpu.memory_space<vmem>> -> memref<40xi32, #tpu.memory_space<vmem>>
        %dma_wait3A_752 = tpu.memref_slice %arg3[%mul3A_31] : memref<640000xi32, #tpu.memory_space<hbm>> -> memref<40xi32, #tpu.memory_space<hbm>>
        %dma_wait3A_753 = arith.constant 0 : i32
        %dma_wait3A_754 = tpu.memref_slice %arg16[%dma_wait3A_753] : memref<80xi32, #tpu.memory_space<vmem>> -> memref<40xi32, #tpu.memory_space<vmem>>
        %dma_wait3A_755 = tpu.memref_slice %arg3[%mul3A_31] : memref<640000xi32, #tpu.memory_space<hbm>> -> memref<40xi32, #tpu.memory_space<hbm>>
        tpu.wait_dma2 semaphore(%arg26 : memref<!tpu.dma_semaphore, #tpu.memory_space<semaphore_mem>>) src(%dma_wait3A_755 : memref<40xi32, #tpu.memory_space<hbm>>) dst(%dma_wait3A_754 : memref<40xi32, #tpu.memory_space<vmem>>)
        %dma_wait3A_756 = arith.constant 40 : i32
        %dma_wait3A_757 = tpu.memref_slice %arg16[%dma_wait3A_756] : memref<80xi32, #tpu.memory_space<vmem>> -> memref<40xi32, #tpu.memory_space<vmem>>
        %dma_wait3A_758 = tpu.memref_slice %arg3[%mul3A_31] : memref<640000xi32, #tpu.memory_space<hbm>> -> memref<40xi32, #tpu.memory_space<hbm>>
        %dma_wait3A_759 = arith.constant 40 : i32
        %dma_wait3A_760 = tpu.memref_slice %arg16[%dma_wait3A_759] : memref<80xi32, #tpu.memory_space<vmem>> -> memref<40xi32, #tpu.memory_space<vmem>>
        %dma_wait3A_761 = tpu.memref_slice %arg3[%mul3A_31] : memref<640000xi32, #tpu.memory_space<hbm>> -> memref<40xi32, #tpu.memory_space<hbm>>
        tpu.wait_dma2 semaphore(%arg26 : memref<!tpu.dma_semaphore, #tpu.memory_space<semaphore_mem>>) src(%dma_wait3A_761 : memref<40xi32, #tpu.memory_space<hbm>>) dst(%dma_wait3A_760 : memref<40xi32, #tpu.memory_space<vmem>>)
        %dma_start3A_762 = arith.constant 4 : i32
        %dma_start3A_763 = arith.constant 0 : i32
        %dma_start3A_764 = arith.constant 0 : i32
        %dma_start3A_765 = tpu.memref_slice %arg9[%dma_start3A_762, %dma_start3A_763, %dma_start3A_764] : memref<5x40x128xf32, #tpu.memory_space<vmem>> -> memref<1x40x128xf32, #tpu.memory_space<vmem>>
        %dma_start3A_766 = tpu.memref_squeeze %dma_start3A_765 : memref<1x40x128xf32, #tpu.memory_space<vmem>> -> memref<40x128xf32, #tpu.memory_space<vmem>>
        %dma_start3A_767 = arith.constant 0 : i32
        %dma_start3A_768 = tpu.memref_slice %arg16[%dma_start3A_767] : memref<80xi32, #tpu.memory_space<vmem>> -> memref<40xi32, #tpu.memory_space<vmem>>
        %dma_start3A_769 = arith.constant 0 : i32
        %dma_start3A_770 = arith.constant 0 : i32
        %dma_start3A_771 = tpu.memref_slice %arg2[%dma_start3A_769, %dma_start3A_770] : memref<10000x128xf32, #tpu.memory_space<hbm>> -> memref<10000x128xf32, #tpu.memory_space<hbm>>
        tpu.enqueue_indirect_dma source(%dma_start3A_771 : memref<10000x128xf32, #tpu.memory_space<hbm>>) target(%dma_start3A_766 : memref<40x128xf32, #tpu.memory_space<vmem>>) offsets(%dma_start3A_768 : memref<40xi32, #tpu.memory_space<vmem>>) semaphore(%arg36 : memref<!tpu.dma_semaphore, #tpu.memory_space<semaphore_mem>>)
      } else {
      }
      %dma_wait3A_333 = arith.constant 1 : i32
      %dma_wait3A_334 = arith.constant 0 : i32
      %dma_wait3A_335 = arith.constant 0 : i32
      %dma_wait3A_336 = tpu.memref_slice %arg9[%dma_wait3A_333, %dma_wait3A_334, %dma_wait3A_335] : memref<5x40x128xf32, #tpu.memory_space<vmem>> -> memref<1x40x128xf32, #tpu.memory_space<vmem>>
      %dma_wait3A_337 = tpu.memref_squeeze %dma_wait3A_336 : memref<1x40x128xf32, #tpu.memory_space<vmem>> -> memref<40x128xf32, #tpu.memory_space<vmem>>
      %dma_wait3A_338 = arith.constant 0 : i32
      %dma_wait3A_339 = tpu.memref_slice %arg12[%dma_wait3A_338] : memref<80xi32, #tpu.memory_space<vmem>> -> memref<40xi32, #tpu.memory_space<vmem>>
      %dma_wait3A_340 = arith.constant 0 : i32
      %dma_wait3A_341 = arith.constant 0 : i32
      %dma_wait3A_342 = tpu.memref_slice %arg2[%dma_wait3A_340, %dma_wait3A_341] : memref<10000x128xf32, #tpu.memory_space<hbm>> -> memref<10000x128xf32, #tpu.memory_space<hbm>>
      tpu.wait_indirect_dma semaphore(%arg33 : memref<!tpu.dma_semaphore, #tpu.memory_space<semaphore_mem>>) src(%dma_wait3A_342 : memref<10000x128xf32, #tpu.memory_space<hbm>>) dst(%dma_wait3A_337 : memref<40x128xf32, #tpu.memory_space<vmem>>)
      %dma_start3A_343 = arith.constant 1 : i32
      %dma_start3A_344 = arith.constant 0 : i32
      %dma_start3A_345 = arith.constant 0 : i32
      %dma_start3A_346 = tpu.memref_slice %arg9[%dma_start3A_343, %dma_start3A_344, %dma_start3A_345] : memref<5x40x128xf32, #tpu.memory_space<vmem>> -> memref<1x40x128xf32, #tpu.memory_space<vmem>>
      %dma_start3A_347 = tpu.memref_squeeze %dma_start3A_346 : memref<1x40x128xf32, #tpu.memory_space<vmem>> -> memref<40x128xf32, #tpu.memory_space<vmem>>
      %dma_start3A_348 = arith.constant 40 : i32
      %dma_start3A_349 = tpu.memref_slice %arg13[%dma_start3A_348] : memref<80xi32, #tpu.memory_space<vmem>> -> memref<40xi32, #tpu.memory_space<vmem>>
      %dma_start3A_350 = arith.constant 0 : i32
      %dma_start3A_351 = arith.constant 0 : i32
      %dma_start3A_352 = tpu.memref_slice %arg10[%dma_start3A_350, %dma_start3A_351] : memref<10240x128xf32, #tpu.memory_space<vmem_shared>> -> memref<10240x128xf32, #tpu.memory_space<vmem_shared>>
      tpu.enqueue_indirect_dma source(%dma_start3A_347 : memref<40x128xf32, #tpu.memory_space<vmem>>) target(%dma_start3A_352 : memref<10240x128xf32, #tpu.memory_space<vmem_shared>>) offsets(%dma_start3A_349 : memref<40xi32, #tpu.memory_space<vmem>>) semaphore(%arg38 : memref<!tpu.dma_semaphore, #tpu.memory_space<semaphore_mem>>) {add = true}
      %dma_start3A_353 = arith.constant 40 : i32
      %dma_start3A_354 = tpu.memref_slice %arg13[%dma_start3A_353] : memref<80xi32, #tpu.memory_space<vmem>> -> memref<40xi32, #tpu.memory_space<vmem>>
      %dma_start3A_355 = arith.constant 0 : i32
      %dma_start3A_356 = tpu.memref_slice %arg11[%dma_start3A_355] : memref<10240xf32, #tpu.memory_space<vmem_shared>> -> memref<10240xf32, #tpu.memory_space<vmem_shared>>
      tpu.enqueue_indirect_dma source(%arg8 : memref<40xf32, #tpu.memory_space<vmem>>) target(%dma_start3A_356 : memref<10240xf32, #tpu.memory_space<vmem_shared>>) offsets(%dma_start3A_354 : memref<40xi32, #tpu.memory_space<vmem>>) semaphore(%arg38 : memref<!tpu.dma_semaphore, #tpu.memory_space<semaphore_mem>>) {add = true}
      %mul3A_357 = arith.constant 2 : i32
      %mul3A_358 = arith.muli %scan3A_261, %mul3A_357 : i32
      %mul3A_359 = arith.constant 5 : i32
      %mul3A_360 = arith.muli %mul3A_358, %mul3A_359 : i32
      %add3A_361 = arith.constant 2 : i32
      %add3A_362 = arith.addi %mul3A_360, %add3A_361 : i32
      %add3A_363 = arith.constant 6 : i32
      %add3A_364 = arith.addi %add3A_362, %add3A_363 : i32
      %lt3A_365 = arith.constant 250 : i32
      %lt3A_366 = arith.cmpi slt, %add3A_364, %lt3A_365 : i32
      %convert_element_type3A_367 = arith.extui %lt3A_366 : i1 to i32
      %cond3A_368 = arith.constant 0 : i32
      %cond3A_369 = arith.cmpi ne, %convert_element_type3A_367, %cond3A_368 : i32
      scf.if %cond3A_369 {
        %add3A_750 = arith.constant 6 : i32
        %add3A_751 = arith.addi %add3A_362, %add3A_750 : i32
        %mul3A_752 = arith.constant 40 : i32
        %mul3A_753 = arith.muli %add3A_751, %mul3A_752 : i32
        %add3A_754 = arith.addi %mul3A_31, %mul3A_753 : i32
        %dma_start3A_755 = arith.constant 0 : i32
        %dma_start3A_756 = tpu.memref_slice %arg20[%dma_start3A_755] : memref<80xi32, #tpu.memory_space<vmem>> -> memref<40xi32, #tpu.memory_space<vmem>>
        %dma_start3A_757 = tpu.memref_slice %arg3[%add3A_754] : memref<640000xi32, #tpu.memory_space<hbm>> -> memref<40xi32, #tpu.memory_space<hbm>>
        %dma_start3A_758 = arith.constant 0 : i32
        %dma_start3A_759 = tpu.memref_slice %arg20[%dma_start3A_758] : memref<80xi32, #tpu.memory_space<vmem>> -> memref<40xi32, #tpu.memory_space<vmem>>
        %dma_start3A_760 = tpu.memref_slice %arg3[%add3A_754] : memref<640000xi32, #tpu.memory_space<hbm>> -> memref<40xi32, #tpu.memory_space<hbm>>
        tpu.enqueue_dma source(%dma_start3A_760 : memref<40xi32, #tpu.memory_space<hbm>>) target(%dma_start3A_759 : memref<40xi32, #tpu.memory_space<vmem>>) target_semaphore(%arg30 : memref<!tpu.dma_semaphore, #tpu.memory_space<semaphore_mem>>)
        %add3A_761 = arith.constant 320000 : i32
        %add3A_762 = arith.addi %add3A_761, %mul3A_31 : i32
        %mul3A_763 = arith.constant 40 : i32
        %mul3A_764 = arith.muli %add3A_751, %mul3A_763 : i32
        %add3A_765 = arith.addi %add3A_762, %mul3A_764 : i32
        %dma_start3A_766 = arith.constant 40 : i32
        %dma_start3A_767 = tpu.memref_slice %arg20[%dma_start3A_766] : memref<80xi32, #tpu.memory_space<vmem>> -> memref<40xi32, #tpu.memory_space<vmem>>
        %dma_start3A_768 = tpu.memref_slice %arg3[%add3A_765] : memref<640000xi32, #tpu.memory_space<hbm>> -> memref<40xi32, #tpu.memory_space<hbm>>
        %dma_start3A_769 = arith.constant 40 : i32
        %dma_start3A_770 = tpu.memref_slice %arg20[%dma_start3A_769] : memref<80xi32, #tpu.memory_space<vmem>> -> memref<40xi32, #tpu.memory_space<vmem>>
        %dma_start3A_771 = tpu.memref_slice %arg3[%add3A_765] : memref<640000xi32, #tpu.memory_space<hbm>> -> memref<40xi32, #tpu.memory_space<hbm>>
        tpu.enqueue_dma source(%dma_start3A_771 : memref<40xi32, #tpu.memory_space<hbm>>) target(%dma_start3A_770 : memref<40xi32, #tpu.memory_space<vmem>>) target_semaphore(%arg30 : memref<!tpu.dma_semaphore, #tpu.memory_space<semaphore_mem>>)
      } else {
      }
      %ge3A_370 = arith.constant 2 : i32
      %ge3A_371 = arith.cmpi sge, %add3A_362, %ge3A_370 : i32
      %convert_element_type3A_372 = arith.extui %ge3A_371 : i1 to i32
      %cond3A_373 = arith.constant 0 : i32
      %cond3A_374 = arith.cmpi ne, %convert_element_type3A_372, %cond3A_373 : i32
      scf.if %cond3A_374 {
        %dma_wait3A_750 = arith.constant 0 : i32
        %dma_wait3A_751 = arith.constant 0 : i32
        %dma_wait3A_752 = arith.constant 0 : i32
        %dma_wait3A_753 = tpu.memref_slice %arg9[%dma_wait3A_750, %dma_wait3A_751, %dma_wait3A_752] : memref<5x40x128xf32, #tpu.memory_space<vmem>> -> memref<1x40x128xf32, #tpu.memory_space<vmem>>
        %dma_wait3A_754 = tpu.memref_squeeze %dma_wait3A_753 : memref<1x40x128xf32, #tpu.memory_space<vmem>> -> memref<40x128xf32, #tpu.memory_space<vmem>>
        %dma_wait3A_755 = arith.constant 40 : i32
        %dma_wait3A_756 = tpu.memref_slice %arg12[%dma_wait3A_755] : memref<80xi32, #tpu.memory_space<vmem>> -> memref<40xi32, #tpu.memory_space<vmem>>
        %dma_wait3A_757 = arith.constant 0 : i32
        %dma_wait3A_758 = arith.constant 0 : i32
        %dma_wait3A_759 = tpu.memref_slice %arg10[%dma_wait3A_757, %dma_wait3A_758] : memref<10240x128xf32, #tpu.memory_space<vmem_shared>> -> memref<10240x128xf32, #tpu.memory_space<vmem_shared>>
        tpu.wait_indirect_dma semaphore(%arg37 : memref<!tpu.dma_semaphore, #tpu.memory_space<semaphore_mem>>) src(%dma_wait3A_754 : memref<40x128xf32, #tpu.memory_space<vmem>>) dst(%dma_wait3A_759 : memref<10240x128xf32, #tpu.memory_space<vmem_shared>>)
        %dma_wait3A_760 = arith.constant 40 : i32
        %dma_wait3A_761 = tpu.memref_slice %arg12[%dma_wait3A_760] : memref<80xi32, #tpu.memory_space<vmem>> -> memref<40xi32, #tpu.memory_space<vmem>>
        %dma_wait3A_762 = arith.constant 0 : i32
        %dma_wait3A_763 = tpu.memref_slice %arg11[%dma_wait3A_762] : memref<10240xf32, #tpu.memory_space<vmem_shared>> -> memref<10240xf32, #tpu.memory_space<vmem_shared>>
        tpu.wait_indirect_dma semaphore(%arg37 : memref<!tpu.dma_semaphore, #tpu.memory_space<semaphore_mem>>) src(%arg8 : memref<40xf32, #tpu.memory_space<vmem>>) dst(%dma_wait3A_763 : memref<10240xf32, #tpu.memory_space<vmem_shared>>)
      } else {
      }
      %add3A_375 = arith.constant 3 : i32
      %add3A_376 = arith.addi %add3A_362, %add3A_375 : i32
      %lt3A_377 = arith.constant 250 : i32
      %lt3A_378 = arith.cmpi slt, %add3A_376, %lt3A_377 : i32
      %convert_element_type3A_379 = arith.extui %lt3A_378 : i1 to i32
      %cond3A_380 = arith.constant 0 : i32
      %cond3A_381 = arith.cmpi ne, %convert_element_type3A_379, %cond3A_380 : i32
      scf.if %cond3A_381 {
        %dma_wait3A_750 = arith.constant 0 : i32
        %dma_wait3A_751 = tpu.memref_slice %arg17[%dma_wait3A_750] : memref<80xi32, #tpu.memory_space<vmem>> -> memref<40xi32, #tpu.memory_space<vmem>>
        %dma_wait3A_752 = tpu.memref_slice %arg3[%mul3A_31] : memref<640000xi32, #tpu.memory_space<hbm>> -> memref<40xi32, #tpu.memory_space<hbm>>
        %dma_wait3A_753 = arith.constant 0 : i32
        %dma_wait3A_754 = tpu.memref_slice %arg17[%dma_wait3A_753] : memref<80xi32, #tpu.memory_space<vmem>> -> memref<40xi32, #tpu.memory_space<vmem>>
        %dma_wait3A_755 = tpu.memref_slice %arg3[%mul3A_31] : memref<640000xi32, #tpu.memory_space<hbm>> -> memref<40xi32, #tpu.memory_space<hbm>>
        tpu.wait_dma2 semaphore(%arg27 : memref<!tpu.dma_semaphore, #tpu.memory_space<semaphore_mem>>) src(%dma_wait3A_755 : memref<40xi32, #tpu.memory_space<hbm>>) dst(%dma_wait3A_754 : memref<40xi32, #tpu.memory_space<vmem>>)
        %dma_wait3A_756 = arith.constant 40 : i32
        %dma_wait3A_757 = tpu.memref_slice %arg17[%dma_wait3A_756] : memref<80xi32, #tpu.memory_space<vmem>> -> memref<40xi32, #tpu.memory_space<vmem>>
        %dma_wait3A_758 = tpu.memref_slice %arg3[%mul3A_31] : memref<640000xi32, #tpu.memory_space<hbm>> -> memref<40xi32, #tpu.memory_space<hbm>>
        %dma_wait3A_759 = arith.constant 40 : i32
        %dma_wait3A_760 = tpu.memref_slice %arg17[%dma_wait3A_759] : memref<80xi32, #tpu.memory_space<vmem>> -> memref<40xi32, #tpu.memory_space<vmem>>
        %dma_wait3A_761 = tpu.memref_slice %arg3[%mul3A_31] : memref<640000xi32, #tpu.memory_space<hbm>> -> memref<40xi32, #tpu.memory_space<hbm>>
        tpu.wait_dma2 semaphore(%arg27 : memref<!tpu.dma_semaphore, #tpu.memory_space<semaphore_mem>>) src(%dma_wait3A_761 : memref<40xi32, #tpu.memory_space<hbm>>) dst(%dma_wait3A_760 : memref<40xi32, #tpu.memory_space<vmem>>)
        %dma_start3A_762 = arith.constant 0 : i32
        %dma_start3A_763 = arith.constant 0 : i32
        %dma_start3A_764 = arith.constant 0 : i32
        %dma_start3A_765 = tpu.memref_slice %arg9[%dma_start3A_762, %dma_start3A_763, %dma_start3A_764] : memref<5x40x128xf32, #tpu.memory_space<vmem>> -> memref<1x40x128xf32, #tpu.memory_space<vmem>>
        %dma_start3A_766 = tpu.memref_squeeze %dma_start3A_765 : memref<1x40x128xf32, #tpu.memory_space<vmem>> -> memref<40x128xf32, #tpu.memory_space<vmem>>
        %dma_start3A_767 = arith.constant 0 : i32
        %dma_start3A_768 = tpu.memref_slice %arg17[%dma_start3A_767] : memref<80xi32, #tpu.memory_space<vmem>> -> memref<40xi32, #tpu.memory_space<vmem>>
        %dma_start3A_769 = arith.constant 0 : i32
        %dma_start3A_770 = arith.constant 0 : i32
        %dma_start3A_771 = tpu.memref_slice %arg2[%dma_start3A_769, %dma_start3A_770] : memref<10000x128xf32, #tpu.memory_space<hbm>> -> memref<10000x128xf32, #tpu.memory_space<hbm>>
        tpu.enqueue_indirect_dma source(%dma_start3A_771 : memref<10000x128xf32, #tpu.memory_space<hbm>>) target(%dma_start3A_766 : memref<40x128xf32, #tpu.memory_space<vmem>>) offsets(%dma_start3A_768 : memref<40xi32, #tpu.memory_space<vmem>>) semaphore(%arg32 : memref<!tpu.dma_semaphore, #tpu.memory_space<semaphore_mem>>)
      } else {
      }
      %dma_wait3A_382 = arith.constant 2 : i32
      %dma_wait3A_383 = arith.constant 0 : i32
      %dma_wait3A_384 = arith.constant 0 : i32
      %dma_wait3A_385 = tpu.memref_slice %arg9[%dma_wait3A_382, %dma_wait3A_383, %dma_wait3A_384] : memref<5x40x128xf32, #tpu.memory_space<vmem>> -> memref<1x40x128xf32, #tpu.memory_space<vmem>>
      %dma_wait3A_386 = tpu.memref_squeeze %dma_wait3A_385 : memref<1x40x128xf32, #tpu.memory_space<vmem>> -> memref<40x128xf32, #tpu.memory_space<vmem>>
      %dma_wait3A_387 = arith.constant 0 : i32
      %dma_wait3A_388 = tpu.memref_slice %arg12[%dma_wait3A_387] : memref<80xi32, #tpu.memory_space<vmem>> -> memref<40xi32, #tpu.memory_space<vmem>>
      %dma_wait3A_389 = arith.constant 0 : i32
      %dma_wait3A_390 = arith.constant 0 : i32
      %dma_wait3A_391 = tpu.memref_slice %arg2[%dma_wait3A_389, %dma_wait3A_390] : memref<10000x128xf32, #tpu.memory_space<hbm>> -> memref<10000x128xf32, #tpu.memory_space<hbm>>
      tpu.wait_indirect_dma semaphore(%arg34 : memref<!tpu.dma_semaphore, #tpu.memory_space<semaphore_mem>>) src(%dma_wait3A_391 : memref<10000x128xf32, #tpu.memory_space<hbm>>) dst(%dma_wait3A_386 : memref<40x128xf32, #tpu.memory_space<vmem>>)
      %dma_start3A_392 = arith.constant 2 : i32
      %dma_start3A_393 = arith.constant 0 : i32
      %dma_start3A_394 = arith.constant 0 : i32
      %dma_start3A_395 = tpu.memref_slice %arg9[%dma_start3A_392, %dma_start3A_393, %dma_start3A_394] : memref<5x40x128xf32, #tpu.memory_space<vmem>> -> memref<1x40x128xf32, #tpu.memory_space<vmem>>
      %dma_start3A_396 = tpu.memref_squeeze %dma_start3A_395 : memref<1x40x128xf32, #tpu.memory_space<vmem>> -> memref<40x128xf32, #tpu.memory_space<vmem>>
      %dma_start3A_397 = arith.constant 40 : i32
      %dma_start3A_398 = tpu.memref_slice %arg14[%dma_start3A_397] : memref<80xi32, #tpu.memory_space<vmem>> -> memref<40xi32, #tpu.memory_space<vmem>>
      %dma_start3A_399 = arith.constant 0 : i32
      %dma_start3A_400 = arith.constant 0 : i32
      %dma_start3A_401 = tpu.memref_slice %arg10[%dma_start3A_399, %dma_start3A_400] : memref<10240x128xf32, #tpu.memory_space<vmem_shared>> -> memref<10240x128xf32, #tpu.memory_space<vmem_shared>>
      tpu.enqueue_indirect_dma source(%dma_start3A_396 : memref<40x128xf32, #tpu.memory_space<vmem>>) target(%dma_start3A_401 : memref<10240x128xf32, #tpu.memory_space<vmem_shared>>) offsets(%dma_start3A_398 : memref<40xi32, #tpu.memory_space<vmem>>) semaphore(%arg39 : memref<!tpu.dma_semaphore, #tpu.memory_space<semaphore_mem>>) {add = true}
      %dma_start3A_402 = arith.constant 40 : i32
      %dma_start3A_403 = tpu.memref_slice %arg14[%dma_start3A_402] : memref<80xi32, #tpu.memory_space<vmem>> -> memref<40xi32, #tpu.memory_space<vmem>>
      %dma_start3A_404 = arith.constant 0 : i32
      %dma_start3A_405 = tpu.memref_slice %arg11[%dma_start3A_404] : memref<10240xf32, #tpu.memory_space<vmem_shared>> -> memref<10240xf32, #tpu.memory_space<vmem_shared>>
      tpu.enqueue_indirect_dma source(%arg8 : memref<40xf32, #tpu.memory_space<vmem>>) target(%dma_start3A_405 : memref<10240xf32, #tpu.memory_space<vmem_shared>>) offsets(%dma_start3A_403 : memref<40xi32, #tpu.memory_space<vmem>>) semaphore(%arg39 : memref<!tpu.dma_semaphore, #tpu.memory_space<semaphore_mem>>) {add = true}
      %mul3A_406 = arith.constant 2 : i32
      %mul3A_407 = arith.muli %scan3A_261, %mul3A_406 : i32
      %mul3A_408 = arith.constant 5 : i32
      %mul3A_409 = arith.muli %mul3A_407, %mul3A_408 : i32
      %add3A_410 = arith.constant 3 : i32
      %add3A_411 = arith.addi %mul3A_409, %add3A_410 : i32
      %add3A_412 = arith.constant 6 : i32
      %add3A_413 = arith.addi %add3A_411, %add3A_412 : i32
      %lt3A_414 = arith.constant 250 : i32
      %lt3A_415 = arith.cmpi slt, %add3A_413, %lt3A_414 : i32
      %convert_element_type3A_416 = arith.extui %lt3A_415 : i1 to i32
      %cond3A_417 = arith.constant 0 : i32
      %cond3A_418 = arith.cmpi ne, %convert_element_type3A_416, %cond3A_417 : i32
      scf.if %cond3A_418 {
        %add3A_750 = arith.constant 6 : i32
        %add3A_751 = arith.addi %add3A_411, %add3A_750 : i32
        %mul3A_752 = arith.constant 40 : i32
        %mul3A_753 = arith.muli %add3A_751, %mul3A_752 : i32
        %add3A_754 = arith.addi %mul3A_31, %mul3A_753 : i32
        %dma_start3A_755 = arith.constant 0 : i32
        %dma_start3A_756 = tpu.memref_slice %arg21[%dma_start3A_755] : memref<80xi32, #tpu.memory_space<vmem>> -> memref<40xi32, #tpu.memory_space<vmem>>
        %dma_start3A_757 = tpu.memref_slice %arg3[%add3A_754] : memref<640000xi32, #tpu.memory_space<hbm>> -> memref<40xi32, #tpu.memory_space<hbm>>
        %dma_start3A_758 = arith.constant 0 : i32
        %dma_start3A_759 = tpu.memref_slice %arg21[%dma_start3A_758] : memref<80xi32, #tpu.memory_space<vmem>> -> memref<40xi32, #tpu.memory_space<vmem>>
        %dma_start3A_760 = tpu.memref_slice %arg3[%add3A_754] : memref<640000xi32, #tpu.memory_space<hbm>> -> memref<40xi32, #tpu.memory_space<hbm>>
        tpu.enqueue_dma source(%dma_start3A_760 : memref<40xi32, #tpu.memory_space<hbm>>) target(%dma_start3A_759 : memref<40xi32, #tpu.memory_space<vmem>>) target_semaphore(%arg31 : memref<!tpu.dma_semaphore, #tpu.memory_space<semaphore_mem>>)
        %add3A_761 = arith.constant 320000 : i32
        %add3A_762 = arith.addi %add3A_761, %mul3A_31 : i32
        %mul3A_763 = arith.constant 40 : i32
        %mul3A_764 = arith.muli %add3A_751, %mul3A_763 : i32
        %add3A_765 = arith.addi %add3A_762, %mul3A_764 : i32
        %dma_start3A_766 = arith.constant 40 : i32
        %dma_start3A_767 = tpu.memref_slice %arg21[%dma_start3A_766] : memref<80xi32, #tpu.memory_space<vmem>> -> memref<40xi32, #tpu.memory_space<vmem>>
        %dma_start3A_768 = tpu.memref_slice %arg3[%add3A_765] : memref<640000xi32, #tpu.memory_space<hbm>> -> memref<40xi32, #tpu.memory_space<hbm>>
        %dma_start3A_769 = arith.constant 40 : i32
        %dma_start3A_770 = tpu.memref_slice %arg21[%dma_start3A_769] : memref<80xi32, #tpu.memory_space<vmem>> -> memref<40xi32, #tpu.memory_space<vmem>>
        %dma_start3A_771 = tpu.memref_slice %arg3[%add3A_765] : memref<640000xi32, #tpu.memory_space<hbm>> -> memref<40xi32, #tpu.memory_space<hbm>>
        tpu.enqueue_dma source(%dma_start3A_771 : memref<40xi32, #tpu.memory_space<hbm>>) target(%dma_start3A_770 : memref<40xi32, #tpu.memory_space<vmem>>) target_semaphore(%arg31 : memref<!tpu.dma_semaphore, #tpu.memory_space<semaphore_mem>>)
      } else {
      }
      %ge3A_419 = arith.constant 2 : i32
      %ge3A_420 = arith.cmpi sge, %add3A_411, %ge3A_419 : i32
      %convert_element_type3A_421 = arith.extui %ge3A_420 : i1 to i32
      %cond3A_422 = arith.constant 0 : i32
      %cond3A_423 = arith.cmpi ne, %convert_element_type3A_421, %cond3A_422 : i32
      scf.if %cond3A_423 {
        %dma_wait3A_750 = arith.constant 1 : i32
        %dma_wait3A_751 = arith.constant 0 : i32
        %dma_wait3A_752 = arith.constant 0 : i32
        %dma_wait3A_753 = tpu.memref_slice %arg9[%dma_wait3A_750, %dma_wait3A_751, %dma_wait3A_752] : memref<5x40x128xf32, #tpu.memory_space<vmem>> -> memref<1x40x128xf32, #tpu.memory_space<vmem>>
        %dma_wait3A_754 = tpu.memref_squeeze %dma_wait3A_753 : memref<1x40x128xf32, #tpu.memory_space<vmem>> -> memref<40x128xf32, #tpu.memory_space<vmem>>
        %dma_wait3A_755 = arith.constant 40 : i32
        %dma_wait3A_756 = tpu.memref_slice %arg13[%dma_wait3A_755] : memref<80xi32, #tpu.memory_space<vmem>> -> memref<40xi32, #tpu.memory_space<vmem>>
        %dma_wait3A_757 = arith.constant 0 : i32
        %dma_wait3A_758 = arith.constant 0 : i32
        %dma_wait3A_759 = tpu.memref_slice %arg10[%dma_wait3A_757, %dma_wait3A_758] : memref<10240x128xf32, #tpu.memory_space<vmem_shared>> -> memref<10240x128xf32, #tpu.memory_space<vmem_shared>>
        tpu.wait_indirect_dma semaphore(%arg38 : memref<!tpu.dma_semaphore, #tpu.memory_space<semaphore_mem>>) src(%dma_wait3A_754 : memref<40x128xf32, #tpu.memory_space<vmem>>) dst(%dma_wait3A_759 : memref<10240x128xf32, #tpu.memory_space<vmem_shared>>)
        %dma_wait3A_760 = arith.constant 40 : i32
        %dma_wait3A_761 = tpu.memref_slice %arg13[%dma_wait3A_760] : memref<80xi32, #tpu.memory_space<vmem>> -> memref<40xi32, #tpu.memory_space<vmem>>
        %dma_wait3A_762 = arith.constant 0 : i32
        %dma_wait3A_763 = tpu.memref_slice %arg11[%dma_wait3A_762] : memref<10240xf32, #tpu.memory_space<vmem_shared>> -> memref<10240xf32, #tpu.memory_space<vmem_shared>>
        tpu.wait_indirect_dma semaphore(%arg38 : memref<!tpu.dma_semaphore, #tpu.memory_space<semaphore_mem>>) src(%arg8 : memref<40xf32, #tpu.memory_space<vmem>>) dst(%dma_wait3A_763 : memref<10240xf32, #tpu.memory_space<vmem_shared>>)
      } else {
      }
      %add3A_424 = arith.constant 3 : i32
      %add3A_425 = arith.addi %add3A_411, %add3A_424 : i32
      %lt3A_426 = arith.constant 250 : i32
      %lt3A_427 = arith.cmpi slt, %add3A_425, %lt3A_426 : i32
      %convert_element_type3A_428 = arith.extui %lt3A_427 : i1 to i32
      %cond3A_429 = arith.constant 0 : i32
      %cond3A_430 = arith.cmpi ne, %convert_element_type3A_428, %cond3A_429 : i32
      scf.if %cond3A_430 {
        %dma_wait3A_750 = arith.constant 0 : i32
        %dma_wait3A_751 = tpu.memref_slice %arg18[%dma_wait3A_750] : memref<80xi32, #tpu.memory_space<vmem>> -> memref<40xi32, #tpu.memory_space<vmem>>
        %dma_wait3A_752 = tpu.memref_slice %arg3[%mul3A_31] : memref<640000xi32, #tpu.memory_space<hbm>> -> memref<40xi32, #tpu.memory_space<hbm>>
        %dma_wait3A_753 = arith.constant 0 : i32
        %dma_wait3A_754 = tpu.memref_slice %arg18[%dma_wait3A_753] : memref<80xi32, #tpu.memory_space<vmem>> -> memref<40xi32, #tpu.memory_space<vmem>>
        %dma_wait3A_755 = tpu.memref_slice %arg3[%mul3A_31] : memref<640000xi32, #tpu.memory_space<hbm>> -> memref<40xi32, #tpu.memory_space<hbm>>
        tpu.wait_dma2 semaphore(%arg28 : memref<!tpu.dma_semaphore, #tpu.memory_space<semaphore_mem>>) src(%dma_wait3A_755 : memref<40xi32, #tpu.memory_space<hbm>>) dst(%dma_wait3A_754 : memref<40xi32, #tpu.memory_space<vmem>>)
        %dma_wait3A_756 = arith.constant 40 : i32
        %dma_wait3A_757 = tpu.memref_slice %arg18[%dma_wait3A_756] : memref<80xi32, #tpu.memory_space<vmem>> -> memref<40xi32, #tpu.memory_space<vmem>>
        %dma_wait3A_758 = tpu.memref_slice %arg3[%mul3A_31] : memref<640000xi32, #tpu.memory_space<hbm>> -> memref<40xi32, #tpu.memory_space<hbm>>
        %dma_wait3A_759 = arith.constant 40 : i32
        %dma_wait3A_760 = tpu.memref_slice %arg18[%dma_wait3A_759] : memref<80xi32, #tpu.memory_space<vmem>> -> memref<40xi32, #tpu.memory_space<vmem>>
        %dma_wait3A_761 = tpu.memref_slice %arg3[%mul3A_31] : memref<640000xi32, #tpu.memory_space<hbm>> -> memref<40xi32, #tpu.memory_space<hbm>>
        tpu.wait_dma2 semaphore(%arg28 : memref<!tpu.dma_semaphore, #tpu.memory_space<semaphore_mem>>) src(%dma_wait3A_761 : memref<40xi32, #tpu.memory_space<hbm>>) dst(%dma_wait3A_760 : memref<40xi32, #tpu.memory_space<vmem>>)
        %dma_start3A_762 = arith.constant 1 : i32
        %dma_start3A_763 = arith.constant 0 : i32
        %dma_start3A_764 = arith.constant 0 : i32
        %dma_start3A_765 = tpu.memref_slice %arg9[%dma_start3A_762, %dma_start3A_763, %dma_start3A_764] : memref<5x40x128xf32, #tpu.memory_space<vmem>> -> memref<1x40x128xf32, #tpu.memory_space<vmem>>
        %dma_start3A_766 = tpu.memref_squeeze %dma_start3A_765 : memref<1x40x128xf32, #tpu.memory_space<vmem>> -> memref<40x128xf32, #tpu.memory_space<vmem>>
        %dma_start3A_767 = arith.constant 0 : i32
        %dma_start3A_768 = tpu.memref_slice %arg18[%dma_start3A_767] : memref<80xi32, #tpu.memory_space<vmem>> -> memref<40xi32, #tpu.memory_space<vmem>>
        %dma_start3A_769 = arith.constant 0 : i32
        %dma_start3A_770 = arith.constant 0 : i32
        %dma_start3A_771 = tpu.memref_slice %arg2[%dma_start3A_769, %dma_start3A_770] : memref<10000x128xf32, #tpu.memory_space<hbm>> -> memref<10000x128xf32, #tpu.memory_space<hbm>>
        tpu.enqueue_indirect_dma source(%dma_start3A_771 : memref<10000x128xf32, #tpu.memory_space<hbm>>) target(%dma_start3A_766 : memref<40x128xf32, #tpu.memory_space<vmem>>) offsets(%dma_start3A_768 : memref<40xi32, #tpu.memory_space<vmem>>) semaphore(%arg33 : memref<!tpu.dma_semaphore, #tpu.memory_space<semaphore_mem>>)
      } else {
      }
      %dma_wait3A_431 = arith.constant 3 : i32
      %dma_wait3A_432 = arith.constant 0 : i32
      %dma_wait3A_433 = arith.constant 0 : i32
      %dma_wait3A_434 = tpu.memref_slice %arg9[%dma_wait3A_431, %dma_wait3A_432, %dma_wait3A_433] : memref<5x40x128xf32, #tpu.memory_space<vmem>> -> memref<1x40x128xf32, #tpu.memory_space<vmem>>
      %dma_wait3A_435 = tpu.memref_squeeze %dma_wait3A_434 : memref<1x40x128xf32, #tpu.memory_space<vmem>> -> memref<40x128xf32, #tpu.memory_space<vmem>>
      %dma_wait3A_436 = arith.constant 0 : i32
      %dma_wait3A_437 = tpu.memref_slice %arg12[%dma_wait3A_436] : memref<80xi32, #tpu.memory_space<vmem>> -> memref<40xi32, #tpu.memory_space<vmem>>
      %dma_wait3A_438 = arith.constant 0 : i32
      %dma_wait3A_439 = arith.constant 0 : i32
      %dma_wait3A_440 = tpu.memref_slice %arg2[%dma_wait3A_438, %dma_wait3A_439] : memref<10000x128xf32, #tpu.memory_space<hbm>> -> memref<10000x128xf32, #tpu.memory_space<hbm>>
      tpu.wait_indirect_dma semaphore(%arg35 : memref<!tpu.dma_semaphore, #tpu.memory_space<semaphore_mem>>) src(%dma_wait3A_440 : memref<10000x128xf32, #tpu.memory_space<hbm>>) dst(%dma_wait3A_435 : memref<40x128xf32, #tpu.memory_space<vmem>>)
      %dma_start3A_441 = arith.constant 3 : i32
      %dma_start3A_442 = arith.constant 0 : i32
      %dma_start3A_443 = arith.constant 0 : i32
      %dma_start3A_444 = tpu.memref_slice %arg9[%dma_start3A_441, %dma_start3A_442, %dma_start3A_443] : memref<5x40x128xf32, #tpu.memory_space<vmem>> -> memref<1x40x128xf32, #tpu.memory_space<vmem>>
      %dma_start3A_445 = tpu.memref_squeeze %dma_start3A_444 : memref<1x40x128xf32, #tpu.memory_space<vmem>> -> memref<40x128xf32, #tpu.memory_space<vmem>>
      %dma_start3A_446 = arith.constant 40 : i32
      %dma_start3A_447 = tpu.memref_slice %arg15[%dma_start3A_446] : memref<80xi32, #tpu.memory_space<vmem>> -> memref<40xi32, #tpu.memory_space<vmem>>
      %dma_start3A_448 = arith.constant 0 : i32
      %dma_start3A_449 = arith.constant 0 : i32
      %dma_start3A_450 = tpu.memref_slice %arg10[%dma_start3A_448, %dma_start3A_449] : memref<10240x128xf32, #tpu.memory_space<vmem_shared>> -> memref<10240x128xf32, #tpu.memory_space<vmem_shared>>
      tpu.enqueue_indirect_dma source(%dma_start3A_445 : memref<40x128xf32, #tpu.memory_space<vmem>>) target(%dma_start3A_450 : memref<10240x128xf32, #tpu.memory_space<vmem_shared>>) offsets(%dma_start3A_447 : memref<40xi32, #tpu.memory_space<vmem>>) semaphore(%arg40 : memref<!tpu.dma_semaphore, #tpu.memory_space<semaphore_mem>>) {add = true}
      %dma_start3A_451 = arith.constant 40 : i32
      %dma_start3A_452 = tpu.memref_slice %arg15[%dma_start3A_451] : memref<80xi32, #tpu.memory_space<vmem>> -> memref<40xi32, #tpu.memory_space<vmem>>
      %dma_start3A_453 = arith.constant 0 : i32
      %dma_start3A_454 = tpu.memref_slice %arg11[%dma_start3A_453] : memref<10240xf32, #tpu.memory_space<vmem_shared>> -> memref<10240xf32, #tpu.memory_space<vmem_shared>>
      tpu.enqueue_indirect_dma source(%arg8 : memref<40xf32, #tpu.memory_space<vmem>>) target(%dma_start3A_454 : memref<10240xf32, #tpu.memory_space<vmem_shared>>) offsets(%dma_start3A_452 : memref<40xi32, #tpu.memory_space<vmem>>) semaphore(%arg40 : memref<!tpu.dma_semaphore, #tpu.memory_space<semaphore_mem>>) {add = true}
      %mul3A_455 = arith.constant 2 : i32
      %mul3A_456 = arith.muli %scan3A_261, %mul3A_455 : i32
      %mul3A_457 = arith.constant 5 : i32
      %mul3A_458 = arith.muli %mul3A_456, %mul3A_457 : i32
      %add3A_459 = arith.constant 4 : i32
      %add3A_460 = arith.addi %mul3A_458, %add3A_459 : i32
      %add3A_461 = arith.constant 6 : i32
      %add3A_462 = arith.addi %add3A_460, %add3A_461 : i32
      %lt3A_463 = arith.constant 250 : i32
      %lt3A_464 = arith.cmpi slt, %add3A_462, %lt3A_463 : i32
      %convert_element_type3A_465 = arith.extui %lt3A_464 : i1 to i32
      %cond3A_466 = arith.constant 0 : i32
      %cond3A_467 = arith.cmpi ne, %convert_element_type3A_465, %cond3A_466 : i32
      scf.if %cond3A_467 {
        %add3A_750 = arith.constant 6 : i32
        %add3A_751 = arith.addi %add3A_460, %add3A_750 : i32
        %mul3A_752 = arith.constant 40 : i32
        %mul3A_753 = arith.muli %add3A_751, %mul3A_752 : i32
        %add3A_754 = arith.addi %mul3A_31, %mul3A_753 : i32
        %dma_start3A_755 = arith.constant 0 : i32
        %dma_start3A_756 = tpu.memref_slice %arg12[%dma_start3A_755] : memref<80xi32, #tpu.memory_space<vmem>> -> memref<40xi32, #tpu.memory_space<vmem>>
        %dma_start3A_757 = tpu.memref_slice %arg3[%add3A_754] : memref<640000xi32, #tpu.memory_space<hbm>> -> memref<40xi32, #tpu.memory_space<hbm>>
        %dma_start3A_758 = arith.constant 0 : i32
        %dma_start3A_759 = tpu.memref_slice %arg12[%dma_start3A_758] : memref<80xi32, #tpu.memory_space<vmem>> -> memref<40xi32, #tpu.memory_space<vmem>>
        %dma_start3A_760 = tpu.memref_slice %arg3[%add3A_754] : memref<640000xi32, #tpu.memory_space<hbm>> -> memref<40xi32, #tpu.memory_space<hbm>>
        tpu.enqueue_dma source(%dma_start3A_760 : memref<40xi32, #tpu.memory_space<hbm>>) target(%dma_start3A_759 : memref<40xi32, #tpu.memory_space<vmem>>) target_semaphore(%arg22 : memref<!tpu.dma_semaphore, #tpu.memory_space<semaphore_mem>>)
        %add3A_761 = arith.constant 320000 : i32
        %add3A_762 = arith.addi %add3A_761, %mul3A_31 : i32
        %mul3A_763 = arith.constant 40 : i32
        %mul3A_764 = arith.muli %add3A_751, %mul3A_763 : i32
        %add3A_765 = arith.addi %add3A_762, %mul3A_764 : i32
        %dma_start3A_766 = arith.constant 40 : i32
        %dma_start3A_767 = tpu.memref_slice %arg12[%dma_start3A_766] : memref<80xi32, #tpu.memory_space<vmem>> -> memref<40xi32, #tpu.memory_space<vmem>>
        %dma_start3A_768 = tpu.memref_slice %arg3[%add3A_765] : memref<640000xi32, #tpu.memory_space<hbm>> -> memref<40xi32, #tpu.memory_space<hbm>>
        %dma_start3A_769 = arith.constant 40 : i32
        %dma_start3A_770 = tpu.memref_slice %arg12[%dma_start3A_769] : memref<80xi32, #tpu.memory_space<vmem>> -> memref<40xi32, #tpu.memory_space<vmem>>
        %dma_start3A_771 = tpu.memref_slice %arg3[%add3A_765] : memref<640000xi32, #tpu.memory_space<hbm>> -> memref<40xi32, #tpu.memory_space<hbm>>
        tpu.enqueue_dma source(%dma_start3A_771 : memref<40xi32, #tpu.memory_space<hbm>>) target(%dma_start3A_770 : memref<40xi32, #tpu.memory_space<vmem>>) target_semaphore(%arg22 : memref<!tpu.dma_semaphore, #tpu.memory_space<semaphore_mem>>)
      } else {
      }
      %ge3A_468 = arith.constant 2 : i32
      %ge3A_469 = arith.cmpi sge, %add3A_460, %ge3A_468 : i32
      %convert_element_type3A_470 = arith.extui %ge3A_469 : i1 to i32
      %cond3A_471 = arith.constant 0 : i32
      %cond3A_472 = arith.cmpi ne, %convert_element_type3A_470, %cond3A_471 : i32
      scf.if %cond3A_472 {
        %dma_wait3A_750 = arith.constant 2 : i32
        %dma_wait3A_751 = arith.constant 0 : i32
        %dma_wait3A_752 = arith.constant 0 : i32
        %dma_wait3A_753 = tpu.memref_slice %arg9[%dma_wait3A_750, %dma_wait3A_751, %dma_wait3A_752] : memref<5x40x128xf32, #tpu.memory_space<vmem>> -> memref<1x40x128xf32, #tpu.memory_space<vmem>>
        %dma_wait3A_754 = tpu.memref_squeeze %dma_wait3A_753 : memref<1x40x128xf32, #tpu.memory_space<vmem>> -> memref<40x128xf32, #tpu.memory_space<vmem>>
        %dma_wait3A_755 = arith.constant 40 : i32
        %dma_wait3A_756 = tpu.memref_slice %arg14[%dma_wait3A_755] : memref<80xi32, #tpu.memory_space<vmem>> -> memref<40xi32, #tpu.memory_space<vmem>>
        %dma_wait3A_757 = arith.constant 0 : i32
        %dma_wait3A_758 = arith.constant 0 : i32
        %dma_wait3A_759 = tpu.memref_slice %arg10[%dma_wait3A_757, %dma_wait3A_758] : memref<10240x128xf32, #tpu.memory_space<vmem_shared>> -> memref<10240x128xf32, #tpu.memory_space<vmem_shared>>
        tpu.wait_indirect_dma semaphore(%arg39 : memref<!tpu.dma_semaphore, #tpu.memory_space<semaphore_mem>>) src(%dma_wait3A_754 : memref<40x128xf32, #tpu.memory_space<vmem>>) dst(%dma_wait3A_759 : memref<10240x128xf32, #tpu.memory_space<vmem_shared>>)
        %dma_wait3A_760 = arith.constant 40 : i32
        %dma_wait3A_761 = tpu.memref_slice %arg14[%dma_wait3A_760] : memref<80xi32, #tpu.memory_space<vmem>> -> memref<40xi32, #tpu.memory_space<vmem>>
        %dma_wait3A_762 = arith.constant 0 : i32
        %dma_wait3A_763 = tpu.memref_slice %arg11[%dma_wait3A_762] : memref<10240xf32, #tpu.memory_space<vmem_shared>> -> memref<10240xf32, #tpu.memory_space<vmem_shared>>
        tpu.wait_indirect_dma semaphore(%arg39 : memref<!tpu.dma_semaphore, #tpu.memory_space<semaphore_mem>>) src(%arg8 : memref<40xf32, #tpu.memory_space<vmem>>) dst(%dma_wait3A_763 : memref<10240xf32, #tpu.memory_space<vmem_shared>>)
      } else {
      }
      %add3A_473 = arith.constant 3 : i32
      %add3A_474 = arith.addi %add3A_460, %add3A_473 : i32
      %lt3A_475 = arith.constant 250 : i32
      %lt3A_476 = arith.cmpi slt, %add3A_474, %lt3A_475 : i32
      %convert_element_type3A_477 = arith.extui %lt3A_476 : i1 to i32
      %cond3A_478 = arith.constant 0 : i32
      %cond3A_479 = arith.cmpi ne, %convert_element_type3A_477, %cond3A_478 : i32
      scf.if %cond3A_479 {
        %dma_wait3A_750 = arith.constant 0 : i32
        %dma_wait3A_751 = tpu.memref_slice %arg19[%dma_wait3A_750] : memref<80xi32, #tpu.memory_space<vmem>> -> memref<40xi32, #tpu.memory_space<vmem>>
        %dma_wait3A_752 = tpu.memref_slice %arg3[%mul3A_31] : memref<640000xi32, #tpu.memory_space<hbm>> -> memref<40xi32, #tpu.memory_space<hbm>>
        %dma_wait3A_753 = arith.constant 0 : i32
        %dma_wait3A_754 = tpu.memref_slice %arg19[%dma_wait3A_753] : memref<80xi32, #tpu.memory_space<vmem>> -> memref<40xi32, #tpu.memory_space<vmem>>
        %dma_wait3A_755 = tpu.memref_slice %arg3[%mul3A_31] : memref<640000xi32, #tpu.memory_space<hbm>> -> memref<40xi32, #tpu.memory_space<hbm>>
        tpu.wait_dma2 semaphore(%arg29 : memref<!tpu.dma_semaphore, #tpu.memory_space<semaphore_mem>>) src(%dma_wait3A_755 : memref<40xi32, #tpu.memory_space<hbm>>) dst(%dma_wait3A_754 : memref<40xi32, #tpu.memory_space<vmem>>)
        %dma_wait3A_756 = arith.constant 40 : i32
        %dma_wait3A_757 = tpu.memref_slice %arg19[%dma_wait3A_756] : memref<80xi32, #tpu.memory_space<vmem>> -> memref<40xi32, #tpu.memory_space<vmem>>
        %dma_wait3A_758 = tpu.memref_slice %arg3[%mul3A_31] : memref<640000xi32, #tpu.memory_space<hbm>> -> memref<40xi32, #tpu.memory_space<hbm>>
        %dma_wait3A_759 = arith.constant 40 : i32
        %dma_wait3A_760 = tpu.memref_slice %arg19[%dma_wait3A_759] : memref<80xi32, #tpu.memory_space<vmem>> -> memref<40xi32, #tpu.memory_space<vmem>>
        %dma_wait3A_761 = tpu.memref_slice %arg3[%mul3A_31] : memref<640000xi32, #tpu.memory_space<hbm>> -> memref<40xi32, #tpu.memory_space<hbm>>
        tpu.wait_dma2 semaphore(%arg29 : memref<!tpu.dma_semaphore, #tpu.memory_space<semaphore_mem>>) src(%dma_wait3A_761 : memref<40xi32, #tpu.memory_space<hbm>>) dst(%dma_wait3A_760 : memref<40xi32, #tpu.memory_space<vmem>>)
        %dma_start3A_762 = arith.constant 2 : i32
        %dma_start3A_763 = arith.constant 0 : i32
        %dma_start3A_764 = arith.constant 0 : i32
        %dma_start3A_765 = tpu.memref_slice %arg9[%dma_start3A_762, %dma_start3A_763, %dma_start3A_764] : memref<5x40x128xf32, #tpu.memory_space<vmem>> -> memref<1x40x128xf32, #tpu.memory_space<vmem>>
        %dma_start3A_766 = tpu.memref_squeeze %dma_start3A_765 : memref<1x40x128xf32, #tpu.memory_space<vmem>> -> memref<40x128xf32, #tpu.memory_space<vmem>>
        %dma_start3A_767 = arith.constant 0 : i32
        %dma_start3A_768 = tpu.memref_slice %arg19[%dma_start3A_767] : memref<80xi32, #tpu.memory_space<vmem>> -> memref<40xi32, #tpu.memory_space<vmem>>
        %dma_start3A_769 = arith.constant 0 : i32
        %dma_start3A_770 = arith.constant 0 : i32
        %dma_start3A_771 = tpu.memref_slice %arg2[%dma_start3A_769, %dma_start3A_770] : memref<10000x128xf32, #tpu.memory_space<hbm>> -> memref<10000x128xf32, #tpu.memory_space<hbm>>
        tpu.enqueue_indirect_dma source(%dma_start3A_771 : memref<10000x128xf32, #tpu.memory_space<hbm>>) target(%dma_start3A_766 : memref<40x128xf32, #tpu.memory_space<vmem>>) offsets(%dma_start3A_768 : memref<40xi32, #tpu.memory_space<vmem>>) semaphore(%arg34 : memref<!tpu.dma_semaphore, #tpu.memory_space<semaphore_mem>>)
      } else {
      }
      %dma_wait3A_480 = arith.constant 4 : i32
      %dma_wait3A_481 = arith.constant 0 : i32
      %dma_wait3A_482 = arith.constant 0 : i32
      %dma_wait3A_483 = tpu.memref_slice %arg9[%dma_wait3A_480, %dma_wait3A_481, %dma_wait3A_482] : memref<5x40x128xf32, #tpu.memory_space<vmem>> -> memref<1x40x128xf32, #tpu.memory_space<vmem>>
      %dma_wait3A_484 = tpu.memref_squeeze %dma_wait3A_483 : memref<1x40x128xf32, #tpu.memory_space<vmem>> -> memref<40x128xf32, #tpu.memory_space<vmem>>
      %dma_wait3A_485 = arith.constant 0 : i32
      %dma_wait3A_486 = tpu.memref_slice %arg12[%dma_wait3A_485] : memref<80xi32, #tpu.memory_space<vmem>> -> memref<40xi32, #tpu.memory_space<vmem>>
      %dma_wait3A_487 = arith.constant 0 : i32
      %dma_wait3A_488 = arith.constant 0 : i32
      %dma_wait3A_489 = tpu.memref_slice %arg2[%dma_wait3A_487, %dma_wait3A_488] : memref<10000x128xf32, #tpu.memory_space<hbm>> -> memref<10000x128xf32, #tpu.memory_space<hbm>>
      tpu.wait_indirect_dma semaphore(%arg36 : memref<!tpu.dma_semaphore, #tpu.memory_space<semaphore_mem>>) src(%dma_wait3A_489 : memref<10000x128xf32, #tpu.memory_space<hbm>>) dst(%dma_wait3A_484 : memref<40x128xf32, #tpu.memory_space<vmem>>)
      %dma_start3A_490 = arith.constant 4 : i32
      %dma_start3A_491 = arith.constant 0 : i32
      %dma_start3A_492 = arith.constant 0 : i32
      %dma_start3A_493 = tpu.memref_slice %arg9[%dma_start3A_490, %dma_start3A_491, %dma_start3A_492] : memref<5x40x128xf32, #tpu.memory_space<vmem>> -> memref<1x40x128xf32, #tpu.memory_space<vmem>>
      %dma_start3A_494 = tpu.memref_squeeze %dma_start3A_493 : memref<1x40x128xf32, #tpu.memory_space<vmem>> -> memref<40x128xf32, #tpu.memory_space<vmem>>
      %dma_start3A_495 = arith.constant 40 : i32
      %dma_start3A_496 = tpu.memref_slice %arg16[%dma_start3A_495] : memref<80xi32, #tpu.memory_space<vmem>> -> memref<40xi32, #tpu.memory_space<vmem>>
      %dma_start3A_497 = arith.constant 0 : i32
      %dma_start3A_498 = arith.constant 0 : i32
      %dma_start3A_499 = tpu.memref_slice %arg10[%dma_start3A_497, %dma_start3A_498] : memref<10240x128xf32, #tpu.memory_space<vmem_shared>> -> memref<10240x128xf32, #tpu.memory_space<vmem_shared>>
      tpu.enqueue_indirect_dma source(%dma_start3A_494 : memref<40x128xf32, #tpu.memory_space<vmem>>) target(%dma_start3A_499 : memref<10240x128xf32, #tpu.memory_space<vmem_shared>>) offsets(%dma_start3A_496 : memref<40xi32, #tpu.memory_space<vmem>>) semaphore(%arg41 : memref<!tpu.dma_semaphore, #tpu.memory_space<semaphore_mem>>) {add = true}
      %dma_start3A_500 = arith.constant 40 : i32
      %dma_start3A_501 = tpu.memref_slice %arg16[%dma_start3A_500] : memref<80xi32, #tpu.memory_space<vmem>> -> memref<40xi32, #tpu.memory_space<vmem>>
      %dma_start3A_502 = arith.constant 0 : i32
      %dma_start3A_503 = tpu.memref_slice %arg11[%dma_start3A_502] : memref<10240xf32, #tpu.memory_space<vmem_shared>> -> memref<10240xf32, #tpu.memory_space<vmem_shared>>
      tpu.enqueue_indirect_dma source(%arg8 : memref<40xf32, #tpu.memory_space<vmem>>) target(%dma_start3A_503 : memref<10240xf32, #tpu.memory_space<vmem_shared>>) offsets(%dma_start3A_501 : memref<40xi32, #tpu.memory_space<vmem>>) semaphore(%arg41 : memref<!tpu.dma_semaphore, #tpu.memory_space<semaphore_mem>>) {add = true}
      %mul3A_504 = arith.constant 2 : i32
      %mul3A_505 = arith.muli %scan3A_261, %mul3A_504 : i32
      %mul3A_506 = arith.constant 5 : i32
      %mul3A_507 = arith.muli %mul3A_505, %mul3A_506 : i32
      %add3A_508 = arith.constant 5 : i32
      %add3A_509 = arith.addi %mul3A_507, %add3A_508 : i32
      %add3A_510 = arith.constant 6 : i32
      %add3A_511 = arith.addi %add3A_509, %add3A_510 : i32
      %lt3A_512 = arith.constant 250 : i32
      %lt3A_513 = arith.cmpi slt, %add3A_511, %lt3A_512 : i32
      %convert_element_type3A_514 = arith.extui %lt3A_513 : i1 to i32
      %cond3A_515 = arith.constant 0 : i32
      %cond3A_516 = arith.cmpi ne, %convert_element_type3A_514, %cond3A_515 : i32
      scf.if %cond3A_516 {
        %add3A_750 = arith.constant 6 : i32
        %add3A_751 = arith.addi %add3A_509, %add3A_750 : i32
        %mul3A_752 = arith.constant 40 : i32
        %mul3A_753 = arith.muli %add3A_751, %mul3A_752 : i32
        %add3A_754 = arith.addi %mul3A_31, %mul3A_753 : i32
        %dma_start3A_755 = arith.constant 0 : i32
        %dma_start3A_756 = tpu.memref_slice %arg13[%dma_start3A_755] : memref<80xi32, #tpu.memory_space<vmem>> -> memref<40xi32, #tpu.memory_space<vmem>>
        %dma_start3A_757 = tpu.memref_slice %arg3[%add3A_754] : memref<640000xi32, #tpu.memory_space<hbm>> -> memref<40xi32, #tpu.memory_space<hbm>>
        %dma_start3A_758 = arith.constant 0 : i32
        %dma_start3A_759 = tpu.memref_slice %arg13[%dma_start3A_758] : memref<80xi32, #tpu.memory_space<vmem>> -> memref<40xi32, #tpu.memory_space<vmem>>
        %dma_start3A_760 = tpu.memref_slice %arg3[%add3A_754] : memref<640000xi32, #tpu.memory_space<hbm>> -> memref<40xi32, #tpu.memory_space<hbm>>
        tpu.enqueue_dma source(%dma_start3A_760 : memref<40xi32, #tpu.memory_space<hbm>>) target(%dma_start3A_759 : memref<40xi32, #tpu.memory_space<vmem>>) target_semaphore(%arg23 : memref<!tpu.dma_semaphore, #tpu.memory_space<semaphore_mem>>)
        %add3A_761 = arith.constant 320000 : i32
        %add3A_762 = arith.addi %add3A_761, %mul3A_31 : i32
        %mul3A_763 = arith.constant 40 : i32
        %mul3A_764 = arith.muli %add3A_751, %mul3A_763 : i32
        %add3A_765 = arith.addi %add3A_762, %mul3A_764 : i32
        %dma_start3A_766 = arith.constant 40 : i32
        %dma_start3A_767 = tpu.memref_slice %arg13[%dma_start3A_766] : memref<80xi32, #tpu.memory_space<vmem>> -> memref<40xi32, #tpu.memory_space<vmem>>
        %dma_start3A_768 = tpu.memref_slice %arg3[%add3A_765] : memref<640000xi32, #tpu.memory_space<hbm>> -> memref<40xi32, #tpu.memory_space<hbm>>
        %dma_start3A_769 = arith.constant 40 : i32
        %dma_start3A_770 = tpu.memref_slice %arg13[%dma_start3A_769] : memref<80xi32, #tpu.memory_space<vmem>> -> memref<40xi32, #tpu.memory_space<vmem>>
        %dma_start3A_771 = tpu.memref_slice %arg3[%add3A_765] : memref<640000xi32, #tpu.memory_space<hbm>> -> memref<40xi32, #tpu.memory_space<hbm>>
        tpu.enqueue_dma source(%dma_start3A_771 : memref<40xi32, #tpu.memory_space<hbm>>) target(%dma_start3A_770 : memref<40xi32, #tpu.memory_space<vmem>>) target_semaphore(%arg23 : memref<!tpu.dma_semaphore, #tpu.memory_space<semaphore_mem>>)
      } else {
      }
      %ge3A_517 = arith.constant 2 : i32
      %ge3A_518 = arith.cmpi sge, %add3A_509, %ge3A_517 : i32
      %convert_element_type3A_519 = arith.extui %ge3A_518 : i1 to i32
      %cond3A_520 = arith.constant 0 : i32
      %cond3A_521 = arith.cmpi ne, %convert_element_type3A_519, %cond3A_520 : i32
      scf.if %cond3A_521 {
        %dma_wait3A_750 = arith.constant 3 : i32
        %dma_wait3A_751 = arith.constant 0 : i32
        %dma_wait3A_752 = arith.constant 0 : i32
        %dma_wait3A_753 = tpu.memref_slice %arg9[%dma_wait3A_750, %dma_wait3A_751, %dma_wait3A_752] : memref<5x40x128xf32, #tpu.memory_space<vmem>> -> memref<1x40x128xf32, #tpu.memory_space<vmem>>
        %dma_wait3A_754 = tpu.memref_squeeze %dma_wait3A_753 : memref<1x40x128xf32, #tpu.memory_space<vmem>> -> memref<40x128xf32, #tpu.memory_space<vmem>>
        %dma_wait3A_755 = arith.constant 40 : i32
        %dma_wait3A_756 = tpu.memref_slice %arg15[%dma_wait3A_755] : memref<80xi32, #tpu.memory_space<vmem>> -> memref<40xi32, #tpu.memory_space<vmem>>
        %dma_wait3A_757 = arith.constant 0 : i32
        %dma_wait3A_758 = arith.constant 0 : i32
        %dma_wait3A_759 = tpu.memref_slice %arg10[%dma_wait3A_757, %dma_wait3A_758] : memref<10240x128xf32, #tpu.memory_space<vmem_shared>> -> memref<10240x128xf32, #tpu.memory_space<vmem_shared>>
        tpu.wait_indirect_dma semaphore(%arg40 : memref<!tpu.dma_semaphore, #tpu.memory_space<semaphore_mem>>) src(%dma_wait3A_754 : memref<40x128xf32, #tpu.memory_space<vmem>>) dst(%dma_wait3A_759 : memref<10240x128xf32, #tpu.memory_space<vmem_shared>>)
        %dma_wait3A_760 = arith.constant 40 : i32
        %dma_wait3A_761 = tpu.memref_slice %arg15[%dma_wait3A_760] : memref<80xi32, #tpu.memory_space<vmem>> -> memref<40xi32, #tpu.memory_space<vmem>>
        %dma_wait3A_762 = arith.constant 0 : i32
        %dma_wait3A_763 = tpu.memref_slice %arg11[%dma_wait3A_762] : memref<10240xf32, #tpu.memory_space<vmem_shared>> -> memref<10240xf32, #tpu.memory_space<vmem_shared>>
        tpu.wait_indirect_dma semaphore(%arg40 : memref<!tpu.dma_semaphore, #tpu.memory_space<semaphore_mem>>) src(%arg8 : memref<40xf32, #tpu.memory_space<vmem>>) dst(%dma_wait3A_763 : memref<10240xf32, #tpu.memory_space<vmem_shared>>)
      } else {
      }
      %add3A_522 = arith.constant 3 : i32
      %add3A_523 = arith.addi %add3A_509, %add3A_522 : i32
      %lt3A_524 = arith.constant 250 : i32
      %lt3A_525 = arith.cmpi slt, %add3A_523, %lt3A_524 : i32
      %convert_element_type3A_526 = arith.extui %lt3A_525 : i1 to i32
      %cond3A_527 = arith.constant 0 : i32
      %cond3A_528 = arith.cmpi ne, %convert_element_type3A_526, %cond3A_527 : i32
      scf.if %cond3A_528 {
        %dma_wait3A_750 = arith.constant 0 : i32
        %dma_wait3A_751 = tpu.memref_slice %arg20[%dma_wait3A_750] : memref<80xi32, #tpu.memory_space<vmem>> -> memref<40xi32, #tpu.memory_space<vmem>>
        %dma_wait3A_752 = tpu.memref_slice %arg3[%mul3A_31] : memref<640000xi32, #tpu.memory_space<hbm>> -> memref<40xi32, #tpu.memory_space<hbm>>
        %dma_wait3A_753 = arith.constant 0 : i32
        %dma_wait3A_754 = tpu.memref_slice %arg20[%dma_wait3A_753] : memref<80xi32, #tpu.memory_space<vmem>> -> memref<40xi32, #tpu.memory_space<vmem>>
        %dma_wait3A_755 = tpu.memref_slice %arg3[%mul3A_31] : memref<640000xi32, #tpu.memory_space<hbm>> -> memref<40xi32, #tpu.memory_space<hbm>>
        tpu.wait_dma2 semaphore(%arg30 : memref<!tpu.dma_semaphore, #tpu.memory_space<semaphore_mem>>) src(%dma_wait3A_755 : memref<40xi32, #tpu.memory_space<hbm>>) dst(%dma_wait3A_754 : memref<40xi32, #tpu.memory_space<vmem>>)
        %dma_wait3A_756 = arith.constant 40 : i32
        %dma_wait3A_757 = tpu.memref_slice %arg20[%dma_wait3A_756] : memref<80xi32, #tpu.memory_space<vmem>> -> memref<40xi32, #tpu.memory_space<vmem>>
        %dma_wait3A_758 = tpu.memref_slice %arg3[%mul3A_31] : memref<640000xi32, #tpu.memory_space<hbm>> -> memref<40xi32, #tpu.memory_space<hbm>>
        %dma_wait3A_759 = arith.constant 40 : i32
        %dma_wait3A_760 = tpu.memref_slice %arg20[%dma_wait3A_759] : memref<80xi32, #tpu.memory_space<vmem>> -> memref<40xi32, #tpu.memory_space<vmem>>
        %dma_wait3A_761 = tpu.memref_slice %arg3[%mul3A_31] : memref<640000xi32, #tpu.memory_space<hbm>> -> memref<40xi32, #tpu.memory_space<hbm>>
        tpu.wait_dma2 semaphore(%arg30 : memref<!tpu.dma_semaphore, #tpu.memory_space<semaphore_mem>>) src(%dma_wait3A_761 : memref<40xi32, #tpu.memory_space<hbm>>) dst(%dma_wait3A_760 : memref<40xi32, #tpu.memory_space<vmem>>)
        %dma_start3A_762 = arith.constant 3 : i32
        %dma_start3A_763 = arith.constant 0 : i32
        %dma_start3A_764 = arith.constant 0 : i32
        %dma_start3A_765 = tpu.memref_slice %arg9[%dma_start3A_762, %dma_start3A_763, %dma_start3A_764] : memref<5x40x128xf32, #tpu.memory_space<vmem>> -> memref<1x40x128xf32, #tpu.memory_space<vmem>>
        %dma_start3A_766 = tpu.memref_squeeze %dma_start3A_765 : memref<1x40x128xf32, #tpu.memory_space<vmem>> -> memref<40x128xf32, #tpu.memory_space<vmem>>
        %dma_start3A_767 = arith.constant 0 : i32
        %dma_start3A_768 = tpu.memref_slice %arg20[%dma_start3A_767] : memref<80xi32, #tpu.memory_space<vmem>> -> memref<40xi32, #tpu.memory_space<vmem>>
        %dma_start3A_769 = arith.constant 0 : i32
        %dma_start3A_770 = arith.constant 0 : i32
        %dma_start3A_771 = tpu.memref_slice %arg2[%dma_start3A_769, %dma_start3A_770] : memref<10000x128xf32, #tpu.memory_space<hbm>> -> memref<10000x128xf32, #tpu.memory_space<hbm>>
        tpu.enqueue_indirect_dma source(%dma_start3A_771 : memref<10000x128xf32, #tpu.memory_space<hbm>>) target(%dma_start3A_766 : memref<40x128xf32, #tpu.memory_space<vmem>>) offsets(%dma_start3A_768 : memref<40xi32, #tpu.memory_space<vmem>>) semaphore(%arg35 : memref<!tpu.dma_semaphore, #tpu.memory_space<semaphore_mem>>)
      } else {
      }
      %dma_wait3A_529 = arith.constant 0 : i32
      %dma_wait3A_530 = arith.constant 0 : i32
      %dma_wait3A_531 = arith.constant 0 : i32
      %dma_wait3A_532 = tpu.memref_slice %arg9[%dma_wait3A_529, %dma_wait3A_530, %dma_wait3A_531] : memref<5x40x128xf32, #tpu.memory_space<vmem>> -> memref<1x40x128xf32, #tpu.memory_space<vmem>>
      %dma_wait3A_533 = tpu.memref_squeeze %dma_wait3A_532 : memref<1x40x128xf32, #tpu.memory_space<vmem>> -> memref<40x128xf32, #tpu.memory_space<vmem>>
      %dma_wait3A_534 = arith.constant 0 : i32
      %dma_wait3A_535 = tpu.memref_slice %arg12[%dma_wait3A_534] : memref<80xi32, #tpu.memory_space<vmem>> -> memref<40xi32, #tpu.memory_space<vmem>>
      %dma_wait3A_536 = arith.constant 0 : i32
      %dma_wait3A_537 = arith.constant 0 : i32
      %dma_wait3A_538 = tpu.memref_slice %arg2[%dma_wait3A_536, %dma_wait3A_537] : memref<10000x128xf32, #tpu.memory_space<hbm>> -> memref<10000x128xf32, #tpu.memory_space<hbm>>
      tpu.wait_indirect_dma semaphore(%arg32 : memref<!tpu.dma_semaphore, #tpu.memory_space<semaphore_mem>>) src(%dma_wait3A_538 : memref<10000x128xf32, #tpu.memory_space<hbm>>) dst(%dma_wait3A_533 : memref<40x128xf32, #tpu.memory_space<vmem>>)
      %dma_start3A_539 = arith.constant 0 : i32
      %dma_start3A_540 = arith.constant 0 : i32
      %dma_start3A_541 = arith.constant 0 : i32
      %dma_start3A_542 = tpu.memref_slice %arg9[%dma_start3A_539, %dma_start3A_540, %dma_start3A_541] : memref<5x40x128xf32, #tpu.memory_space<vmem>> -> memref<1x40x128xf32, #tpu.memory_space<vmem>>
      %dma_start3A_543 = tpu.memref_squeeze %dma_start3A_542 : memref<1x40x128xf32, #tpu.memory_space<vmem>> -> memref<40x128xf32, #tpu.memory_space<vmem>>
      %dma_start3A_544 = arith.constant 40 : i32
      %dma_start3A_545 = tpu.memref_slice %arg17[%dma_start3A_544] : memref<80xi32, #tpu.memory_space<vmem>> -> memref<40xi32, #tpu.memory_space<vmem>>
      %dma_start3A_546 = arith.constant 0 : i32
      %dma_start3A_547 = arith.constant 0 : i32
      %dma_start3A_548 = tpu.memref_slice %arg10[%dma_start3A_546, %dma_start3A_547] : memref<10240x128xf32, #tpu.memory_space<vmem_shared>> -> memref<10240x128xf32, #tpu.memory_space<vmem_shared>>
      tpu.enqueue_indirect_dma source(%dma_start3A_543 : memref<40x128xf32, #tpu.memory_space<vmem>>) target(%dma_start3A_548 : memref<10240x128xf32, #tpu.memory_space<vmem_shared>>) offsets(%dma_start3A_545 : memref<40xi32, #tpu.memory_space<vmem>>) semaphore(%arg37 : memref<!tpu.dma_semaphore, #tpu.memory_space<semaphore_mem>>) {add = true}
      %dma_start3A_549 = arith.constant 40 : i32
      %dma_start3A_550 = tpu.memref_slice %arg17[%dma_start3A_549] : memref<80xi32, #tpu.memory_space<vmem>> -> memref<40xi32, #tpu.memory_space<vmem>>
      %dma_start3A_551 = arith.constant 0 : i32
      %dma_start3A_552 = tpu.memref_slice %arg11[%dma_start3A_551] : memref<10240xf32, #tpu.memory_space<vmem_shared>> -> memref<10240xf32, #tpu.memory_space<vmem_shared>>
      tpu.enqueue_indirect_dma source(%arg8 : memref<40xf32, #tpu.memory_space<vmem>>) target(%dma_start3A_552 : memref<10240xf32, #tpu.memory_space<vmem_shared>>) offsets(%dma_start3A_550 : memref<40xi32, #tpu.memory_space<vmem>>) semaphore(%arg37 : memref<!tpu.dma_semaphore, #tpu.memory_space<semaphore_mem>>) {add = true}
      %mul3A_553 = arith.constant 2 : i32
      %mul3A_554 = arith.muli %scan3A_261, %mul3A_553 : i32
      %mul3A_555 = arith.constant 5 : i32
      %mul3A_556 = arith.muli %mul3A_554, %mul3A_555 : i32
      %add3A_557 = arith.constant 6 : i32
      %add3A_558 = arith.addi %mul3A_556, %add3A_557 : i32
      %add3A_559 = arith.constant 6 : i32
      %add3A_560 = arith.addi %add3A_558, %add3A_559 : i32
      %lt3A_561 = arith.constant 250 : i32
      %lt3A_562 = arith.cmpi slt, %add3A_560, %lt3A_561 : i32
      %convert_element_type3A_563 = arith.extui %lt3A_562 : i1 to i32
      %cond3A_564 = arith.constant 0 : i32
      %cond3A_565 = arith.cmpi ne, %convert_element_type3A_563, %cond3A_564 : i32
      scf.if %cond3A_565 {
        %add3A_750 = arith.constant 6 : i32
        %add3A_751 = arith.addi %add3A_558, %add3A_750 : i32
        %mul3A_752 = arith.constant 40 : i32
        %mul3A_753 = arith.muli %add3A_751, %mul3A_752 : i32
        %add3A_754 = arith.addi %mul3A_31, %mul3A_753 : i32
        %dma_start3A_755 = arith.constant 0 : i32
        %dma_start3A_756 = tpu.memref_slice %arg14[%dma_start3A_755] : memref<80xi32, #tpu.memory_space<vmem>> -> memref<40xi32, #tpu.memory_space<vmem>>
        %dma_start3A_757 = tpu.memref_slice %arg3[%add3A_754] : memref<640000xi32, #tpu.memory_space<hbm>> -> memref<40xi32, #tpu.memory_space<hbm>>
        %dma_start3A_758 = arith.constant 0 : i32
        %dma_start3A_759 = tpu.memref_slice %arg14[%dma_start3A_758] : memref<80xi32, #tpu.memory_space<vmem>> -> memref<40xi32, #tpu.memory_space<vmem>>
        %dma_start3A_760 = tpu.memref_slice %arg3[%add3A_754] : memref<640000xi32, #tpu.memory_space<hbm>> -> memref<40xi32, #tpu.memory_space<hbm>>
        tpu.enqueue_dma source(%dma_start3A_760 : memref<40xi32, #tpu.memory_space<hbm>>) target(%dma_start3A_759 : memref<40xi32, #tpu.memory_space<vmem>>) target_semaphore(%arg24 : memref<!tpu.dma_semaphore, #tpu.memory_space<semaphore_mem>>)
        %add3A_761 = arith.constant 320000 : i32
        %add3A_762 = arith.addi %add3A_761, %mul3A_31 : i32
        %mul3A_763 = arith.constant 40 : i32
        %mul3A_764 = arith.muli %add3A_751, %mul3A_763 : i32
        %add3A_765 = arith.addi %add3A_762, %mul3A_764 : i32
        %dma_start3A_766 = arith.constant 40 : i32
        %dma_start3A_767 = tpu.memref_slice %arg14[%dma_start3A_766] : memref<80xi32, #tpu.memory_space<vmem>> -> memref<40xi32, #tpu.memory_space<vmem>>
        %dma_start3A_768 = tpu.memref_slice %arg3[%add3A_765] : memref<640000xi32, #tpu.memory_space<hbm>> -> memref<40xi32, #tpu.memory_space<hbm>>
        %dma_start3A_769 = arith.constant 40 : i32
        %dma_start3A_770 = tpu.memref_slice %arg14[%dma_start3A_769] : memref<80xi32, #tpu.memory_space<vmem>> -> memref<40xi32, #tpu.memory_space<vmem>>
        %dma_start3A_771 = tpu.memref_slice %arg3[%add3A_765] : memref<640000xi32, #tpu.memory_space<hbm>> -> memref<40xi32, #tpu.memory_space<hbm>>
        tpu.enqueue_dma source(%dma_start3A_771 : memref<40xi32, #tpu.memory_space<hbm>>) target(%dma_start3A_770 : memref<40xi32, #tpu.memory_space<vmem>>) target_semaphore(%arg24 : memref<!tpu.dma_semaphore, #tpu.memory_space<semaphore_mem>>)
      } else {
      }
      %ge3A_566 = arith.constant 2 : i32
      %ge3A_567 = arith.cmpi sge, %add3A_558, %ge3A_566 : i32
      %convert_element_type3A_568 = arith.extui %ge3A_567 : i1 to i32
      %cond3A_569 = arith.constant 0 : i32
      %cond3A_570 = arith.cmpi ne, %convert_element_type3A_568, %cond3A_569 : i32
      scf.if %cond3A_570 {
        %dma_wait3A_750 = arith.constant 4 : i32
        %dma_wait3A_751 = arith.constant 0 : i32
        %dma_wait3A_752 = arith.constant 0 : i32
        %dma_wait3A_753 = tpu.memref_slice %arg9[%dma_wait3A_750, %dma_wait3A_751, %dma_wait3A_752] : memref<5x40x128xf32, #tpu.memory_space<vmem>> -> memref<1x40x128xf32, #tpu.memory_space<vmem>>
        %dma_wait3A_754 = tpu.memref_squeeze %dma_wait3A_753 : memref<1x40x128xf32, #tpu.memory_space<vmem>> -> memref<40x128xf32, #tpu.memory_space<vmem>>
        %dma_wait3A_755 = arith.constant 40 : i32
        %dma_wait3A_756 = tpu.memref_slice %arg16[%dma_wait3A_755] : memref<80xi32, #tpu.memory_space<vmem>> -> memref<40xi32, #tpu.memory_space<vmem>>
        %dma_wait3A_757 = arith.constant 0 : i32
        %dma_wait3A_758 = arith.constant 0 : i32
        %dma_wait3A_759 = tpu.memref_slice %arg10[%dma_wait3A_757, %dma_wait3A_758] : memref<10240x128xf32, #tpu.memory_space<vmem_shared>> -> memref<10240x128xf32, #tpu.memory_space<vmem_shared>>
        tpu.wait_indirect_dma semaphore(%arg41 : memref<!tpu.dma_semaphore, #tpu.memory_space<semaphore_mem>>) src(%dma_wait3A_754 : memref<40x128xf32, #tpu.memory_space<vmem>>) dst(%dma_wait3A_759 : memref<10240x128xf32, #tpu.memory_space<vmem_shared>>)
        %dma_wait3A_760 = arith.constant 40 : i32
        %dma_wait3A_761 = tpu.memref_slice %arg16[%dma_wait3A_760] : memref<80xi32, #tpu.memory_space<vmem>> -> memref<40xi32, #tpu.memory_space<vmem>>
        %dma_wait3A_762 = arith.constant 0 : i32
        %dma_wait3A_763 = tpu.memref_slice %arg11[%dma_wait3A_762] : memref<10240xf32, #tpu.memory_space<vmem_shared>> -> memref<10240xf32, #tpu.memory_space<vmem_shared>>
        tpu.wait_indirect_dma semaphore(%arg41 : memref<!tpu.dma_semaphore, #tpu.memory_space<semaphore_mem>>) src(%arg8 : memref<40xf32, #tpu.memory_space<vmem>>) dst(%dma_wait3A_763 : memref<10240xf32, #tpu.memory_space<vmem_shared>>)
      } else {
      }
      %add3A_571 = arith.constant 3 : i32
      %add3A_572 = arith.addi %add3A_558, %add3A_571 : i32
      %lt3A_573 = arith.constant 250 : i32
      %lt3A_574 = arith.cmpi slt, %add3A_572, %lt3A_573 : i32
      %convert_element_type3A_575 = arith.extui %lt3A_574 : i1 to i32
      %cond3A_576 = arith.constant 0 : i32
      %cond3A_577 = arith.cmpi ne, %convert_element_type3A_575, %cond3A_576 : i32
      scf.if %cond3A_577 {
        %dma_wait3A_750 = arith.constant 0 : i32
        %dma_wait3A_751 = tpu.memref_slice %arg21[%dma_wait3A_750] : memref<80xi32, #tpu.memory_space<vmem>> -> memref<40xi32, #tpu.memory_space<vmem>>
        %dma_wait3A_752 = tpu.memref_slice %arg3[%mul3A_31] : memref<640000xi32, #tpu.memory_space<hbm>> -> memref<40xi32, #tpu.memory_space<hbm>>
        %dma_wait3A_753 = arith.constant 0 : i32
        %dma_wait3A_754 = tpu.memref_slice %arg21[%dma_wait3A_753] : memref<80xi32, #tpu.memory_space<vmem>> -> memref<40xi32, #tpu.memory_space<vmem>>
        %dma_wait3A_755 = tpu.memref_slice %arg3[%mul3A_31] : memref<640000xi32, #tpu.memory_space<hbm>> -> memref<40xi32, #tpu.memory_space<hbm>>
        tpu.wait_dma2 semaphore(%arg31 : memref<!tpu.dma_semaphore, #tpu.memory_space<semaphore_mem>>) src(%dma_wait3A_755 : memref<40xi32, #tpu.memory_space<hbm>>) dst(%dma_wait3A_754 : memref<40xi32, #tpu.memory_space<vmem>>)
        %dma_wait3A_756 = arith.constant 40 : i32
        %dma_wait3A_757 = tpu.memref_slice %arg21[%dma_wait3A_756] : memref<80xi32, #tpu.memory_space<vmem>> -> memref<40xi32, #tpu.memory_space<vmem>>
        %dma_wait3A_758 = tpu.memref_slice %arg3[%mul3A_31] : memref<640000xi32, #tpu.memory_space<hbm>> -> memref<40xi32, #tpu.memory_space<hbm>>
        %dma_wait3A_759 = arith.constant 40 : i32
        %dma_wait3A_760 = tpu.memref_slice %arg21[%dma_wait3A_759] : memref<80xi32, #tpu.memory_space<vmem>> -> memref<40xi32, #tpu.memory_space<vmem>>
        %dma_wait3A_761 = tpu.memref_slice %arg3[%mul3A_31] : memref<640000xi32, #tpu.memory_space<hbm>> -> memref<40xi32, #tpu.memory_space<hbm>>
        tpu.wait_dma2 semaphore(%arg31 : memref<!tpu.dma_semaphore, #tpu.memory_space<semaphore_mem>>) src(%dma_wait3A_761 : memref<40xi32, #tpu.memory_space<hbm>>) dst(%dma_wait3A_760 : memref<40xi32, #tpu.memory_space<vmem>>)
        %dma_start3A_762 = arith.constant 4 : i32
        %dma_start3A_763 = arith.constant 0 : i32
        %dma_start3A_764 = arith.constant 0 : i32
        %dma_start3A_765 = tpu.memref_slice %arg9[%dma_start3A_762, %dma_start3A_763, %dma_start3A_764] : memref<5x40x128xf32, #tpu.memory_space<vmem>> -> memref<1x40x128xf32, #tpu.memory_space<vmem>>
        %dma_start3A_766 = tpu.memref_squeeze %dma_start3A_765 : memref<1x40x128xf32, #tpu.memory_space<vmem>> -> memref<40x128xf32, #tpu.memory_space<vmem>>
        %dma_start3A_767 = arith.constant 0 : i32
        %dma_start3A_768 = tpu.memref_slice %arg21[%dma_start3A_767] : memref<80xi32, #tpu.memory_space<vmem>> -> memref<40xi32, #tpu.memory_space<vmem>>
        %dma_start3A_769 = arith.constant 0 : i32
        %dma_start3A_770 = arith.constant 0 : i32
        %dma_start3A_771 = tpu.memref_slice %arg2[%dma_start3A_769, %dma_start3A_770] : memref<10000x128xf32, #tpu.memory_space<hbm>> -> memref<10000x128xf32, #tpu.memory_space<hbm>>
        tpu.enqueue_indirect_dma source(%dma_start3A_771 : memref<10000x128xf32, #tpu.memory_space<hbm>>) target(%dma_start3A_766 : memref<40x128xf32, #tpu.memory_space<vmem>>) offsets(%dma_start3A_768 : memref<40xi32, #tpu.memory_space<vmem>>) semaphore(%arg36 : memref<!tpu.dma_semaphore, #tpu.memory_space<semaphore_mem>>)
      } else {
      }
      %dma_wait3A_578 = arith.constant 1 : i32
      %dma_wait3A_579 = arith.constant 0 : i32
      %dma_wait3A_580 = arith.constant 0 : i32
      %dma_wait3A_581 = tpu.memref_slice %arg9[%dma_wait3A_578, %dma_wait3A_579, %dma_wait3A_580] : memref<5x40x128xf32, #tpu.memory_space<vmem>> -> memref<1x40x128xf32, #tpu.memory_space<vmem>>
      %dma_wait3A_582 = tpu.memref_squeeze %dma_wait3A_581 : memref<1x40x128xf32, #tpu.memory_space<vmem>> -> memref<40x128xf32, #tpu.memory_space<vmem>>
      %dma_wait3A_583 = arith.constant 0 : i32
      %dma_wait3A_584 = tpu.memref_slice %arg12[%dma_wait3A_583] : memref<80xi32, #tpu.memory_space<vmem>> -> memref<40xi32, #tpu.memory_space<vmem>>
      %dma_wait3A_585 = arith.constant 0 : i32
      %dma_wait3A_586 = arith.constant 0 : i32
      %dma_wait3A_587 = tpu.memref_slice %arg2[%dma_wait3A_585, %dma_wait3A_586] : memref<10000x128xf32, #tpu.memory_space<hbm>> -> memref<10000x128xf32, #tpu.memory_space<hbm>>
      tpu.wait_indirect_dma semaphore(%arg33 : memref<!tpu.dma_semaphore, #tpu.memory_space<semaphore_mem>>) src(%dma_wait3A_587 : memref<10000x128xf32, #tpu.memory_space<hbm>>) dst(%dma_wait3A_582 : memref<40x128xf32, #tpu.memory_space<vmem>>)
      %dma_start3A_588 = arith.constant 1 : i32
      %dma_start3A_589 = arith.constant 0 : i32
      %dma_start3A_590 = arith.constant 0 : i32
      %dma_start3A_591 = tpu.memref_slice %arg9[%dma_start3A_588, %dma_start3A_589, %dma_start3A_590] : memref<5x40x128xf32, #tpu.memory_space<vmem>> -> memref<1x40x128xf32, #tpu.memory_space<vmem>>
      %dma_start3A_592 = tpu.memref_squeeze %dma_start3A_591 : memref<1x40x128xf32, #tpu.memory_space<vmem>> -> memref<40x128xf32, #tpu.memory_space<vmem>>
      %dma_start3A_593 = arith.constant 40 : i32
      %dma_start3A_594 = tpu.memref_slice %arg18[%dma_start3A_593] : memref<80xi32, #tpu.memory_space<vmem>> -> memref<40xi32, #tpu.memory_space<vmem>>
      %dma_start3A_595 = arith.constant 0 : i32
      %dma_start3A_596 = arith.constant 0 : i32
      %dma_start3A_597 = tpu.memref_slice %arg10[%dma_start3A_595, %dma_start3A_596] : memref<10240x128xf32, #tpu.memory_space<vmem_shared>> -> memref<10240x128xf32, #tpu.memory_space<vmem_shared>>
      tpu.enqueue_indirect_dma source(%dma_start3A_592 : memref<40x128xf32, #tpu.memory_space<vmem>>) target(%dma_start3A_597 : memref<10240x128xf32, #tpu.memory_space<vmem_shared>>) offsets(%dma_start3A_594 : memref<40xi32, #tpu.memory_space<vmem>>) semaphore(%arg38 : memref<!tpu.dma_semaphore, #tpu.memory_space<semaphore_mem>>) {add = true}
      %dma_start3A_598 = arith.constant 40 : i32
      %dma_start3A_599 = tpu.memref_slice %arg18[%dma_start3A_598] : memref<80xi32, #tpu.memory_space<vmem>> -> memref<40xi32, #tpu.memory_space<vmem>>
      %dma_start3A_600 = arith.constant 0 : i32
      %dma_start3A_601 = tpu.memref_slice %arg11[%dma_start3A_600] : memref<10240xf32, #tpu.memory_space<vmem_shared>> -> memref<10240xf32, #tpu.memory_space<vmem_shared>>
      tpu.enqueue_indirect_dma source(%arg8 : memref<40xf32, #tpu.memory_space<vmem>>) target(%dma_start3A_601 : memref<10240xf32, #tpu.memory_space<vmem_shared>>) offsets(%dma_start3A_599 : memref<40xi32, #tpu.memory_space<vmem>>) semaphore(%arg38 : memref<!tpu.dma_semaphore, #tpu.memory_space<semaphore_mem>>) {add = true}
      %mul3A_602 = arith.constant 2 : i32
      %mul3A_603 = arith.muli %scan3A_261, %mul3A_602 : i32
      %mul3A_604 = arith.constant 5 : i32
      %mul3A_605 = arith.muli %mul3A_603, %mul3A_604 : i32
      %add3A_606 = arith.constant 7 : i32
      %add3A_607 = arith.addi %mul3A_605, %add3A_606 : i32
      %add3A_608 = arith.constant 6 : i32
      %add3A_609 = arith.addi %add3A_607, %add3A_608 : i32
      %lt3A_610 = arith.constant 250 : i32
      %lt3A_611 = arith.cmpi slt, %add3A_609, %lt3A_610 : i32
      %convert_element_type3A_612 = arith.extui %lt3A_611 : i1 to i32
      %cond3A_613 = arith.constant 0 : i32
      %cond3A_614 = arith.cmpi ne, %convert_element_type3A_612, %cond3A_613 : i32
      scf.if %cond3A_614 {
        %add3A_750 = arith.constant 6 : i32
        %add3A_751 = arith.addi %add3A_607, %add3A_750 : i32
        %mul3A_752 = arith.constant 40 : i32
        %mul3A_753 = arith.muli %add3A_751, %mul3A_752 : i32
        %add3A_754 = arith.addi %mul3A_31, %mul3A_753 : i32
        %dma_start3A_755 = arith.constant 0 : i32
        %dma_start3A_756 = tpu.memref_slice %arg15[%dma_start3A_755] : memref<80xi32, #tpu.memory_space<vmem>> -> memref<40xi32, #tpu.memory_space<vmem>>
        %dma_start3A_757 = tpu.memref_slice %arg3[%add3A_754] : memref<640000xi32, #tpu.memory_space<hbm>> -> memref<40xi32, #tpu.memory_space<hbm>>
        %dma_start3A_758 = arith.constant 0 : i32
        %dma_start3A_759 = tpu.memref_slice %arg15[%dma_start3A_758] : memref<80xi32, #tpu.memory_space<vmem>> -> memref<40xi32, #tpu.memory_space<vmem>>
        %dma_start3A_760 = tpu.memref_slice %arg3[%add3A_754] : memref<640000xi32, #tpu.memory_space<hbm>> -> memref<40xi32, #tpu.memory_space<hbm>>
        tpu.enqueue_dma source(%dma_start3A_760 : memref<40xi32, #tpu.memory_space<hbm>>) target(%dma_start3A_759 : memref<40xi32, #tpu.memory_space<vmem>>) target_semaphore(%arg25 : memref<!tpu.dma_semaphore, #tpu.memory_space<semaphore_mem>>)
        %add3A_761 = arith.constant 320000 : i32
        %add3A_762 = arith.addi %add3A_761, %mul3A_31 : i32
        %mul3A_763 = arith.constant 40 : i32
        %mul3A_764 = arith.muli %add3A_751, %mul3A_763 : i32
        %add3A_765 = arith.addi %add3A_762, %mul3A_764 : i32
        %dma_start3A_766 = arith.constant 40 : i32
        %dma_start3A_767 = tpu.memref_slice %arg15[%dma_start3A_766] : memref<80xi32, #tpu.memory_space<vmem>> -> memref<40xi32, #tpu.memory_space<vmem>>
        %dma_start3A_768 = tpu.memref_slice %arg3[%add3A_765] : memref<640000xi32, #tpu.memory_space<hbm>> -> memref<40xi32, #tpu.memory_space<hbm>>
        %dma_start3A_769 = arith.constant 40 : i32
        %dma_start3A_770 = tpu.memref_slice %arg15[%dma_start3A_769] : memref<80xi32, #tpu.memory_space<vmem>> -> memref<40xi32, #tpu.memory_space<vmem>>
        %dma_start3A_771 = tpu.memref_slice %arg3[%add3A_765] : memref<640000xi32, #tpu.memory_space<hbm>> -> memref<40xi32, #tpu.memory_space<hbm>>
        tpu.enqueue_dma source(%dma_start3A_771 : memref<40xi32, #tpu.memory_space<hbm>>) target(%dma_start3A_770 : memref<40xi32, #tpu.memory_space<vmem>>) target_semaphore(%arg25 : memref<!tpu.dma_semaphore, #tpu.memory_space<semaphore_mem>>)
      } else {
      }
      %ge3A_615 = arith.constant 2 : i32
      %ge3A_616 = arith.cmpi sge, %add3A_607, %ge3A_615 : i32
      %convert_element_type3A_617 = arith.extui %ge3A_616 : i1 to i32
      %cond3A_618 = arith.constant 0 : i32
      %cond3A_619 = arith.cmpi ne, %convert_element_type3A_617, %cond3A_618 : i32
      scf.if %cond3A_619 {
        %dma_wait3A_750 = arith.constant 0 : i32
        %dma_wait3A_751 = arith.constant 0 : i32
        %dma_wait3A_752 = arith.constant 0 : i32
        %dma_wait3A_753 = tpu.memref_slice %arg9[%dma_wait3A_750, %dma_wait3A_751, %dma_wait3A_752] : memref<5x40x128xf32, #tpu.memory_space<vmem>> -> memref<1x40x128xf32, #tpu.memory_space<vmem>>
        %dma_wait3A_754 = tpu.memref_squeeze %dma_wait3A_753 : memref<1x40x128xf32, #tpu.memory_space<vmem>> -> memref<40x128xf32, #tpu.memory_space<vmem>>
        %dma_wait3A_755 = arith.constant 40 : i32
        %dma_wait3A_756 = tpu.memref_slice %arg17[%dma_wait3A_755] : memref<80xi32, #tpu.memory_space<vmem>> -> memref<40xi32, #tpu.memory_space<vmem>>
        %dma_wait3A_757 = arith.constant 0 : i32
        %dma_wait3A_758 = arith.constant 0 : i32
        %dma_wait3A_759 = tpu.memref_slice %arg10[%dma_wait3A_757, %dma_wait3A_758] : memref<10240x128xf32, #tpu.memory_space<vmem_shared>> -> memref<10240x128xf32, #tpu.memory_space<vmem_shared>>
        tpu.wait_indirect_dma semaphore(%arg37 : memref<!tpu.dma_semaphore, #tpu.memory_space<semaphore_mem>>) src(%dma_wait3A_754 : memref<40x128xf32, #tpu.memory_space<vmem>>) dst(%dma_wait3A_759 : memref<10240x128xf32, #tpu.memory_space<vmem_shared>>)
        %dma_wait3A_760 = arith.constant 40 : i32
        %dma_wait3A_761 = tpu.memref_slice %arg17[%dma_wait3A_760] : memref<80xi32, #tpu.memory_space<vmem>> -> memref<40xi32, #tpu.memory_space<vmem>>
        %dma_wait3A_762 = arith.constant 0 : i32
        %dma_wait3A_763 = tpu.memref_slice %arg11[%dma_wait3A_762] : memref<10240xf32, #tpu.memory_space<vmem_shared>> -> memref<10240xf32, #tpu.memory_space<vmem_shared>>
        tpu.wait_indirect_dma semaphore(%arg37 : memref<!tpu.dma_semaphore, #tpu.memory_space<semaphore_mem>>) src(%arg8 : memref<40xf32, #tpu.memory_space<vmem>>) dst(%dma_wait3A_763 : memref<10240xf32, #tpu.memory_space<vmem_shared>>)
      } else {
      }
      %add3A_620 = arith.constant 3 : i32
      %add3A_621 = arith.addi %add3A_607, %add3A_620 : i32
      %lt3A_622 = arith.constant 250 : i32
      %lt3A_623 = arith.cmpi slt, %add3A_621, %lt3A_622 : i32
      %convert_element_type3A_624 = arith.extui %lt3A_623 : i1 to i32
      %cond3A_625 = arith.constant 0 : i32
      %cond3A_626 = arith.cmpi ne, %convert_element_type3A_624, %cond3A_625 : i32
      scf.if %cond3A_626 {
        %dma_wait3A_750 = arith.constant 0 : i32
        %dma_wait3A_751 = tpu.memref_slice %arg12[%dma_wait3A_750] : memref<80xi32, #tpu.memory_space<vmem>> -> memref<40xi32, #tpu.memory_space<vmem>>
        %dma_wait3A_752 = tpu.memref_slice %arg3[%mul3A_31] : memref<640000xi32, #tpu.memory_space<hbm>> -> memref<40xi32, #tpu.memory_space<hbm>>
        %dma_wait3A_753 = arith.constant 0 : i32
        %dma_wait3A_754 = tpu.memref_slice %arg12[%dma_wait3A_753] : memref<80xi32, #tpu.memory_space<vmem>> -> memref<40xi32, #tpu.memory_space<vmem>>
        %dma_wait3A_755 = tpu.memref_slice %arg3[%mul3A_31] : memref<640000xi32, #tpu.memory_space<hbm>> -> memref<40xi32, #tpu.memory_space<hbm>>
        tpu.wait_dma2 semaphore(%arg22 : memref<!tpu.dma_semaphore, #tpu.memory_space<semaphore_mem>>) src(%dma_wait3A_755 : memref<40xi32, #tpu.memory_space<hbm>>) dst(%dma_wait3A_754 : memref<40xi32, #tpu.memory_space<vmem>>)
        %dma_wait3A_756 = arith.constant 40 : i32
        %dma_wait3A_757 = tpu.memref_slice %arg12[%dma_wait3A_756] : memref<80xi32, #tpu.memory_space<vmem>> -> memref<40xi32, #tpu.memory_space<vmem>>
        %dma_wait3A_758 = tpu.memref_slice %arg3[%mul3A_31] : memref<640000xi32, #tpu.memory_space<hbm>> -> memref<40xi32, #tpu.memory_space<hbm>>
        %dma_wait3A_759 = arith.constant 40 : i32
        %dma_wait3A_760 = tpu.memref_slice %arg12[%dma_wait3A_759] : memref<80xi32, #tpu.memory_space<vmem>> -> memref<40xi32, #tpu.memory_space<vmem>>
        %dma_wait3A_761 = tpu.memref_slice %arg3[%mul3A_31] : memref<640000xi32, #tpu.memory_space<hbm>> -> memref<40xi32, #tpu.memory_space<hbm>>
        tpu.wait_dma2 semaphore(%arg22 : memref<!tpu.dma_semaphore, #tpu.memory_space<semaphore_mem>>) src(%dma_wait3A_761 : memref<40xi32, #tpu.memory_space<hbm>>) dst(%dma_wait3A_760 : memref<40xi32, #tpu.memory_space<vmem>>)
        %dma_start3A_762 = arith.constant 0 : i32
        %dma_start3A_763 = arith.constant 0 : i32
        %dma_start3A_764 = arith.constant 0 : i32
        %dma_start3A_765 = tpu.memref_slice %arg9[%dma_start3A_762, %dma_start3A_763, %dma_start3A_764] : memref<5x40x128xf32, #tpu.memory_space<vmem>> -> memref<1x40x128xf32, #tpu.memory_space<vmem>>
        %dma_start3A_766 = tpu.memref_squeeze %dma_start3A_765 : memref<1x40x128xf32, #tpu.memory_space<vmem>> -> memref<40x128xf32, #tpu.memory_space<vmem>>
        %dma_start3A_767 = arith.constant 0 : i32
        %dma_start3A_768 = tpu.memref_slice %arg12[%dma_start3A_767] : memref<80xi32, #tpu.memory_space<vmem>> -> memref<40xi32, #tpu.memory_space<vmem>>
        %dma_start3A_769 = arith.constant 0 : i32
        %dma_start3A_770 = arith.constant 0 : i32
        %dma_start3A_771 = tpu.memref_slice %arg2[%dma_start3A_769, %dma_start3A_770] : memref<10000x128xf32, #tpu.memory_space<hbm>> -> memref<10000x128xf32, #tpu.memory_space<hbm>>
        tpu.enqueue_indirect_dma source(%dma_start3A_771 : memref<10000x128xf32, #tpu.memory_space<hbm>>) target(%dma_start3A_766 : memref<40x128xf32, #tpu.memory_space<vmem>>) offsets(%dma_start3A_768 : memref<40xi32, #tpu.memory_space<vmem>>) semaphore(%arg32 : memref<!tpu.dma_semaphore, #tpu.memory_space<semaphore_mem>>)
      } else {
      }
      %dma_wait3A_627 = arith.constant 2 : i32
      %dma_wait3A_628 = arith.constant 0 : i32
      %dma_wait3A_629 = arith.constant 0 : i32
      %dma_wait3A_630 = tpu.memref_slice %arg9[%dma_wait3A_627, %dma_wait3A_628, %dma_wait3A_629] : memref<5x40x128xf32, #tpu.memory_space<vmem>> -> memref<1x40x128xf32, #tpu.memory_space<vmem>>
      %dma_wait3A_631 = tpu.memref_squeeze %dma_wait3A_630 : memref<1x40x128xf32, #tpu.memory_space<vmem>> -> memref<40x128xf32, #tpu.memory_space<vmem>>
      %dma_wait3A_632 = arith.constant 0 : i32
      %dma_wait3A_633 = tpu.memref_slice %arg12[%dma_wait3A_632] : memref<80xi32, #tpu.memory_space<vmem>> -> memref<40xi32, #tpu.memory_space<vmem>>
      %dma_wait3A_634 = arith.constant 0 : i32
      %dma_wait3A_635 = arith.constant 0 : i32
      %dma_wait3A_636 = tpu.memref_slice %arg2[%dma_wait3A_634, %dma_wait3A_635] : memref<10000x128xf32, #tpu.memory_space<hbm>> -> memref<10000x128xf32, #tpu.memory_space<hbm>>
      tpu.wait_indirect_dma semaphore(%arg34 : memref<!tpu.dma_semaphore, #tpu.memory_space<semaphore_mem>>) src(%dma_wait3A_636 : memref<10000x128xf32, #tpu.memory_space<hbm>>) dst(%dma_wait3A_631 : memref<40x128xf32, #tpu.memory_space<vmem>>)
      %dma_start3A_637 = arith.constant 2 : i32
      %dma_start3A_638 = arith.constant 0 : i32
      %dma_start3A_639 = arith.constant 0 : i32
      %dma_start3A_640 = tpu.memref_slice %arg9[%dma_start3A_637, %dma_start3A_638, %dma_start3A_639] : memref<5x40x128xf32, #tpu.memory_space<vmem>> -> memref<1x40x128xf32, #tpu.memory_space<vmem>>
      %dma_start3A_641 = tpu.memref_squeeze %dma_start3A_640 : memref<1x40x128xf32, #tpu.memory_space<vmem>> -> memref<40x128xf32, #tpu.memory_space<vmem>>
      %dma_start3A_642 = arith.constant 40 : i32
      %dma_start3A_643 = tpu.memref_slice %arg19[%dma_start3A_642] : memref<80xi32, #tpu.memory_space<vmem>> -> memref<40xi32, #tpu.memory_space<vmem>>
      %dma_start3A_644 = arith.constant 0 : i32
      %dma_start3A_645 = arith.constant 0 : i32
      %dma_start3A_646 = tpu.memref_slice %arg10[%dma_start3A_644, %dma_start3A_645] : memref<10240x128xf32, #tpu.memory_space<vmem_shared>> -> memref<10240x128xf32, #tpu.memory_space<vmem_shared>>
      tpu.enqueue_indirect_dma source(%dma_start3A_641 : memref<40x128xf32, #tpu.memory_space<vmem>>) target(%dma_start3A_646 : memref<10240x128xf32, #tpu.memory_space<vmem_shared>>) offsets(%dma_start3A_643 : memref<40xi32, #tpu.memory_space<vmem>>) semaphore(%arg39 : memref<!tpu.dma_semaphore, #tpu.memory_space<semaphore_mem>>) {add = true}
      %dma_start3A_647 = arith.constant 40 : i32
      %dma_start3A_648 = tpu.memref_slice %arg19[%dma_start3A_647] : memref<80xi32, #tpu.memory_space<vmem>> -> memref<40xi32, #tpu.memory_space<vmem>>
      %dma_start3A_649 = arith.constant 0 : i32
      %dma_start3A_650 = tpu.memref_slice %arg11[%dma_start3A_649] : memref<10240xf32, #tpu.memory_space<vmem_shared>> -> memref<10240xf32, #tpu.memory_space<vmem_shared>>
      tpu.enqueue_indirect_dma source(%arg8 : memref<40xf32, #tpu.memory_space<vmem>>) target(%dma_start3A_650 : memref<10240xf32, #tpu.memory_space<vmem_shared>>) offsets(%dma_start3A_648 : memref<40xi32, #tpu.memory_space<vmem>>) semaphore(%arg39 : memref<!tpu.dma_semaphore, #tpu.memory_space<semaphore_mem>>) {add = true}
      %mul3A_651 = arith.constant 2 : i32
      %mul3A_652 = arith.muli %scan3A_261, %mul3A_651 : i32
      %mul3A_653 = arith.constant 5 : i32
      %mul3A_654 = arith.muli %mul3A_652, %mul3A_653 : i32
      %add3A_655 = arith.constant 8 : i32
      %add3A_656 = arith.addi %mul3A_654, %add3A_655 : i32
      %add3A_657 = arith.constant 6 : i32
      %add3A_658 = arith.addi %add3A_656, %add3A_657 : i32
      %lt3A_659 = arith.constant 250 : i32
      %lt3A_660 = arith.cmpi slt, %add3A_658, %lt3A_659 : i32
      %convert_element_type3A_661 = arith.extui %lt3A_660 : i1 to i32
      %cond3A_662 = arith.constant 0 : i32
      %cond3A_663 = arith.cmpi ne, %convert_element_type3A_661, %cond3A_662 : i32
      scf.if %cond3A_663 {
        %add3A_750 = arith.constant 6 : i32
        %add3A_751 = arith.addi %add3A_656, %add3A_750 : i32
        %mul3A_752 = arith.constant 40 : i32
        %mul3A_753 = arith.muli %add3A_751, %mul3A_752 : i32
        %add3A_754 = arith.addi %mul3A_31, %mul3A_753 : i32
        %dma_start3A_755 = arith.constant 0 : i32
        %dma_start3A_756 = tpu.memref_slice %arg16[%dma_start3A_755] : memref<80xi32, #tpu.memory_space<vmem>> -> memref<40xi32, #tpu.memory_space<vmem>>
        %dma_start3A_757 = tpu.memref_slice %arg3[%add3A_754] : memref<640000xi32, #tpu.memory_space<hbm>> -> memref<40xi32, #tpu.memory_space<hbm>>
        %dma_start3A_758 = arith.constant 0 : i32
        %dma_start3A_759 = tpu.memref_slice %arg16[%dma_start3A_758] : memref<80xi32, #tpu.memory_space<vmem>> -> memref<40xi32, #tpu.memory_space<vmem>>
        %dma_start3A_760 = tpu.memref_slice %arg3[%add3A_754] : memref<640000xi32, #tpu.memory_space<hbm>> -> memref<40xi32, #tpu.memory_space<hbm>>
        tpu.enqueue_dma source(%dma_start3A_760 : memref<40xi32, #tpu.memory_space<hbm>>) target(%dma_start3A_759 : memref<40xi32, #tpu.memory_space<vmem>>) target_semaphore(%arg26 : memref<!tpu.dma_semaphore, #tpu.memory_space<semaphore_mem>>)
        %add3A_761 = arith.constant 320000 : i32
        %add3A_762 = arith.addi %add3A_761, %mul3A_31 : i32
        %mul3A_763 = arith.constant 40 : i32
        %mul3A_764 = arith.muli %add3A_751, %mul3A_763 : i32
        %add3A_765 = arith.addi %add3A_762, %mul3A_764 : i32
        %dma_start3A_766 = arith.constant 40 : i32
        %dma_start3A_767 = tpu.memref_slice %arg16[%dma_start3A_766] : memref<80xi32, #tpu.memory_space<vmem>> -> memref<40xi32, #tpu.memory_space<vmem>>
        %dma_start3A_768 = tpu.memref_slice %arg3[%add3A_765] : memref<640000xi32, #tpu.memory_space<hbm>> -> memref<40xi32, #tpu.memory_space<hbm>>
        %dma_start3A_769 = arith.constant 40 : i32
        %dma_start3A_770 = tpu.memref_slice %arg16[%dma_start3A_769] : memref<80xi32, #tpu.memory_space<vmem>> -> memref<40xi32, #tpu.memory_space<vmem>>
        %dma_start3A_771 = tpu.memref_slice %arg3[%add3A_765] : memref<640000xi32, #tpu.memory_space<hbm>> -> memref<40xi32, #tpu.memory_space<hbm>>
        tpu.enqueue_dma source(%dma_start3A_771 : memref<40xi32, #tpu.memory_space<hbm>>) target(%dma_start3A_770 : memref<40xi32, #tpu.memory_space<vmem>>) target_semaphore(%arg26 : memref<!tpu.dma_semaphore, #tpu.memory_space<semaphore_mem>>)
      } else {
      }
      %ge3A_664 = arith.constant 2 : i32
      %ge3A_665 = arith.cmpi sge, %add3A_656, %ge3A_664 : i32
      %convert_element_type3A_666 = arith.extui %ge3A_665 : i1 to i32
      %cond3A_667 = arith.constant 0 : i32
      %cond3A_668 = arith.cmpi ne, %convert_element_type3A_666, %cond3A_667 : i32
      scf.if %cond3A_668 {
        %dma_wait3A_750 = arith.constant 1 : i32
        %dma_wait3A_751 = arith.constant 0 : i32
        %dma_wait3A_752 = arith.constant 0 : i32
        %dma_wait3A_753 = tpu.memref_slice %arg9[%dma_wait3A_750, %dma_wait3A_751, %dma_wait3A_752] : memref<5x40x128xf32, #tpu.memory_space<vmem>> -> memref<1x40x128xf32, #tpu.memory_space<vmem>>
        %dma_wait3A_754 = tpu.memref_squeeze %dma_wait3A_753 : memref<1x40x128xf32, #tpu.memory_space<vmem>> -> memref<40x128xf32, #tpu.memory_space<vmem>>
        %dma_wait3A_755 = arith.constant 40 : i32
        %dma_wait3A_756 = tpu.memref_slice %arg18[%dma_wait3A_755] : memref<80xi32, #tpu.memory_space<vmem>> -> memref<40xi32, #tpu.memory_space<vmem>>
        %dma_wait3A_757 = arith.constant 0 : i32
        %dma_wait3A_758 = arith.constant 0 : i32
        %dma_wait3A_759 = tpu.memref_slice %arg10[%dma_wait3A_757, %dma_wait3A_758] : memref<10240x128xf32, #tpu.memory_space<vmem_shared>> -> memref<10240x128xf32, #tpu.memory_space<vmem_shared>>
        tpu.wait_indirect_dma semaphore(%arg38 : memref<!tpu.dma_semaphore, #tpu.memory_space<semaphore_mem>>) src(%dma_wait3A_754 : memref<40x128xf32, #tpu.memory_space<vmem>>) dst(%dma_wait3A_759 : memref<10240x128xf32, #tpu.memory_space<vmem_shared>>)
        %dma_wait3A_760 = arith.constant 40 : i32
        %dma_wait3A_761 = tpu.memref_slice %arg18[%dma_wait3A_760] : memref<80xi32, #tpu.memory_space<vmem>> -> memref<40xi32, #tpu.memory_space<vmem>>
        %dma_wait3A_762 = arith.constant 0 : i32
        %dma_wait3A_763 = tpu.memref_slice %arg11[%dma_wait3A_762] : memref<10240xf32, #tpu.memory_space<vmem_shared>> -> memref<10240xf32, #tpu.memory_space<vmem_shared>>
        tpu.wait_indirect_dma semaphore(%arg38 : memref<!tpu.dma_semaphore, #tpu.memory_space<semaphore_mem>>) src(%arg8 : memref<40xf32, #tpu.memory_space<vmem>>) dst(%dma_wait3A_763 : memref<10240xf32, #tpu.memory_space<vmem_shared>>)
      } else {
      }
      %add3A_669 = arith.constant 3 : i32
      %add3A_670 = arith.addi %add3A_656, %add3A_669 : i32
      %lt3A_671 = arith.constant 250 : i32
      %lt3A_672 = arith.cmpi slt, %add3A_670, %lt3A_671 : i32
      %convert_element_type3A_673 = arith.extui %lt3A_672 : i1 to i32
      %cond3A_674 = arith.constant 0 : i32
      %cond3A_675 = arith.cmpi ne, %convert_element_type3A_673, %cond3A_674 : i32
      scf.if %cond3A_675 {
        %dma_wait3A_750 = arith.constant 0 : i32
        %dma_wait3A_751 = tpu.memref_slice %arg13[%dma_wait3A_750] : memref<80xi32, #tpu.memory_space<vmem>> -> memref<40xi32, #tpu.memory_space<vmem>>
        %dma_wait3A_752 = tpu.memref_slice %arg3[%mul3A_31] : memref<640000xi32, #tpu.memory_space<hbm>> -> memref<40xi32, #tpu.memory_space<hbm>>
        %dma_wait3A_753 = arith.constant 0 : i32
        %dma_wait3A_754 = tpu.memref_slice %arg13[%dma_wait3A_753] : memref<80xi32, #tpu.memory_space<vmem>> -> memref<40xi32, #tpu.memory_space<vmem>>
        %dma_wait3A_755 = tpu.memref_slice %arg3[%mul3A_31] : memref<640000xi32, #tpu.memory_space<hbm>> -> memref<40xi32, #tpu.memory_space<hbm>>
        tpu.wait_dma2 semaphore(%arg23 : memref<!tpu.dma_semaphore, #tpu.memory_space<semaphore_mem>>) src(%dma_wait3A_755 : memref<40xi32, #tpu.memory_space<hbm>>) dst(%dma_wait3A_754 : memref<40xi32, #tpu.memory_space<vmem>>)
        %dma_wait3A_756 = arith.constant 40 : i32
        %dma_wait3A_757 = tpu.memref_slice %arg13[%dma_wait3A_756] : memref<80xi32, #tpu.memory_space<vmem>> -> memref<40xi32, #tpu.memory_space<vmem>>
        %dma_wait3A_758 = tpu.memref_slice %arg3[%mul3A_31] : memref<640000xi32, #tpu.memory_space<hbm>> -> memref<40xi32, #tpu.memory_space<hbm>>
        %dma_wait3A_759 = arith.constant 40 : i32
        %dma_wait3A_760 = tpu.memref_slice %arg13[%dma_wait3A_759] : memref<80xi32, #tpu.memory_space<vmem>> -> memref<40xi32, #tpu.memory_space<vmem>>
        %dma_wait3A_761 = tpu.memref_slice %arg3[%mul3A_31] : memref<640000xi32, #tpu.memory_space<hbm>> -> memref<40xi32, #tpu.memory_space<hbm>>
        tpu.wait_dma2 semaphore(%arg23 : memref<!tpu.dma_semaphore, #tpu.memory_space<semaphore_mem>>) src(%dma_wait3A_761 : memref<40xi32, #tpu.memory_space<hbm>>) dst(%dma_wait3A_760 : memref<40xi32, #tpu.memory_space<vmem>>)
        %dma_start3A_762 = arith.constant 1 : i32
        %dma_start3A_763 = arith.constant 0 : i32
        %dma_start3A_764 = arith.constant 0 : i32
        %dma_start3A_765 = tpu.memref_slice %arg9[%dma_start3A_762, %dma_start3A_763, %dma_start3A_764] : memref<5x40x128xf32, #tpu.memory_space<vmem>> -> memref<1x40x128xf32, #tpu.memory_space<vmem>>
        %dma_start3A_766 = tpu.memref_squeeze %dma_start3A_765 : memref<1x40x128xf32, #tpu.memory_space<vmem>> -> memref<40x128xf32, #tpu.memory_space<vmem>>
        %dma_start3A_767 = arith.constant 0 : i32
        %dma_start3A_768 = tpu.memref_slice %arg13[%dma_start3A_767] : memref<80xi32, #tpu.memory_space<vmem>> -> memref<40xi32, #tpu.memory_space<vmem>>
        %dma_start3A_769 = arith.constant 0 : i32
        %dma_start3A_770 = arith.constant 0 : i32
        %dma_start3A_771 = tpu.memref_slice %arg2[%dma_start3A_769, %dma_start3A_770] : memref<10000x128xf32, #tpu.memory_space<hbm>> -> memref<10000x128xf32, #tpu.memory_space<hbm>>
        tpu.enqueue_indirect_dma source(%dma_start3A_771 : memref<10000x128xf32, #tpu.memory_space<hbm>>) target(%dma_start3A_766 : memref<40x128xf32, #tpu.memory_space<vmem>>) offsets(%dma_start3A_768 : memref<40xi32, #tpu.memory_space<vmem>>) semaphore(%arg33 : memref<!tpu.dma_semaphore, #tpu.memory_space<semaphore_mem>>)
      } else {
      }
      %dma_wait3A_676 = arith.constant 3 : i32
      %dma_wait3A_677 = arith.constant 0 : i32
      %dma_wait3A_678 = arith.constant 0 : i32
      %dma_wait3A_679 = tpu.memref_slice %arg9[%dma_wait3A_676, %dma_wait3A_677, %dma_wait3A_678] : memref<5x40x128xf32, #tpu.memory_space<vmem>> -> memref<1x40x128xf32, #tpu.memory_space<vmem>>
      %dma_wait3A_680 = tpu.memref_squeeze %dma_wait3A_679 : memref<1x40x128xf32, #tpu.memory_space<vmem>> -> memref<40x128xf32, #tpu.memory_space<vmem>>
      %dma_wait3A_681 = arith.constant 0 : i32
      %dma_wait3A_682 = tpu.memref_slice %arg12[%dma_wait3A_681] : memref<80xi32, #tpu.memory_space<vmem>> -> memref<40xi32, #tpu.memory_space<vmem>>
      %dma_wait3A_683 = arith.constant 0 : i32
      %dma_wait3A_684 = arith.constant 0 : i32
      %dma_wait3A_685 = tpu.memref_slice %arg2[%dma_wait3A_683, %dma_wait3A_684] : memref<10000x128xf32, #tpu.memory_space<hbm>> -> memref<10000x128xf32, #tpu.memory_space<hbm>>
      tpu.wait_indirect_dma semaphore(%arg35 : memref<!tpu.dma_semaphore, #tpu.memory_space<semaphore_mem>>) src(%dma_wait3A_685 : memref<10000x128xf32, #tpu.memory_space<hbm>>) dst(%dma_wait3A_680 : memref<40x128xf32, #tpu.memory_space<vmem>>)
      %dma_start3A_686 = arith.constant 3 : i32
      %dma_start3A_687 = arith.constant 0 : i32
      %dma_start3A_688 = arith.constant 0 : i32
      %dma_start3A_689 = tpu.memref_slice %arg9[%dma_start3A_686, %dma_start3A_687, %dma_start3A_688] : memref<5x40x128xf32, #tpu.memory_space<vmem>> -> memref<1x40x128xf32, #tpu.memory_space<vmem>>
      %dma_start3A_690 = tpu.memref_squeeze %dma_start3A_689 : memref<1x40x128xf32, #tpu.memory_space<vmem>> -> memref<40x128xf32, #tpu.memory_space<vmem>>
      %dma_start3A_691 = arith.constant 40 : i32
      %dma_start3A_692 = tpu.memref_slice %arg20[%dma_start3A_691] : memref<80xi32, #tpu.memory_space<vmem>> -> memref<40xi32, #tpu.memory_space<vmem>>
      %dma_start3A_693 = arith.constant 0 : i32
      %dma_start3A_694 = arith.constant 0 : i32
      %dma_start3A_695 = tpu.memref_slice %arg10[%dma_start3A_693, %dma_start3A_694] : memref<10240x128xf32, #tpu.memory_space<vmem_shared>> -> memref<10240x128xf32, #tpu.memory_space<vmem_shared>>
      tpu.enqueue_indirect_dma source(%dma_start3A_690 : memref<40x128xf32, #tpu.memory_space<vmem>>) target(%dma_start3A_695 : memref<10240x128xf32, #tpu.memory_space<vmem_shared>>) offsets(%dma_start3A_692 : memref<40xi32, #tpu.memory_space<vmem>>) semaphore(%arg40 : memref<!tpu.dma_semaphore, #tpu.memory_space<semaphore_mem>>) {add = true}
      %dma_start3A_696 = arith.constant 40 : i32
      %dma_start3A_697 = tpu.memref_slice %arg20[%dma_start3A_696] : memref<80xi32, #tpu.memory_space<vmem>> -> memref<40xi32, #tpu.memory_space<vmem>>
      %dma_start3A_698 = arith.constant 0 : i32
      %dma_start3A_699 = tpu.memref_slice %arg11[%dma_start3A_698] : memref<10240xf32, #tpu.memory_space<vmem_shared>> -> memref<10240xf32, #tpu.memory_space<vmem_shared>>
      tpu.enqueue_indirect_dma source(%arg8 : memref<40xf32, #tpu.memory_space<vmem>>) target(%dma_start3A_699 : memref<10240xf32, #tpu.memory_space<vmem_shared>>) offsets(%dma_start3A_697 : memref<40xi32, #tpu.memory_space<vmem>>) semaphore(%arg40 : memref<!tpu.dma_semaphore, #tpu.memory_space<semaphore_mem>>) {add = true}
      %mul3A_700 = arith.constant 2 : i32
      %mul3A_701 = arith.muli %scan3A_261, %mul3A_700 : i32
      %mul3A_702 = arith.constant 5 : i32
      %mul3A_703 = arith.muli %mul3A_701, %mul3A_702 : i32
      %add3A_704 = arith.constant 9 : i32
      %add3A_705 = arith.addi %mul3A_703, %add3A_704 : i32
      %add3A_706 = arith.constant 6 : i32
      %add3A_707 = arith.addi %add3A_705, %add3A_706 : i32
      %lt3A_708 = arith.constant 250 : i32
      %lt3A_709 = arith.cmpi slt, %add3A_707, %lt3A_708 : i32
      %convert_element_type3A_710 = arith.extui %lt3A_709 : i1 to i32
      %cond3A_711 = arith.constant 0 : i32
      %cond3A_712 = arith.cmpi ne, %convert_element_type3A_710, %cond3A_711 : i32
      scf.if %cond3A_712 {
        %add3A_750 = arith.constant 6 : i32
        %add3A_751 = arith.addi %add3A_705, %add3A_750 : i32
        %mul3A_752 = arith.constant 40 : i32
        %mul3A_753 = arith.muli %add3A_751, %mul3A_752 : i32
        %add3A_754 = arith.addi %mul3A_31, %mul3A_753 : i32
        %dma_start3A_755 = arith.constant 0 : i32
        %dma_start3A_756 = tpu.memref_slice %arg17[%dma_start3A_755] : memref<80xi32, #tpu.memory_space<vmem>> -> memref<40xi32, #tpu.memory_space<vmem>>
        %dma_start3A_757 = tpu.memref_slice %arg3[%add3A_754] : memref<640000xi32, #tpu.memory_space<hbm>> -> memref<40xi32, #tpu.memory_space<hbm>>
        %dma_start3A_758 = arith.constant 0 : i32
        %dma_start3A_759 = tpu.memref_slice %arg17[%dma_start3A_758] : memref<80xi32, #tpu.memory_space<vmem>> -> memref<40xi32, #tpu.memory_space<vmem>>
        %dma_start3A_760 = tpu.memref_slice %arg3[%add3A_754] : memref<640000xi32, #tpu.memory_space<hbm>> -> memref<40xi32, #tpu.memory_space<hbm>>
        tpu.enqueue_dma source(%dma_start3A_760 : memref<40xi32, #tpu.memory_space<hbm>>) target(%dma_start3A_759 : memref<40xi32, #tpu.memory_space<vmem>>) target_semaphore(%arg27 : memref<!tpu.dma_semaphore, #tpu.memory_space<semaphore_mem>>)
        %add3A_761 = arith.constant 320000 : i32
        %add3A_762 = arith.addi %add3A_761, %mul3A_31 : i32
        %mul3A_763 = arith.constant 40 : i32
        %mul3A_764 = arith.muli %add3A_751, %mul3A_763 : i32
        %add3A_765 = arith.addi %add3A_762, %mul3A_764 : i32
        %dma_start3A_766 = arith.constant 40 : i32
        %dma_start3A_767 = tpu.memref_slice %arg17[%dma_start3A_766] : memref<80xi32, #tpu.memory_space<vmem>> -> memref<40xi32, #tpu.memory_space<vmem>>
        %dma_start3A_768 = tpu.memref_slice %arg3[%add3A_765] : memref<640000xi32, #tpu.memory_space<hbm>> -> memref<40xi32, #tpu.memory_space<hbm>>
        %dma_start3A_769 = arith.constant 40 : i32
        %dma_start3A_770 = tpu.memref_slice %arg17[%dma_start3A_769] : memref<80xi32, #tpu.memory_space<vmem>> -> memref<40xi32, #tpu.memory_space<vmem>>
        %dma_start3A_771 = tpu.memref_slice %arg3[%add3A_765] : memref<640000xi32, #tpu.memory_space<hbm>> -> memref<40xi32, #tpu.memory_space<hbm>>
        tpu.enqueue_dma source(%dma_start3A_771 : memref<40xi32, #tpu.memory_space<hbm>>) target(%dma_start3A_770 : memref<40xi32, #tpu.memory_space<vmem>>) target_semaphore(%arg27 : memref<!tpu.dma_semaphore, #tpu.memory_space<semaphore_mem>>)
      } else {
      }
      %ge3A_713 = arith.constant 2 : i32
      %ge3A_714 = arith.cmpi sge, %add3A_705, %ge3A_713 : i32
      %convert_element_type3A_715 = arith.extui %ge3A_714 : i1 to i32
      %cond3A_716 = arith.constant 0 : i32
      %cond3A_717 = arith.cmpi ne, %convert_element_type3A_715, %cond3A_716 : i32
      scf.if %cond3A_717 {
        %dma_wait3A_750 = arith.constant 2 : i32
        %dma_wait3A_751 = arith.constant 0 : i32
        %dma_wait3A_752 = arith.constant 0 : i32
        %dma_wait3A_753 = tpu.memref_slice %arg9[%dma_wait3A_750, %dma_wait3A_751, %dma_wait3A_752] : memref<5x40x128xf32, #tpu.memory_space<vmem>> -> memref<1x40x128xf32, #tpu.memory_space<vmem>>
        %dma_wait3A_754 = tpu.memref_squeeze %dma_wait3A_753 : memref<1x40x128xf32, #tpu.memory_space<vmem>> -> memref<40x128xf32, #tpu.memory_space<vmem>>
        %dma_wait3A_755 = arith.constant 40 : i32
        %dma_wait3A_756 = tpu.memref_slice %arg19[%dma_wait3A_755] : memref<80xi32, #tpu.memory_space<vmem>> -> memref<40xi32, #tpu.memory_space<vmem>>
        %dma_wait3A_757 = arith.constant 0 : i32
        %dma_wait3A_758 = arith.constant 0 : i32
        %dma_wait3A_759 = tpu.memref_slice %arg10[%dma_wait3A_757, %dma_wait3A_758] : memref<10240x128xf32, #tpu.memory_space<vmem_shared>> -> memref<10240x128xf32, #tpu.memory_space<vmem_shared>>
        tpu.wait_indirect_dma semaphore(%arg39 : memref<!tpu.dma_semaphore, #tpu.memory_space<semaphore_mem>>) src(%dma_wait3A_754 : memref<40x128xf32, #tpu.memory_space<vmem>>) dst(%dma_wait3A_759 : memref<10240x128xf32, #tpu.memory_space<vmem_shared>>)
        %dma_wait3A_760 = arith.constant 40 : i32
        %dma_wait3A_761 = tpu.memref_slice %arg19[%dma_wait3A_760] : memref<80xi32, #tpu.memory_space<vmem>> -> memref<40xi32, #tpu.memory_space<vmem>>
        %dma_wait3A_762 = arith.constant 0 : i32
        %dma_wait3A_763 = tpu.memref_slice %arg11[%dma_wait3A_762] : memref<10240xf32, #tpu.memory_space<vmem_shared>> -> memref<10240xf32, #tpu.memory_space<vmem_shared>>
        tpu.wait_indirect_dma semaphore(%arg39 : memref<!tpu.dma_semaphore, #tpu.memory_space<semaphore_mem>>) src(%arg8 : memref<40xf32, #tpu.memory_space<vmem>>) dst(%dma_wait3A_763 : memref<10240xf32, #tpu.memory_space<vmem_shared>>)
      } else {
      }
      %add3A_718 = arith.constant 3 : i32
      %add3A_719 = arith.addi %add3A_705, %add3A_718 : i32
      %lt3A_720 = arith.constant 250 : i32
      %lt3A_721 = arith.cmpi slt, %add3A_719, %lt3A_720 : i32
      %convert_element_type3A_722 = arith.extui %lt3A_721 : i1 to i32
      %cond3A_723 = arith.constant 0 : i32
      %cond3A_724 = arith.cmpi ne, %convert_element_type3A_722, %cond3A_723 : i32
      scf.if %cond3A_724 {
        %dma_wait3A_750 = arith.constant 0 : i32
        %dma_wait3A_751 = tpu.memref_slice %arg14[%dma_wait3A_750] : memref<80xi32, #tpu.memory_space<vmem>> -> memref<40xi32, #tpu.memory_space<vmem>>
        %dma_wait3A_752 = tpu.memref_slice %arg3[%mul3A_31] : memref<640000xi32, #tpu.memory_space<hbm>> -> memref<40xi32, #tpu.memory_space<hbm>>
        %dma_wait3A_753 = arith.constant 0 : i32
        %dma_wait3A_754 = tpu.memref_slice %arg14[%dma_wait3A_753] : memref<80xi32, #tpu.memory_space<vmem>> -> memref<40xi32, #tpu.memory_space<vmem>>
        %dma_wait3A_755 = tpu.memref_slice %arg3[%mul3A_31] : memref<640000xi32, #tpu.memory_space<hbm>> -> memref<40xi32, #tpu.memory_space<hbm>>
        tpu.wait_dma2 semaphore(%arg24 : memref<!tpu.dma_semaphore, #tpu.memory_space<semaphore_mem>>) src(%dma_wait3A_755 : memref<40xi32, #tpu.memory_space<hbm>>) dst(%dma_wait3A_754 : memref<40xi32, #tpu.memory_space<vmem>>)
        %dma_wait3A_756 = arith.constant 40 : i32
        %dma_wait3A_757 = tpu.memref_slice %arg14[%dma_wait3A_756] : memref<80xi32, #tpu.memory_space<vmem>> -> memref<40xi32, #tpu.memory_space<vmem>>
        %dma_wait3A_758 = tpu.memref_slice %arg3[%mul3A_31] : memref<640000xi32, #tpu.memory_space<hbm>> -> memref<40xi32, #tpu.memory_space<hbm>>
        %dma_wait3A_759 = arith.constant 40 : i32
        %dma_wait3A_760 = tpu.memref_slice %arg14[%dma_wait3A_759] : memref<80xi32, #tpu.memory_space<vmem>> -> memref<40xi32, #tpu.memory_space<vmem>>
        %dma_wait3A_761 = tpu.memref_slice %arg3[%mul3A_31] : memref<640000xi32, #tpu.memory_space<hbm>> -> memref<40xi32, #tpu.memory_space<hbm>>
        tpu.wait_dma2 semaphore(%arg24 : memref<!tpu.dma_semaphore, #tpu.memory_space<semaphore_mem>>) src(%dma_wait3A_761 : memref<40xi32, #tpu.memory_space<hbm>>) dst(%dma_wait3A_760 : memref<40xi32, #tpu.memory_space<vmem>>)
        %dma_start3A_762 = arith.constant 2 : i32
        %dma_start3A_763 = arith.constant 0 : i32
        %dma_start3A_764 = arith.constant 0 : i32
        %dma_start3A_765 = tpu.memref_slice %arg9[%dma_start3A_762, %dma_start3A_763, %dma_start3A_764] : memref<5x40x128xf32, #tpu.memory_space<vmem>> -> memref<1x40x128xf32, #tpu.memory_space<vmem>>
        %dma_start3A_766 = tpu.memref_squeeze %dma_start3A_765 : memref<1x40x128xf32, #tpu.memory_space<vmem>> -> memref<40x128xf32, #tpu.memory_space<vmem>>
        %dma_start3A_767 = arith.constant 0 : i32
        %dma_start3A_768 = tpu.memref_slice %arg14[%dma_start3A_767] : memref<80xi32, #tpu.memory_space<vmem>> -> memref<40xi32, #tpu.memory_space<vmem>>
        %dma_start3A_769 = arith.constant 0 : i32
        %dma_start3A_770 = arith.constant 0 : i32
        %dma_start3A_771 = tpu.memref_slice %arg2[%dma_start3A_769, %dma_start3A_770] : memref<10000x128xf32, #tpu.memory_space<hbm>> -> memref<10000x128xf32, #tpu.memory_space<hbm>>
        tpu.enqueue_indirect_dma source(%dma_start3A_771 : memref<10000x128xf32, #tpu.memory_space<hbm>>) target(%dma_start3A_766 : memref<40x128xf32, #tpu.memory_space<vmem>>) offsets(%dma_start3A_768 : memref<40xi32, #tpu.memory_space<vmem>>) semaphore(%arg34 : memref<!tpu.dma_semaphore, #tpu.memory_space<semaphore_mem>>)
      } else {
      }
      %dma_wait3A_725 = arith.constant 4 : i32
      %dma_wait3A_726 = arith.constant 0 : i32
      %dma_wait3A_727 = arith.constant 0 : i32
      %dma_wait3A_728 = tpu.memref_slice %arg9[%dma_wait3A_725, %dma_wait3A_726, %dma_wait3A_727] : memref<5x40x128xf32, #tpu.memory_space<vmem>> -> memref<1x40x128xf32, #tpu.memory_space<vmem>>
      %dma_wait3A_729 = tpu.memref_squeeze %dma_wait3A_728 : memref<1x40x128xf32, #tpu.memory_space<vmem>> -> memref<40x128xf32, #tpu.memory_space<vmem>>
      %dma_wait3A_730 = arith.constant 0 : i32
      %dma_wait3A_731 = tpu.memref_slice %arg12[%dma_wait3A_730] : memref<80xi32, #tpu.memory_space<vmem>> -> memref<40xi32, #tpu.memory_space<vmem>>
      %dma_wait3A_732 = arith.constant 0 : i32
      %dma_wait3A_733 = arith.constant 0 : i32
      %dma_wait3A_734 = tpu.memref_slice %arg2[%dma_wait3A_732, %dma_wait3A_733] : memref<10000x128xf32, #tpu.memory_space<hbm>> -> memref<10000x128xf32, #tpu.memory_space<hbm>>
      tpu.wait_indirect_dma semaphore(%arg36 : memref<!tpu.dma_semaphore, #tpu.memory_space<semaphore_mem>>) src(%dma_wait3A_734 : memref<10000x128xf32, #tpu.memory_space<hbm>>) dst(%dma_wait3A_729 : memref<40x128xf32, #tpu.memory_space<vmem>>)
      %dma_start3A_735 = arith.constant 4 : i32
      %dma_start3A_736 = arith.constant 0 : i32
      %dma_start3A_737 = arith.constant 0 : i32
      %dma_start3A_738 = tpu.memref_slice %arg9[%dma_start3A_735, %dma_start3A_736, %dma_start3A_737] : memref<5x40x128xf32, #tpu.memory_space<vmem>> -> memref<1x40x128xf32, #tpu.memory_space<vmem>>
      %dma_start3A_739 = tpu.memref_squeeze %dma_start3A_738 : memref<1x40x128xf32, #tpu.memory_space<vmem>> -> memref<40x128xf32, #tpu.memory_space<vmem>>
      %dma_start3A_740 = arith.constant 40 : i32
      %dma_start3A_741 = tpu.memref_slice %arg21[%dma_start3A_740] : memref<80xi32, #tpu.memory_space<vmem>> -> memref<40xi32, #tpu.memory_space<vmem>>
      %dma_start3A_742 = arith.constant 0 : i32
      %dma_start3A_743 = arith.constant 0 : i32
      %dma_start3A_744 = tpu.memref_slice %arg10[%dma_start3A_742, %dma_start3A_743] : memref<10240x128xf32, #tpu.memory_space<vmem_shared>> -> memref<10240x128xf32, #tpu.memory_space<vmem_shared>>
      tpu.enqueue_indirect_dma source(%dma_start3A_739 : memref<40x128xf32, #tpu.memory_space<vmem>>) target(%dma_start3A_744 : memref<10240x128xf32, #tpu.memory_space<vmem_shared>>) offsets(%dma_start3A_741 : memref<40xi32, #tpu.memory_space<vmem>>) semaphore(%arg41 : memref<!tpu.dma_semaphore, #tpu.memory_space<semaphore_mem>>) {add = true}
      %dma_start3A_745 = arith.constant 40 : i32
      %dma_start3A_746 = tpu.memref_slice %arg21[%dma_start3A_745] : memref<80xi32, #tpu.memory_space<vmem>> -> memref<40xi32, #tpu.memory_space<vmem>>
      %dma_start3A_747 = arith.constant 0 : i32
      %dma_start3A_748 = tpu.memref_slice %arg11[%dma_start3A_747] : memref<10240xf32, #tpu.memory_space<vmem_shared>> -> memref<10240xf32, #tpu.memory_space<vmem_shared>>
      tpu.enqueue_indirect_dma source(%arg8 : memref<40xf32, #tpu.memory_space<vmem>>) target(%dma_start3A_748 : memref<10240xf32, #tpu.memory_space<vmem_shared>>) offsets(%dma_start3A_746 : memref<40xi32, #tpu.memory_space<vmem>>) semaphore(%arg41 : memref<!tpu.dma_semaphore, #tpu.memory_space<semaphore_mem>>) {add = true}
      %scan3A_749 = arith.constant 0 : i32
      scf.yield %scan3A_749 : i32
    }
    %scan3A_228 = arith.constant 25 : i32
    %dma_wait3A_229 = arith.constant 3 : i32
    %dma_wait3A_230 = arith.constant 0 : i32
    %dma_wait3A_231 = arith.constant 0 : i32
    %dma_wait3A_232 = tpu.memref_slice %arg9[%dma_wait3A_229, %dma_wait3A_230, %dma_wait3A_231] : memref<5x40x128xf32, #tpu.memory_space<vmem>> -> memref<1x40x128xf32, #tpu.memory_space<vmem>>
    %dma_wait3A_233 = tpu.memref_squeeze %dma_wait3A_232 : memref<1x40x128xf32, #tpu.memory_space<vmem>> -> memref<40x128xf32, #tpu.memory_space<vmem>>
    %dma_wait3A_234 = arith.constant 40 : i32
    %dma_wait3A_235 = tpu.memref_slice %arg20[%dma_wait3A_234] : memref<80xi32, #tpu.memory_space<vmem>> -> memref<40xi32, #tpu.memory_space<vmem>>
    %dma_wait3A_236 = arith.constant 0 : i32
    %dma_wait3A_237 = arith.constant 0 : i32
    %dma_wait3A_238 = tpu.memref_slice %arg10[%dma_wait3A_236, %dma_wait3A_237] : memref<10240x128xf32, #tpu.memory_space<vmem_shared>> -> memref<10240x128xf32, #tpu.memory_space<vmem_shared>>
    tpu.wait_indirect_dma semaphore(%arg40 : memref<!tpu.dma_semaphore, #tpu.memory_space<semaphore_mem>>) src(%dma_wait3A_233 : memref<40x128xf32, #tpu.memory_space<vmem>>) dst(%dma_wait3A_238 : memref<10240x128xf32, #tpu.memory_space<vmem_shared>>)
    %dma_wait3A_239 = arith.constant 40 : i32
    %dma_wait3A_240 = tpu.memref_slice %arg20[%dma_wait3A_239] : memref<80xi32, #tpu.memory_space<vmem>> -> memref<40xi32, #tpu.memory_space<vmem>>
    %dma_wait3A_241 = arith.constant 0 : i32
    %dma_wait3A_242 = tpu.memref_slice %arg11[%dma_wait3A_241] : memref<10240xf32, #tpu.memory_space<vmem_shared>> -> memref<10240xf32, #tpu.memory_space<vmem_shared>>
    tpu.wait_indirect_dma semaphore(%arg40 : memref<!tpu.dma_semaphore, #tpu.memory_space<semaphore_mem>>) src(%arg8 : memref<40xf32, #tpu.memory_space<vmem>>) dst(%dma_wait3A_242 : memref<10240xf32, #tpu.memory_space<vmem_shared>>)
    %dma_wait3A_243 = arith.constant 4 : i32
    %dma_wait3A_244 = arith.constant 0 : i32
    %dma_wait3A_245 = arith.constant 0 : i32
    %dma_wait3A_246 = tpu.memref_slice %arg9[%dma_wait3A_243, %dma_wait3A_244, %dma_wait3A_245] : memref<5x40x128xf32, #tpu.memory_space<vmem>> -> memref<1x40x128xf32, #tpu.memory_space<vmem>>
    %dma_wait3A_247 = tpu.memref_squeeze %dma_wait3A_246 : memref<1x40x128xf32, #tpu.memory_space<vmem>> -> memref<40x128xf32, #tpu.memory_space<vmem>>
    %dma_wait3A_248 = arith.constant 40 : i32
    %dma_wait3A_249 = tpu.memref_slice %arg21[%dma_wait3A_248] : memref<80xi32, #tpu.memory_space<vmem>> -> memref<40xi32, #tpu.memory_space<vmem>>
    %dma_wait3A_250 = arith.constant 0 : i32
    %dma_wait3A_251 = arith.constant 0 : i32
    %dma_wait3A_252 = tpu.memref_slice %arg10[%dma_wait3A_250, %dma_wait3A_251] : memref<10240x128xf32, #tpu.memory_space<vmem_shared>> -> memref<10240x128xf32, #tpu.memory_space<vmem_shared>>
    tpu.wait_indirect_dma semaphore(%arg41 : memref<!tpu.dma_semaphore, #tpu.memory_space<semaphore_mem>>) src(%dma_wait3A_247 : memref<40x128xf32, #tpu.memory_space<vmem>>) dst(%dma_wait3A_252 : memref<10240x128xf32, #tpu.memory_space<vmem_shared>>)
    %dma_wait3A_253 = arith.constant 40 : i32
    %dma_wait3A_254 = tpu.memref_slice %arg21[%dma_wait3A_253] : memref<80xi32, #tpu.memory_space<vmem>> -> memref<40xi32, #tpu.memory_space<vmem>>
    %dma_wait3A_255 = arith.constant 0 : i32
    %dma_wait3A_256 = tpu.memref_slice %arg11[%dma_wait3A_255] : memref<10240xf32, #tpu.memory_space<vmem_shared>> -> memref<10240xf32, #tpu.memory_space<vmem_shared>>
    tpu.wait_indirect_dma semaphore(%arg41 : memref<!tpu.dma_semaphore, #tpu.memory_space<semaphore_mem>>) src(%arg8 : memref<40xf32, #tpu.memory_space<vmem>>) dst(%dma_wait3A_256 : memref<10240xf32, #tpu.memory_space<vmem_shared>>)
    %barrier3A_257 = arith.constant 0 : index
    tpu.barrier barrier_id(%barrier3A_257)
    "tpu.region"() ({
      %run_scoped3A = tpu.sem_alloc : memref<!tpu.dma_semaphore, #tpu.memory_space<semaphore_mem>>
      %dma_start3A_261 = arith.constant 0 : i32
      %dma_start3A_262 = tpu.memref_slice %arg4[%arg0, %mul3A_29, %dma_start3A_261] : memref<2x10240x128xf32, #tpu.memory_space<hbm>> -> memref<1x640x128xf32, #tpu.memory_space<hbm>>
      %dma_start3A_263 = tpu.memref_squeeze %dma_start3A_262 : memref<1x640x128xf32, #tpu.memory_space<hbm>> -> memref<640x128xf32, #tpu.memory_space<hbm>>
      %dma_start3A_264 = arith.constant 0 : i32
      %dma_start3A_265 = tpu.memref_slice %arg10[%mul3A_29, %dma_start3A_264] : memref<10240x128xf32, #tpu.memory_space<vmem_shared>> -> memref<640x128xf32, #tpu.memory_space<vmem_shared>>
      tpu.enqueue_dma source(%dma_start3A_265 : memref<640x128xf32, #tpu.memory_space<vmem_shared>>) target(%dma_start3A_263 : memref<640x128xf32, #tpu.memory_space<hbm>>) target_semaphore(%run_scoped3A : memref<!tpu.dma_semaphore, #tpu.memory_space<semaphore_mem>>)
      %dma_wait3A_266 = arith.constant 0 : i32
      %dma_wait3A_267 = tpu.memref_slice %arg4[%arg0, %mul3A_29, %dma_wait3A_266] : memref<2x10240x128xf32, #tpu.memory_space<hbm>> -> memref<1x640x128xf32, #tpu.memory_space<hbm>>
      %dma_wait3A_268 = tpu.memref_squeeze %dma_wait3A_267 : memref<1x640x128xf32, #tpu.memory_space<hbm>> -> memref<640x128xf32, #tpu.memory_space<hbm>>
      %dma_wait3A_269 = arith.constant 0 : i32
      %dma_wait3A_270 = tpu.memref_slice %arg10[%mul3A_29, %dma_wait3A_269] : memref<10240x128xf32, #tpu.memory_space<vmem_shared>> -> memref<640x128xf32, #tpu.memory_space<vmem_shared>>
      tpu.wait_dma2 semaphore(%run_scoped3A : memref<!tpu.dma_semaphore, #tpu.memory_space<semaphore_mem>>) src(%dma_wait3A_270 : memref<640x128xf32, #tpu.memory_space<vmem_shared>>) dst(%dma_wait3A_268 : memref<640x128xf32, #tpu.memory_space<hbm>>)
      tpu.yield
    }) : () -> ()
    %mul3A_258 = arith.constant 10240 : i32
    %mul3A_259 = arith.muli %arg0, %mul3A_258 : i32
    %add3A_260 = arith.addi %mul3A_259, %mul3A_29 : i32
    "tpu.region"() ({
      %run_scoped3A = tpu.sem_alloc : memref<!tpu.dma_semaphore, #tpu.memory_space<semaphore_mem>>
      %dma_start3A_261 = tpu.memref_slice %arg5[%add3A_260] : memref<20480xf32, #tpu.memory_space<hbm>> -> memref<640xf32, #tpu.memory_space<hbm>>
      %dma_start3A_262 = tpu.memref_slice %arg11[%mul3A_29] : memref<10240xf32, #tpu.memory_space<vmem_shared>> -> memref<640xf32, #tpu.memory_space<vmem_shared>>
      tpu.enqueue_dma source(%dma_start3A_262 : memref<640xf32, #tpu.memory_space<vmem_shared>>) target(%dma_start3A_261 : memref<640xf32, #tpu.memory_space<hbm>>) target_semaphore(%run_scoped3A : memref<!tpu.dma_semaphore, #tpu.memory_space<semaphore_mem>>)
      %dma_wait3A_263 = tpu.memref_slice %arg5[%add3A_260] : memref<20480xf32, #tpu.memory_space<hbm>> -> memref<640xf32, #tpu.memory_space<hbm>>
      %dma_wait3A_264 = tpu.memref_slice %arg11[%mul3A_29] : memref<10240xf32, #tpu.memory_space<vmem_shared>> -> memref<640xf32, #tpu.memory_space<vmem_shared>>
      tpu.wait_dma2 semaphore(%run_scoped3A : memref<!tpu.dma_semaphore, #tpu.memory_space<semaphore_mem>>) src(%dma_wait3A_264 : memref<640xf32, #tpu.memory_space<vmem_shared>>) dst(%dma_wait3A_263 : memref<640xf32, #tpu.memory_space<hbm>>)
      tpu.yield
    }) : () -> ()
    return
  }
}

module attributes {stable_mosaic.version = 14 : i64} {
  func.func @_tc_body(%arg0: i32, %arg1: memref<2x2000x128xf32, #tpu.memory_space<vmem>>, %arg2: memref<2x2000x1xf32, #tpu.memory_space<vmem>>, %arg3: memref<2000x128xf32, #tpu.memory_space<vmem>>, %arg4: memref<128x128xf32, #tpu.memory_space<vmem>>, %arg5: memref<1x128xf32, #tpu.memory_space<vmem>>, %arg6: memref<128x128xf32, #tpu.memory_space<vmem>>, %arg7: memref<128x7xf32, #tpu.memory_space<vmem>>, %arg8: memref<1x7xf32, #tpu.memory_space<vmem>>, %arg9: memref<128x6xf32, #tpu.memory_space<vmem>>, %arg10: memref<1x6xf32, #tpu.memory_space<vmem>>, %arg11: memref<2000x7xf32, #tpu.memory_space<vmem>>, %arg12: memref<2000x6xf32, #tpu.memory_space<vmem>>) attributes {dimension_semantics = [#tpu.dimension_semantics<arbitrary>], iteration_bounds = array<i64: 5>, scalar_prefetch = 0 : i64, scratch_operands = 0 : i64, tpu.core_type = #tpu.core_type<tc>, window_params = [{transform_indices = @transform_0, window_bounds = array<i64: 2, 2000, 128>}, {transform_indices = @transform_1, window_bounds = array<i64: 2, 2000, 1>}, {transform_indices = @transform_2, window_bounds = array<i64: 2000, 128>}, {pipeline_mode = #tpu.pipeline_mode<synchronous>, transform_indices = @transform_3, window_bounds = array<i64: 128, 128>}, {pipeline_mode = #tpu.pipeline_mode<synchronous>, transform_indices = @transform_4, window_bounds = array<i64: 1, 128>}, {pipeline_mode = #tpu.pipeline_mode<synchronous>, transform_indices = @transform_5, window_bounds = array<i64: 128, 128>}, {pipeline_mode = #tpu.pipeline_mode<synchronous>, transform_indices = @transform_6, window_bounds = array<i64: 128, 7>}, {pipeline_mode = #tpu.pipeline_mode<synchronous>, transform_indices = @transform_7, window_bounds = array<i64: 1, 7>}, {pipeline_mode = #tpu.pipeline_mode<synchronous>, transform_indices = @transform_8, window_bounds = array<i64: 128, 6>}, {pipeline_mode = #tpu.pipeline_mode<synchronous>, transform_indices = @transform_9, window_bounds = array<i64: 1, 6>}, {transform_indices = @transform_10, window_bounds = array<i64: 2000, 7>}, {transform_indices = @transform_11, window_bounds = array<i64: 2000, 6>}]} {
    %get3A = arith.constant 0 : index
    %get3A_0 = arith.constant 0 : index
    %get3A_1 = arith.constant 0 : index
    %get3A_2 = vector.load %arg1[%get3A, %get3A_0, %get3A_1] : memref<2x2000x128xf32, #tpu.memory_space<vmem>>, vector<1x2000x128xf32>
    %get3A_3 = vector.shape_cast %get3A_2 : vector<1x2000x128xf32> to vector<2000x128xf32>
    %get3A_4 = arith.constant 1 : index
    %get3A_5 = arith.constant 0 : index
    %get3A_6 = arith.constant 0 : index
    %get3A_7 = vector.load %arg1[%get3A_4, %get3A_5, %get3A_6] : memref<2x2000x128xf32, #tpu.memory_space<vmem>>, vector<1x2000x128xf32>
    %get3A_8 = vector.shape_cast %get3A_7 : vector<1x2000x128xf32> to vector<2000x128xf32>
    %add3A = arith.addf %get3A_3, %get3A_8 : vector<2000x128xf32>
    %get3A_9 = arith.constant 0 : index
    %get3A_10 = arith.constant 0 : index
    %get3A_11 = arith.constant 0 : index
    %get3A_12 = vector.load %arg2[%get3A_9, %get3A_10, %get3A_11] : memref<2x2000x1xf32, #tpu.memory_space<vmem>>, vector<1x2000x1xf32>
    %get3A_13 = vector.shape_cast %get3A_12 : vector<1x2000x1xf32> to vector<2000x1xf32>
    %get3A_14 = arith.constant 1 : index
    %get3A_15 = arith.constant 0 : index
    %get3A_16 = arith.constant 0 : index
    %get3A_17 = vector.load %arg2[%get3A_14, %get3A_15, %get3A_16] : memref<2x2000x1xf32, #tpu.memory_space<vmem>>, vector<1x2000x1xf32>
    %get3A_18 = vector.shape_cast %get3A_17 : vector<1x2000x1xf32> to vector<2000x1xf32>
    %add3A_19 = arith.addf %get3A_13, %get3A_18 : vector<2000x1xf32>
    %max3A = arith.constant 1.000000e+00 : f32
    %max3A_20 = vector.broadcast %max3A : f32 to vector<2000x1xf32>
    %max3A_21 = arith.maximumf %add3A_19, %max3A_20 : vector<2000x1xf32>
    %div3A = arith.constant 1.000000e+00 : f32
    %div3A_22 = vector.broadcast %div3A : f32 to vector<2000x1xf32>
    %div3A_23 = arith.divf %div3A_22, %max3A_21 : vector<2000x1xf32>
    %mul3A = vector.broadcast %div3A_23 : vector<2000x1xf32> to vector<2000x128xf32>
    %mul3A_24 = arith.mulf %add3A, %mul3A : vector<2000x128xf32>
    %get3A_25 = arith.constant 0 : index
    %get3A_26 = arith.constant 0 : index
    %get3A_27 = vector.load %arg4[%get3A_25, %get3A_26] : memref<128x128xf32, #tpu.memory_space<vmem>>, vector<128x128xf32>
    %dot_general3A = arith.constant dense<0.000000e+00> : vector<2000x128xf32>
    %dot_general3A_28 = tpu.matmul %mul3A_24, %get3A_27, %dot_general3A {dimension_numbers = #tpu.dot_dimension_numbers<[1], [0], [0], [1], [0, 0, 1, 1], [], []>, transpose_lhs_hint = false} : vector<2000x128xf32>, vector<128x128xf32>, vector<2000x128xf32> -> vector<2000x128xf32>
    %get3A_29 = arith.constant 0 : index
    %get3A_30 = arith.constant 0 : index
    %get3A_31 = vector.load %arg5[%get3A_29, %get3A_30] : memref<1x128xf32, #tpu.memory_space<vmem>>, vector<1x128xf32>
    %add3A_32 = vector.broadcast %get3A_31 : vector<1x128xf32> to vector<2000x128xf32>
    %add3A_33 = arith.addf %dot_general3A_28, %add3A_32 : vector<2000x128xf32>
    %get3A_34 = arith.constant 0 : index
    %get3A_35 = arith.constant 0 : index
    %get3A_36 = vector.load %arg3[%get3A_34, %get3A_35] : memref<2000x128xf32, #tpu.memory_space<vmem>>, vector<2000x128xf32>
    %get3A_37 = arith.constant 0 : index
    %get3A_38 = arith.constant 0 : index
    %get3A_39 = vector.load %arg6[%get3A_37, %get3A_38] : memref<128x128xf32, #tpu.memory_space<vmem>>, vector<128x128xf32>
    %dot_general3A_40 = arith.constant dense<0.000000e+00> : vector<2000x128xf32>
    %dot_general3A_41 = tpu.matmul %get3A_36, %get3A_39, %dot_general3A_40 {dimension_numbers = #tpu.dot_dimension_numbers<[1], [0], [0], [1], [0, 0, 1, 1], [], []>, transpose_lhs_hint = false} : vector<2000x128xf32>, vector<128x128xf32>, vector<2000x128xf32> -> vector<2000x128xf32>
    %add3A_42 = arith.addf %add3A_33, %dot_general3A_41 : vector<2000x128xf32>
    %max3A_43 = arith.constant 0.000000e+00 : f32
    %max3A_44 = vector.broadcast %max3A_43 : f32 to vector<2000x128xf32>
    %max3A_45 = arith.maximumf %add3A_42, %max3A_44 : vector<2000x128xf32>
    %get3A_46 = arith.constant 0 : index
    %get3A_47 = arith.constant 0 : index
    %get3A_48 = vector.load %arg7[%get3A_46, %get3A_47] : memref<128x7xf32, #tpu.memory_space<vmem>>, vector<128x7xf32>
    %dot_general3A_49 = arith.constant dense<0.000000e+00> : vector<2000x7xf32>
    %dot_general3A_50 = tpu.matmul %max3A_45, %get3A_48, %dot_general3A_49 {dimension_numbers = #tpu.dot_dimension_numbers<[1], [0], [0], [1], [0, 0, 1, 1], [], []>, transpose_lhs_hint = false} : vector<2000x128xf32>, vector<128x7xf32>, vector<2000x7xf32> -> vector<2000x7xf32>
    %get3A_51 = arith.constant 0 : index
    %get3A_52 = arith.constant 0 : index
    %get3A_53 = vector.load %arg8[%get3A_51, %get3A_52] : memref<1x7xf32, #tpu.memory_space<vmem>>, vector<1x7xf32>
    %add3A_54 = vector.broadcast %get3A_53 : vector<1x7xf32> to vector<2000x7xf32>
    %add3A_55 = arith.addf %dot_general3A_50, %add3A_54 : vector<2000x7xf32>
    %reduce_max3A = arith.constant dense<0xFF800000> : vector<2000xf32>
    %reduce_max3A_56 = vector.multi_reduction <maximumf>, %add3A_55, %reduce_max3A [1] : vector<2000x7xf32> to vector<2000xf32>
    %broadcast_in_dim3A = vector.shape_cast %reduce_max3A_56 : vector<2000xf32> to vector<2000x1xf32>
    %sub3A = vector.broadcast %broadcast_in_dim3A : vector<2000x1xf32> to vector<2000x7xf32>
    %sub3A_57 = arith.subf %add3A_55, %sub3A : vector<2000x7xf32>
    %exp3A = math.exp %sub3A_57 : vector<2000x7xf32>
    %reduce_sum3A = arith.constant dense<0.000000e+00> : vector<2000xf32>
    %reduce_sum3A_58 = vector.multi_reduction <add>, %exp3A, %reduce_sum3A [1] : vector<2000x7xf32> to vector<2000xf32>
    %broadcast_in_dim3A_59 = vector.shape_cast %reduce_sum3A_58 : vector<2000xf32> to vector<2000x1xf32>
    %log3A = math.log %broadcast_in_dim3A_59 : vector<2000x1xf32>
    %sub3A_60 = vector.broadcast %log3A : vector<2000x1xf32> to vector<2000x7xf32>
    %sub3A_61 = arith.subf %sub3A_57, %sub3A_60 : vector<2000x7xf32>
    %swap3A = arith.constant 0 : index
    %swap3A_62 = arith.constant 0 : index
    %swap3A_63 = vector.load %arg11[%swap3A, %swap3A_62] : memref<2000x7xf32, #tpu.memory_space<vmem>>, vector<2000x7xf32>
    tpu.vector_store %arg11[%swap3A, %swap3A_62], %sub3A_61 {strides = array<i32>} : memref<2000x7xf32, #tpu.memory_space<vmem>>, vector<2000x7xf32>,
    %get3A_64 = arith.constant 0 : index
    %get3A_65 = arith.constant 0 : index
    %get3A_66 = vector.load %arg9[%get3A_64, %get3A_65] : memref<128x6xf32, #tpu.memory_space<vmem>>, vector<128x6xf32>
    %dot_general3A_67 = arith.constant dense<0.000000e+00> : vector<2000x6xf32>
    %dot_general3A_68 = tpu.matmul %max3A_45, %get3A_66, %dot_general3A_67 {dimension_numbers = #tpu.dot_dimension_numbers<[1], [0], [0], [1], [0, 0, 1, 1], [], []>, transpose_lhs_hint = false} : vector<2000x128xf32>, vector<128x6xf32>, vector<2000x6xf32> -> vector<2000x6xf32>
    %get3A_69 = arith.constant 0 : index
    %get3A_70 = arith.constant 0 : index
    %get3A_71 = vector.load %arg10[%get3A_69, %get3A_70] : memref<1x6xf32, #tpu.memory_space<vmem>>, vector<1x6xf32>
    %add3A_72 = vector.broadcast %get3A_71 : vector<1x6xf32> to vector<2000x6xf32>
    %add3A_73 = arith.addf %dot_general3A_68, %add3A_72 : vector<2000x6xf32>
    %reduce_max3A_74 = arith.constant dense<0xFF800000> : vector<2000xf32>
    %reduce_max3A_75 = vector.multi_reduction <maximumf>, %add3A_73, %reduce_max3A_74 [1] : vector<2000x6xf32> to vector<2000xf32>
    %broadcast_in_dim3A_76 = vector.shape_cast %reduce_max3A_75 : vector<2000xf32> to vector<2000x1xf32>
    %sub3A_77 = vector.broadcast %broadcast_in_dim3A_76 : vector<2000x1xf32> to vector<2000x6xf32>
    %sub3A_78 = arith.subf %add3A_73, %sub3A_77 : vector<2000x6xf32>
    %exp3A_79 = math.exp %sub3A_78 : vector<2000x6xf32>
    %reduce_sum3A_80 = arith.constant dense<0.000000e+00> : vector<2000xf32>
    %reduce_sum3A_81 = vector.multi_reduction <add>, %exp3A_79, %reduce_sum3A_80 [1] : vector<2000x6xf32> to vector<2000xf32>
    %broadcast_in_dim3A_82 = vector.shape_cast %reduce_sum3A_81 : vector<2000xf32> to vector<2000x1xf32>
    %log3A_83 = math.log %broadcast_in_dim3A_82 : vector<2000x1xf32>
    %sub3A_84 = vector.broadcast %log3A_83 : vector<2000x1xf32> to vector<2000x6xf32>
    %sub3A_85 = arith.subf %sub3A_78, %sub3A_84 : vector<2000x6xf32>
    %swap3A_86 = arith.constant 0 : index
    %swap3A_87 = arith.constant 0 : index
    %swap3A_88 = vector.load %arg12[%swap3A_86, %swap3A_87] : memref<2000x6xf32, #tpu.memory_space<vmem>>, vector<2000x6xf32>
    tpu.vector_store %arg12[%swap3A_86, %swap3A_87], %sub3A_85 {strides = array<i32>} : memref<2000x6xf32, #tpu.memory_space<vmem>>, vector<2000x6xf32>,
    return
  }
  func.func @transform_0(%arg0: i32) -> (i32, i32, i32) {
    %c0_i32 = arith.constant 0 : i32
    %c0_i32_0 = arith.constant 0 : i32
    %c0_i32_1 = arith.constant 0 : i32
    return %c0_i32, %arg0, %c0_i32_0 : i32, i32, i32
  }
  func.func @transform_1(%arg0: i32) -> (i32, i32, i32) {
    %c0_i32 = arith.constant 0 : i32
    %c0_i32_0 = arith.constant 0 : i32
    %c0_i32_1 = arith.constant 0 : i32
    return %c0_i32, %arg0, %c0_i32_0 : i32, i32, i32
  }
  func.func @transform_2(%arg0: i32) -> (i32, i32) {
    %c0_i32 = arith.constant 0 : i32
    %c0_i32_0 = arith.constant 0 : i32
    return %arg0, %c0_i32 : i32, i32
  }
  func.func @transform_3(%arg0: i32) -> (i32, i32) {
    %c0_i32 = arith.constant 0 : i32
    %c0_i32_0 = arith.constant 0 : i32
    %c0_i32_1 = arith.constant 0 : i32
    return %c0_i32, %c0_i32_0 : i32, i32
  }
  func.func @transform_4(%arg0: i32) -> (i32, i32) {
    %c0_i32 = arith.constant 0 : i32
    %c0_i32_0 = arith.constant 0 : i32
    %c0_i32_1 = arith.constant 0 : i32
    return %c0_i32, %c0_i32_0 : i32, i32
  }
  func.func @transform_5(%arg0: i32) -> (i32, i32) {
    %c0_i32 = arith.constant 0 : i32
    %c0_i32_0 = arith.constant 0 : i32
    %c0_i32_1 = arith.constant 0 : i32
    return %c0_i32, %c0_i32_0 : i32, i32
  }
  func.func @transform_6(%arg0: i32) -> (i32, i32) {
    %c0_i32 = arith.constant 0 : i32
    %c0_i32_0 = arith.constant 0 : i32
    %c0_i32_1 = arith.constant 0 : i32
    return %c0_i32, %c0_i32_0 : i32, i32
  }
  func.func @transform_7(%arg0: i32) -> (i32, i32) {
    %c0_i32 = arith.constant 0 : i32
    %c0_i32_0 = arith.constant 0 : i32
    %c0_i32_1 = arith.constant 0 : i32
    return %c0_i32, %c0_i32_0 : i32, i32
  }
  func.func @transform_8(%arg0: i32) -> (i32, i32) {
    %c0_i32 = arith.constant 0 : i32
    %c0_i32_0 = arith.constant 0 : i32
    %c0_i32_1 = arith.constant 0 : i32
    return %c0_i32, %c0_i32_0 : i32, i32
  }
  func.func @transform_9(%arg0: i32) -> (i32, i32) {
    %c0_i32 = arith.constant 0 : i32
    %c0_i32_0 = arith.constant 0 : i32
    %c0_i32_1 = arith.constant 0 : i32
    return %c0_i32, %c0_i32_0 : i32, i32
  }
  func.func @transform_10(%arg0: i32) -> (i32, i32) {
    %c0_i32 = arith.constant 0 : i32
    %c0_i32_0 = arith.constant 0 : i32
    return %arg0, %c0_i32 : i32, i32
  }
  func.func @transform_11(%arg0: i32) -> (i32, i32) {
    %c0_i32 = arith.constant 0 : i32
    %c0_i32_0 = arith.constant 0 : i32
    return %arg0, %c0_i32 : i32, i32
  }
}

</mosaic_0001>

<sc_bundles>
// kernel: kernel.4.cloned.1.call-start
scs
__scs_entry_jumppad:
0x0: {  	(pc) =	sbr.rel $0x88, $3  }
0x1: {  	(tag) =	ssettag $0x0;
	lr =	simm.s32 $0x1  }
0x2: {  	[smem:$0x3F98] =	sst lr;
	_ =	strace $0xD0000000  }
0x3: {  	_ = 	snop  }
0x4: {  	_ = 	snop  }
0x5: {  	_ = 	snop  }
0x6: {  	_ = 	snop  }
0x7: {  	_ = 	snop  }
__scs_overlays_trampoline_lowered:
0x8: {  	[smem:$0x3FA7] =	sst s0  }
0x9: {  	[smem:$0x3FA8] =	sst s1  }
0xa: {  	[smem:$0x3FA9] =	sst s2  }
0xb: {  	[smem:$0x3FAA] =	sst s3  }
0xc: {  	[smem:$0x3FAB] =	sst s4  }
0xd: {  	[smem:$0x3FAC] =	sst s5  }
0xe: {  	[smem:$0x3FAD] =	sst s6  }
0xf: {  	[smem:$0x3FAE] =	sst s7  }
0x10: {  	[smem:$0x3FAF] =	sst s8  }
0x11: {  	[smem:$0x3FB0] =	sst s9;
	s0 =	simm.s32 @!p0 $0x0  }
0x12: {  	s1 =	sld [smem:$0x3F96];
	s0 =	simm.s32 @p0 $0x1  }
0x13: {  	[smem:$0x3FB1] =	sst s0;
	s0 =	simm.s32 @!p1 $0x0  }
0x14: {  	s2 =	sld [smem:$0x3F95];
	s0 =	simm.s32 @p1 $0x1  }
0x15: {  	[smem:$0x3FB2] =	sst s0;
	s0 =	simm.s32 @!p2 $0x0  }
0x16: {  	s3 =	sld [smem:$0x3FDB];
	s0 =	simm.s32 @p2 $0x1  }
0x17: {  	s4 =	simm.s32 $0x1BF5;
	[smem:$0x3FB4] =	sst s0  }
0x18: {  	s0 =	sld [smem:$0x3F97];
	_ =	swait.ge [sflag:s4], $0x0  }
0x19: {  	s7 =	sld [smem:$0x3F98]  }
0x1a: {  	s8 =	sadd.s32 $0xFFFFE003, lr  }
0x1b: {  	s9 =	sadd.s32 $0xFFFFFEF7, lr;
	s5 =	simm.s32 $0xFFFFFFFF;
	p2 =	slt.u32 s8, $0xFFFFF086  }
0x1c: {  	p1 =	slt.u32 s9, $0xF7A;
	s5 =	simm.s32 @!p2 $0x0  }
0x1d: {  	s5 =	simm.s32 @p1 $0x1;
	p0 =	seq.s32 s7, s2  }
0x1e: {  	s7 =	smul.u32 @!p0 $0xF7A, s2;
	p2 =	seq.s32 @!p0 s5, $0x0  }
0x1f: {  	s9 =	smul.u32 $0xF7A, s1;
	s8 =	simm.s32 @!p0 $0x1BF5;
	p2 =	por !p2, p0  }
0x20: {  	[sflag:s8] =	ssyncset.s32 @!p0 $0xFFFFF086;
	s6 =	sadd.s32 @!p0 s3, s7;
	s7 =	simm.s32 @!p0 $0x108  }
0x21: {  	s3 =	sadd.s32 s3, s9;
	s6 =	sadd.s32 @!p0 $0x88, s6;
	s7 =	simm.s32 @p2 $0x1082  }
0x22: {  	[simem:s7], [sflag:s8] =	dma.local @!p0 [hbm:s6], $0xF7A  }
0x23: {  	s9 =	sor.u32 $0xD0000000, s2;
	s6 =	simm.s32 $0x108;
	_ =	swait.ge @!p0 [sflag:s8], $0x0  }
0x24: {  	s3 =	sadd.s32 $0x88, s3;
	s6 =	simm.s32 @!p1 $0x1082;
	[sflag:s4] =	ssyncset.s32 $0xFFFFF086  }
0x25: {  	[simem:s6], [sflag:s4] =	dma.local [hbm:s3], $0xF7A  }
0x26: {  	[smem:$0x3F98] =	sst s1;
	(tag) =	ssettag s2;
	_ =	strace s9  }
0x27: {  	s1 =	sld [smem:$0x3FA8]  }
0x28: {  	s2 =	sld [smem:$0x3FA9]  }
0x29: {  	s4 =	sld [smem:$0x3FAB]  }
0x2a: {  	p0 =	seq.s32 s5, $0x0;
	s5 =	sld [smem:$0x3FAC]  }
0x2b: {  	s6 =	sld [smem:$0x3FAD]  }
0x2c: {  	s7 =	sld [smem:$0x3FAE]  }
0x2d: {  	s3 =	simm.s32 $0x108;
	s8 =	sld [smem:$0x3FAF]  }
0x2e: {  	s3 =	simm.s32 @!p0 $0x1082;
	s9 =	sld [smem:$0x3FB0]  }
0x2f: {  	lr =	sadd.s32 s0, s3;
	s0 =	sld [smem:$0x3FA7]  }
0x30: {  	s3 =	sld [smem:$0x3FAA]  }
0x31: {  	[smem:$0x3FB3] =	sst s10  }
0x32: {  	s10 =	sld [smem:$0x3FB1];
	_ =	sdelay $0x3  }
0x33: {  	p0 =	seq.s32 s10, $0x1;
	s10 =	sld [smem:$0x3FB3];
	_ =	sdelay $0x3  }
0x34: {  	[smem:$0x3FB3] =	sst s10  }
0x35: {  	s10 =	sld [smem:$0x3FB2];
	_ =	sdelay $0x3  }
0x36: {  	p1 =	seq.s32 s10, $0x1;
	s10 =	sld [smem:$0x3FB3];
	_ =	sdelay $0x3  }
0x37: {  	[smem:$0x3FB3] =	sst s10  }
0x38: {  	s10 =	sld [smem:$0x3FB4]  }
0x39: {  	_ = 	snop;
	(pc) =	sbr.ind lr, $3  }
0x3a: {  	_ = 	snop  }
0x3b: {  	_ = 	snop  }
0x3c: {  	p2 =	seq.s32 s10, $0x1;
	s10 =	sld [smem:$0x3FB3]  }
0x3d: {  	_ =	shalt  }
0x3e: {  	_ =	shalt  }
0x3f: {  	_ =	shalt  }
0x40: {  	_ =	shalt  }
0x41: {  	_ =	shalt  }
0x42: {  	_ =	shalt  }
0x43: {  	_ =	shalt  }
0x44: {  	_ =	shalt  }
0x45: {  	_ =	shalt  }
0x46: {  	_ =	shalt  }
0x47: {  	_ =	shalt  }
0x48: {  	_ =	shalt  }
0x49: {  	_ =	shalt  }
0x4a: {  	_ =	shalt  }
0x4b: {  	_ =	shalt  }
0x4c: {  	_ =	shalt  }
0x4d: {  	_ =	shalt  }
0x4e: {  	_ =	shalt  }
0x4f: {  	_ =	shalt  }
0x50: {  	_ =	shalt  }
0x51: {  	_ =	shalt  }
0x52: {  	_ =	shalt  }
0x53: {  	_ =	shalt  }
0x54: {  	_ =	shalt  }
0x55: {  	_ =	shalt  }
0x56: {  	_ =	shalt  }
0x57: {  	_ =	shalt  }
0x58: {  	_ =	shalt  }
0x59: {  	_ =	shalt  }
0x5a: {  	_ =	shalt  }
0x5b: {  	_ =	shalt  }
0x5c: {  	_ =	shalt  }
0x5d: {  	_ =	shalt  }
0x5e: {  	_ =	shalt  }
0x5f: {  	_ =	shalt  }
0x60: {  	_ =	shalt  }
0x61: {  	_ =	shalt  }
0x62: {  	_ =	shalt  }
0x63: {  	_ =	shalt  }
0x64: {  	_ =	shalt  }
0x65: {  	_ =	shalt  }
0x66: {  	_ =	shalt  }
0x67: {  	_ =	shalt  }
0x68: {  	_ =	shalt  }
0x69: {  	_ =	shalt  }
0x6a: {  	_ =	shalt  }
0x6b: {  	_ =	shalt  }
0x6c: {  	_ =	shalt  }
0x6d: {  	_ =	shalt  }
0x6e: {  	_ =	shalt  }
0x6f: {  	_ =	shalt  }
0x70: {  	_ =	shalt  }
0x71: {  	_ =	shalt  }
0x72: {  	_ =	shalt  }
0x73: {  	_ =	shalt  }
0x74: {  	_ =	shalt  }
0x75: {  	_ =	shalt  }
0x76: {  	_ =	shalt  }
0x77: {  	_ =	shalt  }
0x78: {  	_ =	shalt  }
0x79: {  	_ =	shalt  }
0x7a: {  	_ =	shalt  }
0x7b: {  	_ =	shalt  }
0x7c: {  	_ =	shalt  }
0x7d: {  	_ =	shalt  }
0x7e: {  	_ =	shalt  }
0x7f: {  	_ =	shalt  }
0x80: {  	_ =	shalt  }
0x81: {  	_ =	shalt  }
0x82: {  	_ =	shalt  }
0x83: {  	_ =	shalt  }
0x84: {  	_ =	shalt  }
0x85: {  	_ =	shalt  }
0x86: {  	_ =	shalt  }
0x87: {  	_ =	shalt  }
.Lfunc_end0:
.L_simem_size_0:
called_computation_lowered:
.L_overlay_start_0:
0x88: {  	s2 =	sld [smem:$0x3FD9]  }
0x89: {  	s3 =	sld [smem:$0x3FFE];
	_ =	sdelay $0x1  }
0x8a: {  	s1 =	srdreg.scid  }
0x8b: {  	s0 =	sand.u32 $0x1, s1  }
0x8c: {  	s14 =	sshll.u32 s0, $0xA;
	s2 =	sadd.s32 s3, s2  }
0x8d: {  	s2 =	sadd.s32 s2, s14  }
0x8e: {  	[smem:$0x3FBF] =	sst s2  }
0x8f: {  	_ = 	snop  }
0x90: {  	s2 =	sld [smem:$0x3FD0];
	_ =	sdelay $0x2  }
0x91: {  	s4 =	simm.s32 $0xA;
	s5 =	simm.s32 $0x10;
	s15 =	sld [smem:$0x3FC9]  }
0x92: {  	[smem:s5], [sflag:s4] =	dma.local [hbm:s2], $0x1  }
0x93: {  	_ =	swait.eq [sflag:s4], $0x1  }
0x94: {  	[sflag:s4] =	ssyncset.done $0x0  }
0x95: {  	[sflag:s4] =	ssyncadd.s32 $0xFFFFFFFF  }
0x96: {  	s16 =	sld [smem:$0x11];
	(tm) =	ssettm $0x1  }
0x97: {  	s17 =	sld [smem:$0x3FFB];
	_ =	sdelay $0x3  }
0x98: {  	_ =	strace s17  }
0x99: {  	s4 =	sld [smem:$0x3FFC];
	_ =	sdelay $0x3  }
0x9a: {  	_ =	strace s4  }
0x9b: {  	s4 =	sld [smem:$0x3FFD];
	_ =	sdelay $0x3  }
0x9c: {  	_ =	strace s4  }
0x9d: {  	_ =	strace $0x8FFFFFFF  }
0x9e: {  	s18 =	sld [smem:$0x3FDB];
	_ =	sdelay $0x1  }
0x9f: {  	s19 =	simm.s32 $_scs_section_size  }
0xa0: {  	s6 =	simm.s32 $_size__tile_overlayer_lowered;
	s7 =	simm.s32 $_tile_overlayer_lowered  }
0xa1: {  	s22 =	simm.s32 $0x1BFF;
	s21 =	sshll.u32 s7, $0x1;
	s4 =	sadd.s32 s19, s18  }
0xa2: {  	s8 =	simm.s32 $0x0;
	s20 =	sshll.u32 s6, $0x1;
	s6 =	sadd.s32 s21, s4  }
0xa3: {  	[timem:s8], [sflag:s22] =	dma.local [hbm:s6], s20  }
0xa4: {  	_ =	swait.ge [sflag:s22], s20  }
0xa5: {  	s5 =	ssub.s32 $0x0, s20;
	[sflag:s22] =	ssyncset.done $0x0  }
0xa6: {  	[sflag:s22] =	ssyncadd.s32 s5;
	_ =	sdelay $0x1  }
0xa7: {  	s23 =	simm.s32 $0x1B8B  }
0xa8: {  	_ =	swait.ge [sflag:s23], $0x1  }
0xa9: {  	[sflag:s23] =	ssyncset.done $0x0  }
0xaa: {  	s25 =	simm.s32 $0x1B8E;
	s24 =	sld [smem:$0x3FFE];
	[sflag:s23] =	ssyncadd.s32 $0xFFFFFFFF  }
0xab: {  	s26 =	simm.s32 $execute0_lowered;
	[smem:$0x3FD2] =	sst s25  }
0xac: {  	s6 =	sshll.u32 s26, $0x1;
	_ =	strace $0x80000046;
	[dreg:$0x1] =	wrdreg $0xFFFFFFFF  }
0xad: {  	s28 =	simm.s32 $_size_execute0_lowered;
	s4 =	sadd.s32 s4, s6;
	[dreg:$0x0] =	wrdreg $0x0  }
0xae: {  	s6 =	sshll.u32 s28, $0x1;
	[dreg:$0x2] =	wrdreg s4  }
0xaf: {  	[dreg:$0x3] =	wrdreg s6  }
0xb0: {  	[dreg:$0x4] =	wrdreg $0xC0  }
0xb1: {  	_ =	task [dreg:s8], $0x5FFFF  }
0xb2: {  	[dreg:$0x1] =	wrdreg $0xFFFFFFFF  }
0xb3: {  	[dreg:$0x0] =	wrdreg $0x60  }
0xb4: {  	[dreg:$0x2] =	wrdreg s15  }
0xb5: {  	[dreg:$0x3] =	wrdreg s24  }
0xb6: {  	[dreg:$0x4] =	wrdreg s16  }
0xb7: {  	[dreg:$0x5] =	wrdreg $0x77000  }
0xb8: {  	[dreg:$0x6] =	wrdreg $0x1B7000  }
0xb9: {  	[dreg:$0x7] =	wrdreg $0x9  }
0xba: {  	_ =	task.clear_ibuf [dreg:s8], $0x8FFFF;
	_ =	strace $0x90000046  }
0xbb: {  	s29 =	simm.s32 $0x9;
	_ =	strace $0x80000048  }
0xbc: {  	_ =	swait.ge [sflag:s29], $0x1  }
0xbd: {  	[sflag:s29] =	ssyncadd.s32 $0xFFFFFFFF  }
0xbe: {  	_ =	strace $0x90000048  }
0xbf: {  	_ =	sfence  }
0xc0: {  	s30 =	sld [smem:$0x0];
	_ =	sdelay $0x2  }
0xc1: {  	s31 =	sshll.u32 s1, $0xD;
	s1 =	sshrl.u32 s1, $0x2  }
0xc2: {  	s3 =	sand.u32 $0x4000, s31;
	s1 =	sadd.s32 s1, s30  }
0xc3: {  	s0 =	sor.u32 s3, s0;
	s1 =	sshll.u32 s1, $0x11  }
0xc4: {  	s0 =	sor.u32 s1, s0  }
0xc5: {  	s0 =	sadd.s32 $0x8F2B, s0  }
0xc6: {  	[sflag:s0] =	ssyncadd.remote.s32 $0x1  }
0xc7: {  	_ =	sfence.sel $0xFFFF  }
0xc8: {  	[dreg:$0x0] =	wrdreg $0xFFFFFFFF;
	(pc) =	sbr.abs _section_cstart, $3  }
0xc9: {  	[dreg:$0x1] =	wrdreg $0xFFFFFFFF  }
0xca: {  	_ =	task.clear_ibuf [dreg:s8], $0x2FFFF;
	_ =	strace $0x9FFFFFFF  }
0xcb: {  	(tm) =	ssettm $0x7FFFFFFF  }
tec
execute0_lowered:
.L_overlay_start_1:
0x0: {  	(tag) =	ssettag $0x1  }
0x1: {  	s2 =	rddreg [dreg:$0x0]  }
0x2: {  	s0 =	rddreg [dreg:$0x1]  }
0x3: {  	s8 =	rddreg [dreg:$0x2]  }
0x4: {  	s3 =	rddreg [dreg:$0x3];
	s13 =	stileid.u32  }
0x5: {  	s31 =	rddreg [dreg:$0x4];
	s6 =	smul.u32 $0x14000, s13  }
0x6: {  	s4 =	srdreg.scid;
	s5 =	simm.s32 $0x0;
	s9 =	smul.u32 $0x280, s13  }
0x7: {  	s7 =	sand.u32 $0x1, s4;
	[smem:$0x7FF] =	sst s5;
	s11 =	smul.u32 $0x50000, s13  }
0x8: {  	s20 =	sadd.s32 $0x2000, s0;
	s4 =	smul.u32 $0x140000, s7;
	_ =	strace $0x80000047  }
0x9: {  	s17 =	sshll.u32 s7, $0x4;
	s10 =	ssub.s32 $0x2, s7;
	s25 =	smul.u32 $0x2800, s7  }
0xa: {  	s7 =	smul.u32 $0x27100, s7;
	s12 =	sshrl.u32 s10, $0x1;
	s18 =	sshrl.u32 s11, $0x2  }
0xb: {  	s15 =	sadd.s32 s9, s31;
	s4 =	sadd.s32 s6, s4;
	s6 =	sor.u32 s13, s17  }
0xc: {  	s17 =	sadd.s32 s18, s3;
	s13 =	smul.u32 $0x2710, s13;
	s9 =	sadd.s32 s9, s25  }
0xd: {  	[dreg:$0x19] =	wrdreg s15;
	s4 =	sshrl.u32 s4, $0x3;
	s6 =	smul.u32 $0x2710, s6  }
0xe: {  	s9 =	sshrl.u32 s9, $0x3;
	[dreg:$0x1a] =	wrdreg s17;
	s0 =	sadd.s32 s4, s0  }
0xf: {  	s4 =	ssub.s32 s10, s12;
	s7 =	sadd.s32 s13, s7;
	s8 =	sadd.s32 s8, s9  }
0x10: {  	s19 =	sshrl.u32 s6, $0x3;
	s21 =	sadd.s32 $0x28, s6;
	s22 =	sadd.s32 $0x4E228, s6  }
0x11: {  	s29 =	sadd.s32 $0x78, s6;
	s30 =	sadd.s32 $0x4E278, s6;
	s13 =	sadd.s32 $0x4E390, s7  }
0x12: {  	[smem:$0x7E4] =	sst s8;
	s18 =	sadd.s32 $0x1B8, s7;
	s0 =	sadd.s32 $0x15A00, s0  }
0x13: {  	s14 =	sadd.s32 s20, s19;
	s10 =	sshrl.u32 s21, $0x3;
	[smem:$0x7E8] =	sst s0  }
0x14: {  	s11 =	sshrl.u32 s22, $0x3;
	s23 =	sadd.s32 $0x9C40, s14;
	[dreg:$0x1b] =	wrdreg s14  }
0x15: {  	s1 =	sshrl.u32 s30, $0x3;
	s10 =	sadd.s32 s20, s10;
	[dreg:$0x1c] =	wrdreg s23  }
0x16: {  	s9 =	sshrl.u32 s18, $0x3;
	s24 =	sadd.s32 s20, s11;
	[dreg:$0x1d] =	wrdreg s10  }
0x17: {  	s19 =	sadd.s32 $0x4E3B8, s7;
	s26 =	sadd.s32 $0xA, s14;
	[dreg:$0x1e] =	wrdreg s24  }
0x18: {  	s11 =	sshrl.u32 s29, $0x3;
	s16 =	sadd.s32 $0x9C4A, s14;
	[dreg:$0x1f] =	wrdreg s26  }
0x19: {  	s12 =	sadd.s32 $0x14, s14;
	s21 =	sadd.s32 s9, s20;
	[smem:$0x7E0] =	sst s16  }
0x1a: {  	s22 =	sshrl.u32 s19, $0x3;
	s29 =	sadd.s32 $0x208, s7;
	[smem:$0x7E3] =	sst s12  }
0x1b: {  	s11 =	sadd.s32 s20, s11;
	s16 =	sshrl.u32 s13, $0x3;
	[dreg:$0x7] =	wrdreg s21  }
0x1c: {  	s23 =	sadd.s32 s22, s20;
	s24 =	sadd.s32 $0x1E0, s7;
	s26 =	sadd.s32 $0x4E3E0, s7  }
0x1d: {  	s13 =	sadd.s32 $0x230, s7;
	s22 =	sadd.s32 $0x258, s7;
	[smem:$0x7E1] =	sst s11  }
0x1e: {  	s11 =	sadd.s32 s20, s1;
	s8 =	sadd.s32 s16, s20;
	[dreg:$0x8] =	wrdreg s23  }
0x1f: {  	s25 =	sshrl.u32 s24, $0x3;
	s9 =	sshrl.u32 s26, $0x3;
	s1 =	sshrl.u32 s29, $0x3  }
0x20: {  	s16 =	sadd.s32 $0x4E430, s7;
	s23 =	sshrl.u32 s22, $0x3;
	[smem:$0x7E2] =	sst s11  }
0x21: {  	s24 =	sadd.s32 $0x4E458, s7;
	s22 =	sadd.s32 $0x4E318, s7;
	[dreg:$0x6] =	wrdreg s8  }
0x22: {  	s8 =	sadd.s32 s25, s20;
	s30 =	sadd.s32 s9, s20;
	s10 =	sadd.s32 s1, s20  }
0x23: {  	s11 =	sadd.s32 $0x4E408, s7;
	s9 =	sshrl.u32 s13, $0x3;
	[dreg:$0x9] =	wrdreg s8  }
0x24: {  	s19 =	sshrl.u32 s16, $0x3;
	s25 =	sadd.s32 $0x168, s7;
	[dreg:$0xa] =	wrdreg s30  }
0x25: {  	s1 =	sadd.s32 $0x4E368, s7;
	[dreg:$0xb] =	wrdreg s10;
	s12 =	sshrl.u32 s11, $0x3  }
0x26: {  	s18 =	sadd.s32 s9, s20;
	s21 =	sadd.s32 s19, s20;
	s9 =	sshrl.u32 s24, $0x3  }
0x27: {  	s29 =	sshrl.u32 s25, $0x3;
	s10 =	sshrl.u32 s1, $0x3;
	[dreg:$0xd] =	wrdreg s18  }
0x28: {  	s11 =	sadd.s32 $0x140, s7;
	s1 =	smax.u32 s4, $0x1;
	[dreg:$0xe] =	wrdreg s21  }
0x29: {  	s19 =	sadd.s32 $0x118, s7;
	s8 =	sadd.s32 s12, s20;
	[smem:$0x7E9] =	sst s1  }
0x2a: {  	s25 =	sadd.s32 $0xF0, s7;
	s26 =	sadd.s32 s9, s20;
	[dreg:$0xc] =	wrdreg s8  }
0x2b: {  	s30 =	sadd.s32 s29, s20;
	s12 =	sadd.s32 $0x4E340, s7;
	[dreg:$0x10] =	wrdreg s26  }
0x2c: {  	s29 =	sadd.s32 $0x4E2F0, s7;
	s7 =	sadd.s32 $0x190, s7;
	[dreg:$0x11] =	wrdreg s30  }
0x2d: {  	s9 =	sshrl.u32 s11, $0x3;
	s11 =	sadd.s32 $0x5000, s17;
	[smem:$0x7EB] =	sst s7  }
0x2e: {  	s21 =	sshrl.u32 s19, $0x3;
	s19 =	sadd.s32 $0xB000, s17;
	[smem:$0x7EF] =	sst s11  }
0x2f: {  	s8 =	sadd.s32 s23, s20;
	[smem:$0x7F5] =	sst s19  }
0x30: {  	s13 =	sadd.s32 s9, s20;
	[dreg:$0xf] =	wrdreg s8  }
0x31: {  	s23 =	sadd.s32 $0x9C54, s14;
	[dreg:$0x13] =	wrdreg s13  }
0x32: {  	s16 =	sshrl.u32 s12, $0x3;
	s12 =	sadd.s32 $0x6000, s17;
	[smem:$0x7E5] =	sst s23  }
0x33: {  	s14 =	sadd.s32 $0x8000, s17;
	[smem:$0x7F0] =	sst s12  }
0x34: {  	s9 =	sshrl.u32 s22, $0x3;
	s22 =	sadd.s32 $0xD000, s17;
	[smem:$0x7F2] =	sst s14  }
0x35: {  	s30 =	sshrl.u32 s29, $0x3;
	s29 =	sadd.s32 $0x12000, s17;
	[smem:$0x7F7] =	sst s22  }
0x36: {  	s8 =	sadd.s32 s10, s20;
	[smem:$0x7FC] =	sst s29  }
0x37: {  	s18 =	sadd.s32 s16, s20;
	[dreg:$0x12] =	wrdreg s8  }
0x38: {  	s24 =	sadd.s32 s9, s20;
	[dreg:$0x14] =	wrdreg s18  }
0x39: {  	s4 =	sadd.s32 s30, s20;
	[dreg:$0x16] =	wrdreg s24  }
0x3a: {  	s10 =	sadd.s32 $0x4000, s17;
	[dreg:$0x18] =	wrdreg s4  }
0x3b: {  	s13 =	sadd.s32 $0x7000, s17;
	[smem:$0x7EE] =	sst s10  }
0x3c: {  	s16 =	sadd.s32 $0x9000, s17;
	[smem:$0x7F1] =	sst s13  }
0x3d: {  	s23 =	sadd.s32 $0xE000, s17;
	[smem:$0x7F3] =	sst s16  }
0x3e: {  	s9 =	sshrl.u32 s25, $0x3;
	s25 =	sadd.s32 $0x10000, s17;
	[smem:$0x7F8] =	sst s23  }
0x3f: {  	s26 =	sadd.s32 $0xC8, s6;
	s30 =	sadd.s32 $0x13000, s17;
	[smem:$0x7FA] =	sst s25  }
0x40: {  	s6 =	sadd.s32 $0x4E2C8, s6;
	s8 =	sadd.s32 s21, s20;
	[smem:$0x7FD] =	sst s30  }
0x41: {  	s6 =	sshrl.u32 s6, $0x3;
	s9 =	sadd.s32 s9, s20;
	[dreg:$0x15] =	wrdreg s8  }
0x42: {  	s28 =	simm.s32 $0x1BA28;
	s6 =	sadd.s32 s20, s6;
	[dreg:$0x17] =	wrdreg s9  }
0x43: {  	s19 =	simm.s32 $0x1BB00;
	s18 =	sadd.s32 $0xA000, s17;
	[smem:$0x7E7] =	sst s6  }
0x44: {  	s7 =	simm.s32 $0x0;
	s21 =	sadd.s32 $0xC000, s17;
	[smem:$0x7F4] =	sst s18  }
0x45: {  	s24 =	sadd.s32 $0xF000, s17;
	s23 =	simm.s32 $0x1B9A8;
	[smem:$0x7F6] =	sst s21  }
0x46: {  	s25 =	simm.s32 $0x1BB80;
	s6 =	sadd.s32 $0x1000, s17;
	[smem:$0x7F9] =	sst s24  }
0x47: {  	s10 =	simm.s32 $0x28;
	s9 =	sadd.s32 $0x3000, s17;
	[smem:$0x7EA] =	sst s6  }
0x48: {  	s8 =	sshrl.u32 s26, $0x3;
	s26 =	sadd.s32 $0x11000, s17;
	[smem:$0x7ED] =	sst s9  }
0x49: {  	s18 =	simm.s32 $0x1BAA8;
	s8 =	sadd.s32 s20, s8;
	[smem:$0x7FB] =	sst s26  }
0x4a: {  	s24 =	simm.s32 $0x1BB28;
	[smem:$0x7E6] =	sst s8;
	s8 =	sadd.s32 $0x2000, s17  }
0x4b: {  	v0 =	vimm.f32 $0.0e+00;
	v1 =	vimm.f32 $1.000000000e+00;
	s9 =	simm.s32 $0x1280;
	s6 =	simm.s32 $0x1BE28;
	[smem:$0x7EC] =	sst s8  }
.LBB2_1:
0x4c: {  	[smem:$0x7DF] =	sst s7;
	s4 =	simm.s32 $0x0;
	s13 =	simm.s32 $0x200  }
.LBB2_2:
0x4d: {  	p0 =	sne.s32 s13, $0x3E00;
	[tilespmem:s4+$0x70] =	vst v0  }
0x4e: {  	[tilespmem:s4+$0x0] =	vst v0  }
0x4f: {  	[tilespmem:s4+$0x10] =	vst v0  }
.Ltmp0:
0x50: {  	[tilespmem:s4+$0x20] =	vst v0;
	(pc) =	sbr.rel @p0 .LBB2_2-.Ltmp0, $4  }
0x51: {  	[tilespmem:s4+$0x30] =	vst v0  }
0x52: {  	[tilespmem:s4+$0x40] =	vst v0  }
0x53: {  	[tilespmem:s4+$0x50] =	vst v0  }
0x54: {  	[tilespmem:s4+$0x60] =	vst v0;
	s4 =	sshra.s32 s13, $0x2;
	s13 =	sadd.s32 $0x200, s13  }
0x55: {  	[tilespmem:s4+$0x70] =	vst v0  }
0x56: {  	[tilespmem:s4+$0x0] =	vst v0  }
0x57: {  	[tilespmem:s4+$0x10] =	vst v0  }
0x58: {  	[tilespmem:s4+$0x20] =	vst v0  }
0x59: {  	[tilespmem:s4+$0x30] =	vst v0  }
0x5a: {  	[tilespmem:s4+$0x40] =	vst v0  }
0x5b: {  	[tilespmem:s4+$0x50] =	vst v0  }
0x5c: {  	[tilespmem:s4+$0x60] =	vst v0  }
0x5d: {  	[tilespmem:$0x1000] =	vst v0  }
0x5e: {  	[tilespmem:$0x1010] =	vst v0  }
0x5f: {  	[tilespmem:$0x1020] =	vst v0  }
0x60: {  	[tilespmem:$0x1030] =	vst v0  }
0x61: {  	[tilespmem:$0x1040] =	vst v0  }
0x62: {  	[tilespmem:$0x1050] =	vst v0  }
0x63: {  	[tilespmem:$0x1060] =	vst v0  }
0x64: {  	[tilespmem:$0x1070] =	vst v0  }
0x65: {  	[tilespmem:$0x1080] =	vst v0  }
0x66: {  	[tilespmem:$0x1090] =	vst v0  }
0x67: {  	[tilespmem:$0x10A0] =	vst v0  }
0x68: {  	[tilespmem:$0x10B0] =	vst v0  }
0x69: {  	[tilespmem:$0x10C0] =	vst v0  }
0x6a: {  	[tilespmem:$0x10D0] =	vst v0  }
0x6b: {  	[tilespmem:$0x10E0] =	vst v0  }
0x6c: {  	[tilespmem:$0x10F0] =	vst v0  }
0x6d: {  	[tilespmem:$0x1100] =	vst v0  }
0x6e: {  	[tilespmem:$0x1110] =	vst v0  }
0x6f: {  	[tilespmem:$0x1120] =	vst v0  }
0x70: {  	[tilespmem:$0x1130] =	vst v0  }
0x71: {  	[tilespmem:$0x1140] =	vst v0  }
0x72: {  	[tilespmem:$0x1150] =	vst v0  }
0x73: {  	[tilespmem:$0x1160] =	vst v0  }
0x74: {  	[tilespmem:$0x1170] =	vst v0  }
0x75: {  	[tilespmem:$0x1180] =	vst v0  }
0x76: {  	[tilespmem:$0x1190] =	vst v0  }
0x77: {  	[tilespmem:$0x11A0] =	vst v0  }
0x78: {  	[tilespmem:$0x11B0] =	vst v0  }
0x79: {  	[tilespmem:$0x11C0] =	vst v0  }
0x7a: {  	[tilespmem:$0x11D0] =	vst v0  }
0x7b: {  	[tilespmem:$0x11E0] =	vst v0  }
0x7c: {  	[tilespmem:$0x11F0] =	vst v0  }
0x7d: {  	[tilespmem:$0x1200] =	vst v0  }
0x7e: {  	[tilespmem:$0x1210] =	vst v0  }
0x7f: {  	[tilespmem:$0x1220] =	vst v0  }
0x80: {  	[tilespmem:$0x1230] =	vst v0  }
0x81: {  	[tilespmem:$0x1240] =	vst v0  }
0x82: {  	[tilespmem:$0x1250] =	vst v0  }
0x83: {  	[tilespmem:$0x1260] =	vst v0  }
0x84: {  	[tilespmem:$0x1270] =	vst v0  }
0x85: {  	[tilespmem:$0x1280] =	vst v1  }
0x86: {  	[tilespmem:$0x1290] =	vst v1  }
0x87: {  	s21 =	simm.s32 $0x1000;
	[tilespmem:$0x1298] =	vst v1  }
0x88: {  	[spmem:s15] =	stream.linear.scatter [tilespmem:s21], [sflag:$0x15], $0x280, $0x38;
	[tilespmem:$0x1BE80] =	vst v63  }
0x89: {  	s4 =	simm.s32 $0x0;
	s8 =	sld [smem:$0x7EA]  }
0x8a: {  	[spmem:s17] =	stream.linear.scatter [tilespmem:s4], [sflag:$0x15], $0x1000, $0x38;
	[tilespmem:$0x1BE80] =	vst v63  }
0x8b: {  	s22 =	sld [smem:$0x7EC]  }
0x8c: {  	[spmem:s8] =	stream.linear.scatter [tilespmem:s4], [sflag:$0x15], $0x1000, $0x38;
	[tilespmem:$0x1BE80] =	vst v63  }
0x8d: {  	s26 =	sld [smem:$0x7ED]  }
0x8e: {  	[spmem:s22] =	stream.linear.scatter [tilespmem:s4], [sflag:$0x15], $0x1000, $0x38;
	[tilespmem:$0x1BE80] =	vst v63  }
0x8f: {  	s29 =	sld [smem:$0x7EE]  }
0x90: {  	[spmem:s26] =	stream.linear.scatter [tilespmem:s4], [sflag:$0x15], $0x1000, $0x38;
	[tilespmem:$0x1BE80] =	vst v63  }
0x91: {  	s30 =	sld [smem:$0x7EF]  }
0x92: {  	[spmem:s29] =	stream.linear.scatter [tilespmem:s4], [sflag:$0x15], $0x1000, $0x38;
	[tilespmem:$0x1BE80] =	vst v63  }
0x93: {  	s0 =	sld [smem:$0x7F0]  }
0x94: {  	[spmem:s30] =	stream.linear.scatter [tilespmem:s4], [sflag:$0x15], $0x1000, $0x38;
	[tilespmem:$0x1BE80] =	vst v63  }
0x95: {  	s1 =	sld [smem:$0x7F1]  }
0x96: {  	[spmem:s0] =	stream.linear.scatter [tilespmem:s4], [sflag:$0x15], $0x1000, $0x38;
	[tilespmem:$0x1BE80] =	vst v63  }
0x97: {  	s7 =	sld [smem:$0x7F2]  }
0x98: {  	[spmem:s1] =	stream.linear.scatter [tilespmem:s4], [sflag:$0x15], $0x1000, $0x38;
	[tilespmem:$0x1BE80] =	vst v63  }
0x99: {  	s11 =	sld [smem:$0x7F3]  }
0x9a: {  	[spmem:s7] =	stream.linear.scatter [tilespmem:s4], [sflag:$0x15], $0x1000, $0x38;
	[tilespmem:$0x1BE80] =	vst v63  }
0x9b: {  	s12 =	sld [smem:$0x7F4]  }
0x9c: {  	[spmem:s11] =	stream.linear.scatter [tilespmem:s4], [sflag:$0x15], $0x1000, $0x38;
	[tilespmem:$0x1BE80] =	vst v63  }
0x9d: {  	s13 =	sld [smem:$0x7F5]  }
0x9e: {  	[spmem:s12] =	stream.linear.scatter [tilespmem:s4], [sflag:$0x15], $0x1000, $0x38;
	[tilespmem:$0x1BE80] =	vst v63  }
0x9f: {  	s14 =	sld [smem:$0x7F6]  }
0xa0: {  	[spmem:s13] =	stream.linear.scatter [tilespmem:s4], [sflag:$0x15], $0x1000, $0x38;
	[tilespmem:$0x1BE80] =	vst v63  }
0xa1: {  	s15 =	sld [smem:$0x7F7]  }
0xa2: {  	[spmem:s14] =	stream.linear.scatter [tilespmem:s4], [sflag:$0x15], $0x1000, $0x38;
	[tilespmem:$0x1BE80] =	vst v63  }
0xa3: {  	s16 =	sld [smem:$0x7F8]  }
0xa4: {  	[spmem:s15] =	stream.linear.scatter [tilespmem:s4], [sflag:$0x15], $0x1000, $0x38;
	[tilespmem:$0x1BE80] =	vst v63  }
0xa5: {  	s17 =	sld [smem:$0x7F9]  }
0xa6: {  	[spmem:s16] =	stream.linear.scatter [tilespmem:s4], [sflag:$0x15], $0x1000, $0x38;
	[tilespmem:$0x1BE80] =	vst v63  }
0xa7: {  	s21 =	sld [smem:$0x7FA]  }
0xa8: {  	[spmem:s17] =	stream.linear.scatter [tilespmem:s4], [sflag:$0x15], $0x1000, $0x38;
	[tilespmem:$0x1BE80] =	vst v63  }
0xa9: {  	s22 =	sld [smem:$0x7FB]  }
0xaa: {  	[spmem:s21] =	stream.linear.scatter [tilespmem:s4], [sflag:$0x15], $0x1000, $0x38;
	[tilespmem:$0x1BE80] =	vst v63  }
0xab: {  	s26 =	sld [smem:$0x7FC]  }
0xac: {  	[spmem:s22] =	stream.linear.scatter [tilespmem:s4], [sflag:$0x15], $0x1000, $0x38;
	[tilespmem:$0x1BE80] =	vst v63  }
0xad: {  	s29 =	sld [smem:$0x7FD]  }
0xae: {  	[spmem:s26] =	stream.linear.scatter [tilespmem:s4], [sflag:$0x15], $0x1000, $0x38;
	[tilespmem:$0x1BE80] =	vst v63  }
0xaf: {  	s30 =	simm.s32 $0x15  }
0xb0: {  	[spmem:s29] =	stream.linear.scatter [tilespmem:s4], [sflag:$0x15], $0x1000, $0x38;
	[tilespmem:$0x1BE80] =	vst v63  }
0xb1: {  	_ =	swait.ge [sflag:s30], $0x1000  }
0xb2: {  	[sflag:s30] =	ssyncset.done $0x0  }
0xb3: {  	[sflag:s30] =	ssyncadd.s32 $0xFFFFF000  }
0xb4: {  	_ =	swait.ge [sflag:s30], $0x1000  }
0xb5: {  	[sflag:s30] =	ssyncset.done $0x0  }
0xb6: {  	[sflag:s30] =	ssyncadd.s32 $0xFFFFF000  }
0xb7: {  	_ =	swait.ge [sflag:s30], $0x1000  }
0xb8: {  	[sflag:s30] =	ssyncset.done $0x0  }
0xb9: {  	[sflag:s30] =	ssyncadd.s32 $0xFFFFF000  }
0xba: {  	_ =	swait.ge [sflag:s30], $0x1000  }
0xbb: {  	[sflag:s30] =	ssyncset.done $0x0  }
0xbc: {  	[sflag:s30] =	ssyncadd.s32 $0xFFFFF000  }
0xbd: {  	_ =	swait.ge [sflag:s30], $0x1000  }
0xbe: {  	[sflag:s30] =	ssyncset.done $0x0  }
0xbf: {  	[sflag:s30] =	ssyncadd.s32 $0xFFFFF000  }
0xc0: {  	_ =	swait.ge [sflag:s30], $0x1000  }
0xc1: {  	[sflag:s30] =	ssyncset.done $0x0  }
0xc2: {  	[sflag:s30] =	ssyncadd.s32 $0xFFFFF000  }
0xc3: {  	_ =	swait.ge [sflag:s30], $0x1000  }
0xc4: {  	[sflag:s30] =	ssyncset.done $0x0  }
0xc5: {  	[sflag:s30] =	ssyncadd.s32 $0xFFFFF000  }
0xc6: {  	_ =	swait.ge [sflag:s30], $0x1000  }
0xc7: {  	[sflag:s30] =	ssyncset.done $0x0  }
0xc8: {  	[sflag:s30] =	ssyncadd.s32 $0xFFFFF000  }
0xc9: {  	_ =	swait.ge [sflag:s30], $0x1000  }
0xca: {  	[sflag:s30] =	ssyncset.done $0x0  }
0xcb: {  	[sflag:s30] =	ssyncadd.s32 $0xFFFFF000  }
0xcc: {  	_ =	swait.ge [sflag:s30], $0x1000  }
0xcd: {  	[sflag:s30] =	ssyncset.done $0x0  }
0xce: {  	[sflag:s30] =	ssyncadd.s32 $0xFFFFF000  }
0xcf: {  	_ =	swait.ge [sflag:s30], $0x1000  }
0xd0: {  	[sflag:s30] =	ssyncset.done $0x0  }
0xd1: {  	[sflag:s30] =	ssyncadd.s32 $0xFFFFF000  }
0xd2: {  	_ =	swait.ge [sflag:s30], $0x1000  }
0xd3: {  	[sflag:s30] =	ssyncset.done $0x0  }
0xd4: {  	[sflag:s30] =	ssyncadd.s32 $0xFFFFF000  }
0xd5: {  	_ =	swait.ge [sflag:s30], $0x1000  }
0xd6: {  	[sflag:s30] =	ssyncset.done $0x0  }
0xd7: {  	[sflag:s30] =	ssyncadd.s32 $0xFFFFF000  }
0xd8: {  	_ =	swait.ge [sflag:s30], $0x1000  }
0xd9: {  	[sflag:s30] =	ssyncset.done $0x0  }
0xda: {  	[sflag:s30] =	ssyncadd.s32 $0xFFFFF000  }
0xdb: {  	_ =	swait.ge [sflag:s30], $0x1000  }
0xdc: {  	[sflag:s30] =	ssyncset.done $0x0  }
0xdd: {  	[sflag:s30] =	ssyncadd.s32 $0xFFFFF000  }
0xde: {  	_ =	swait.ge [sflag:s30], $0x1000  }
0xdf: {  	[sflag:s30] =	ssyncset.done $0x0  }
0xe0: {  	[sflag:s30] =	ssyncadd.s32 $0xFFFFF000  }
0xe1: {  	_ =	swait.ge [sflag:s30], $0x1000  }
0xe2: {  	[sflag:s30] =	ssyncset.done $0x0  }
0xe3: {  	[sflag:s30] =	ssyncadd.s32 $0xFFFFF000  }
0xe4: {  	_ =	swait.ge [sflag:s30], $0x1000  }
0xe5: {  	[sflag:s30] =	ssyncset.done $0x0  }
0xe6: {  	[sflag:s30] =	ssyncadd.s32 $0xFFFFF000  }
0xe7: {  	_ =	swait.ge [sflag:s30], $0x1000  }
0xe8: {  	[sflag:s30] =	ssyncset.done $0x0  }
0xe9: {  	[sflag:s30] =	ssyncadd.s32 $0xFFFFF000  }
0xea: {  	_ =	swait.ge [sflag:s30], $0x1000  }
0xeb: {  	[sflag:s30] =	ssyncset.done $0x0  }
0xec: {  	[sflag:s30] =	ssyncadd.s32 $0xFFFFF000  }
0xed: {  	_ =	swait.ge [sflag:s30], $0x280  }
0xee: {  	[sflag:s30] =	ssyncset.done $0x0  }
0xef: {  	[sflag:s30] =	ssyncadd.s32 $0xFFFFFD80  }
0xf0: {  	[bflag:$0x0] =	sbarrier.arrive $0xFFFF  }
0xf1: {  	s0 =	rddreg [dreg:$0x1b]  }
0xf2: {  	s12 =	simm.s32 $0x1B980;
	s1 =	rddreg [dreg:$0x1c]  }
0xf3: {  	[tilespmem:s12], [sflag:$0x1] =	stream.linear.gather [hbm4b:s0+s4], $0x28, $0x38;
	[tilespmem:$0x1BE80] =	vst v63  }
0xf4: {  	s7 =	rddreg [dreg:$0x1d]  }
0xf5: {  	[tilespmem:s23], [sflag:$0x1] =	stream.linear.gather [hbm4b:s1+s4], $0x28, $0x38;
	[tilespmem:$0x1BE80] =	vst v63  }
0xf6: {  	s13 =	simm.s32 $0x1BA00;
	s11 =	rddreg [dreg:$0x1e]  }
0xf7: {  	[tilespmem:s13], [sflag:$0x2] =	stream.linear.gather [hbm4b:s7+s4], $0x28, $0x38;
	[tilespmem:$0x1BE80] =	vst v63  }
0xf8: {  	s14 =	rddreg [dreg:$0x1f]  }
0xf9: {  	[tilespmem:s28], [sflag:$0x2] =	stream.linear.gather [hbm4b:s11+s4], $0x28, $0x38;
	[tilespmem:$0x1BE80] =	vst v63  }
0xfa: {  	s15 =	simm.s32 $0x1BA80;
	s16 =	sld [smem:$0x7E0]  }
0xfb: {  	[tilespmem:s15], [sflag:$0x3] =	stream.linear.gather [hbm4b:s14+s4], $0x28, $0x38;
	[tilespmem:$0x1BE80] =	vst v63  }
0xfc: {  	s17 =	sld [smem:$0x7E1]  }
0xfd: {  	[tilespmem:s18], [sflag:$0x3] =	stream.linear.gather [hbm4b:s16+s4], $0x28, $0x38;
	[tilespmem:$0x1BE80] =	vst v63  }
0xfe: {  	s21 =	sld [smem:$0x7E2]  }
0xff: {  	[tilespmem:s19], [sflag:$0x4] =	stream.linear.gather [hbm4b:s17+s4], $0x28, $0x38;
	[tilespmem:$0x1BE80] =	vst v63  }
0x100: {  	s22 =	sld [smem:$0x7E3]  }
0x101: {  	[tilespmem:s24], [sflag:$0x4] =	stream.linear.gather [hbm4b:s21+s4], $0x28, $0x38;
	[tilespmem:$0x1BE80] =	vst v63  }
0x102: {  	s26 =	sld [smem:$0x7E5]  }
0x103: {  	[tilespmem:s25], [sflag:$0x5] =	stream.linear.gather [hbm4b:s22+s4], $0x28, $0x38;
	[tilespmem:$0x1BE80] =	vst v63  }
0x104: {  	s29 =	sld [smem:$0x7E6];
	s0 =	simm.s32 $0x1BBA8  }
0x105: {  	[tilespmem:s0], [sflag:$0x5] =	stream.linear.gather [hbm4b:s26+s4], $0x28, $0x38;
	[tilespmem:$0x1BE80] =	vst v63  }
0x106: {  	s30 =	simm.s32 $0x1BC00;
	s0 =	sld [smem:$0x7E7]  }
0x107: {  	[tilespmem:s30], [sflag:$0x6] =	stream.linear.gather [hbm4b:s29+s4], $0x28, $0x38;
	[tilespmem:$0x1BE80] =	vst v63  }
0x108: {  	s1 =	simm.s32 $0x1BC28;
	s7 =	simm.s32 $0x1  }
0x109: {  	[tilespmem:s1], [sflag:$0x6] =	stream.linear.gather [hbm4b:s0+s4], $0x28, $0x38;
	[tilespmem:$0x1BE80] =	vst v63  }
0x10a: {  	_ =	swait.ge [sflag:s7], $0x28  }
0x10b: {  	[sflag:s7] =	ssyncset.done $0x0  }
0x10c: {  	[sflag:s7] =	ssyncadd.s32 $0xFFFFFFD8  }
0x10d: {  	_ =	swait.ge [sflag:s7], $0x28  }
0x10e: {  	[sflag:s7] =	ssyncset.done $0x0  }
0x10f: {  	s8 =	simm.s32 $0x2;
	s11 =	simm.s32 $0x1300;
	[sflag:s7] =	ssyncadd.s32 $0xFFFFFFD8  }
0x110: {  	[tilespmem:s11], [sflag:$0xB] =	stream.indirect.gather [hbm4b:s2+s10], $0x80, s12, s10, $0xb8;
	[tilespmem:$0x1BE80] =	vst v63  }
0x111: {  	_ =	swait.ge [sflag:s8], $0x28  }
0x112: {  	[sflag:s8] =	ssyncset.done $0x0  }
0x113: {  	[sflag:s8] =	ssyncadd.s32 $0xFFFFFFD8  }
0x114: {  	_ =	swait.ge [sflag:s8], $0x28  }
0x115: {  	[sflag:s8] =	ssyncset.done $0x0  }
0x116: {  	s7 =	simm.s32 $0x2700;
	[sflag:s8] =	ssyncadd.s32 $0xFFFFFFD8  }
0x117: {  	[tilespmem:s7], [sflag:$0xC] =	stream.indirect.gather [hbm4b:s2+s10], $0x80, s13, s10, $0xb8;
	[tilespmem:$0x1BE80] =	vst v63  }
0x118: {  	s13 =	simm.s32 $0x3  }
0x119: {  	_ =	swait.ge [sflag:s13], $0x28  }
0x11a: {  	[sflag:s13] =	ssyncset.done $0x0  }
0x11b: {  	[sflag:s13] =	ssyncadd.s32 $0xFFFFFFD8  }
0x11c: {  	_ =	swait.ge [sflag:s13], $0x28  }
0x11d: {  	p0 =	por $0x1, $0x1;
	[sflag:s13] =	ssyncset.done $0x0  }
0x11e: {  	s16 =	simm.s32 $0x3B00;
	s14 =	rddreg [dreg:$0x17];
	[sflag:s13] =	ssyncadd.s32 $0xFFFFFFD8  }
0x11f: {  	[tilespmem:s16], [sflag:$0xD] =	stream.indirect.gather [hbm4b:s2+s10], $0x80, s15, s10, $0xb8;
	[tilespmem:$0x1BE80] =	vst v63  }
0x120: {  	s8 =	simm.s32 $0x1BC80;
	s17 =	rddreg [dreg:$0x18];
	s4 =	sadd.s32 $0x0, s14  }
0x121: {  	[tilespmem:s8], [sflag:$0x7] =	stream.linear.gather [hbm4b:s4+s5], $0x28, $0x38;
	[tilespmem:$0x1BE80] =	vst v63  }
0x122: {  	s22 =	simm.s32 $0x1BCA8;
	s21 =	sadd.s32 $0x0, s17;
	s4 =	simm.s32 @!p0 $0x13  }
0x123: {  	[tilespmem:s22], [sflag:$0x7] =	stream.linear.gather [hbm4b:s21+s5], $0x28, $0x38;
	[tilespmem:$0x1BE80] =	vst v63  }
0x124: {  	_ =	swait.ge @!p0 [sflag:s4], $0x1400  }
0x125: {  	[sflag:s4] =	ssyncset.done @!p0 $0x0  }
0x126: {  	[sflag:s4] =	ssyncadd.s32 @!p0 $0xFFFFEC00  }
0x127: {  	_ =	swait.ge @!p0 [sflag:s4], $0x28  }
0x128: {  	[sflag:s4] =	ssyncset.done @!p0 $0x0  }
0x129: {  	s26 =	simm.s32 $0x4;
	[sflag:s4] =	ssyncadd.s32 @!p0 $0xFFFFFFD8  }
0x12a: {  	_ =	swait.ge [sflag:s26], $0x28  }
0x12b: {  	[sflag:s26] =	ssyncset.done $0x0  }
0x12c: {  	[sflag:s26] =	ssyncadd.s32 $0xFFFFFFD8  }
0x12d: {  	_ =	swait.ge [sflag:s26], $0x28  }
0x12e: {  	[sflag:s26] =	ssyncset.done $0x0  }
0x12f: {  	s29 =	simm.s32 $0x4F00;
	[sflag:s26] =	ssyncadd.s32 $0xFFFFFFD8;
	s26 =	simm.s32 $0xB  }
0x130: {  	[tilespmem:s29], [sflag:$0xE] =	stream.indirect.gather [hbm4b:s2+s10], $0x80, s19, s10, $0xb8;
	[tilespmem:$0x1BE80] =	vst v63  }
0x131: {  	_ =	swait.ge [sflag:s26], $0x1400  }
0x132: {  	[sflag:s26] =	ssyncset.done $0x0  }
0x133: {  	[sflag:s26] =	ssyncadd.s32 $0xFFFFEC00  }
0x134: {  	[spmem:s3] =	stream.indirect.scatter.add.f32 [tilespmem:s11], [sflag:$0x10], $0x80, s23, s10, $0xb8;
	[tilespmem:$0x1BE80] =	vst v63  }
0x135: {  	s30 =	rddreg [dreg:$0x15]  }
0x136: {  	[spmem:s31] =	stream.indirect.scatter.add.f32 [tilespmem:s9], [sflag:$0x10], $0x1, s23, s10, $0xb8;
	[tilespmem:$0x1BE80] =	vst v63  }
0x137: {  	s0 =	rddreg [dreg:$0x16];
	s4 =	sadd.s32 $0x0, s30;
	s30 =	simm.s32 $0x1BD00  }
0x138: {  	[tilespmem:s30], [sflag:$0x8] =	stream.linear.gather [hbm4b:s4+s5], $0x28, $0x38;
	[tilespmem:$0x1BE80] =	vst v63  }
0x139: {  	s13 =	simm.s32 @!p0 $0x14;
	s14 =	simm.s32 $0x1BD28;
	s1 =	sadd.s32 $0x0, s0  }
0x13a: {  	[tilespmem:s14], [sflag:$0x8] =	stream.linear.gather [hbm4b:s1+s5], $0x28, $0x38;
	[tilespmem:$0x1BE80] =	vst v63  }
0x13b: {  	_ =	swait.ge @!p0 [sflag:s13], $0x1400  }
0x13c: {  	[sflag:s13] =	ssyncset.done @!p0 $0x0  }
0x13d: {  	[sflag:s13] =	ssyncadd.s32 @!p0 $0xFFFFEC00  }
0x13e: {  	_ =	swait.ge @!p0 [sflag:s13], $0x28  }
0x13f: {  	[sflag:s13] =	ssyncset.done @!p0 $0x0  }
0x140: {  	s15 =	simm.s32 $0x5;
	[sflag:s13] =	ssyncadd.s32 @!p0 $0xFFFFFFD8  }
0x141: {  	_ =	swait.ge [sflag:s15], $0x28  }
0x142: {  	[sflag:s15] =	ssyncset.done $0x0  }
0x143: {  	[sflag:s15] =	ssyncadd.s32 $0xFFFFFFD8  }
0x144: {  	_ =	swait.ge [sflag:s15], $0x28  }
0x145: {  	[sflag:s15] =	ssyncset.done $0x0  }
0x146: {  	s22 =	simm.s32 $0xC;
	s19 =	simm.s32 $0x6300;
	[sflag:s15] =	ssyncadd.s32 $0xFFFFFFD8  }
0x147: {  	[tilespmem:s19], [sflag:$0xF] =	stream.indirect.gather [hbm4b:s2+s10], $0x80, s25, s10, $0xb8;
	[tilespmem:$0x1BE80] =	vst v63  }
0x148: {  	_ =	swait.ge [sflag:s22], $0x1400  }
0x149: {  	[sflag:s22] =	ssyncset.done $0x0  }
0x14a: {  	[sflag:s22] =	ssyncadd.s32 $0xFFFFEC00  }
0x14b: {  	[spmem:s3] =	stream.indirect.scatter.add.f32 [tilespmem:s7], [sflag:$0x11], $0x80, s28, s10, $0xb8;
	[tilespmem:$0x1BE80] =	vst v63  }
0x14c: {  	s5 =	simm.s32 $0x0;
	s16 =	rddreg [dreg:$0x13]  }
0x14d: {  	[spmem:s31] =	stream.indirect.scatter.add.f32 [tilespmem:s9], [sflag:$0x11], $0x1, s28, s10, $0xb8;
	[tilespmem:$0x1BE80] =	vst v63  }
0x14e: {  	s1 =	simm.s32 $0x1BD80;
	s17 =	rddreg [dreg:$0x14];
	s4 =	sadd.s32 $0x0, s16  }
0x14f: {  	[tilespmem:s1], [sflag:$0x9] =	stream.linear.gather [hbm4b:s4+s5], $0x28, $0x38;
	[tilespmem:$0x1BE80] =	vst v63  }
0x150: {  	s29 =	simm.s32 $0x10;
	s25 =	simm.s32 $0x1BDA8;
	s21 =	sadd.s32 $0x0, s17  }
0x151: {  	[tilespmem:s25], [sflag:$0x9] =	stream.linear.gather [hbm4b:s21+s5], $0x28, $0x38;
	[tilespmem:$0x1BE80] =	vst v63  }
0x152: {  	_ =	swait.ge [sflag:s29], $0x1400  }
0x153: {  	[sflag:s29] =	ssyncset.done $0x0  }
0x154: {  	[sflag:s29] =	ssyncadd.s32 $0xFFFFEC00  }
0x155: {  	_ =	swait.ge [sflag:s29], $0x28  }
0x156: {  	[sflag:s29] =	ssyncset.done $0x0  }
0x157: {  	s0 =	simm.s32 $0x6;
	[sflag:s29] =	ssyncadd.s32 $0xFFFFFFD8  }
0x158: {  	_ =	swait.ge [sflag:s0], $0x28  }
0x159: {  	[sflag:s0] =	ssyncset.done $0x0  }
0x15a: {  	[sflag:s0] =	ssyncadd.s32 $0xFFFFFFD8  }
0x15b: {  	_ =	swait.ge [sflag:s0], $0x28  }
0x15c: {  	[sflag:s0] =	ssyncset.done $0x0  }
0x15d: {  	s12 =	simm.s32 $0x1BC00;
	s16 =	simm.s32 $0xD;
	[sflag:s0] =	ssyncadd.s32 $0xFFFFFFD8  }
0x15e: {  	[tilespmem:s11], [sflag:$0xB] =	stream.indirect.gather [hbm4b:s2+s10], $0x80, s12, s10, $0xb8;
	[tilespmem:$0x1BE80] =	vst v63  }
0x15f: {  	_ =	swait.ge [sflag:s16], $0x1400  }
0x160: {  	[sflag:s16] =	ssyncset.done $0x0  }
0x161: {  	s21 =	simm.s32 $0x3B00;
	[sflag:s16] =	ssyncadd.s32 $0xFFFFEC00  }
0x162: {  	[spmem:s3] =	stream.indirect.scatter.add.f32 [tilespmem:s21], [sflag:$0x12], $0x80, s18, s10, $0xb8;
	[tilespmem:$0x1BE80] =	vst v63  }
0x163: {  	s13 =	rddreg [dreg:$0x11]  }
0x164: {  	[spmem:s31] =	stream.indirect.scatter.add.f32 [tilespmem:s9], [sflag:$0x12], $0x1, s18, s10, $0xb8;
	[tilespmem:$0x1BE80] =	vst v63  }
0x165: {  	s29 =	simm.s32 $0x1BE00;
	s14 =	rddreg [dreg:$0x12];
	s4 =	sadd.s32 $0x0, s13  }
0x166: {  	[tilespmem:s29], [sflag:$0xA] =	stream.linear.gather [hbm4b:s4+s5], $0x28, $0x38;
	[tilespmem:$0x1BE80] =	vst v63  }
0x167: {  	s17 =	simm.s32 $0x11;
	s15 =	sadd.s32 $0x0, s14  }
0x168: {  	[tilespmem:s6], [sflag:$0xA] =	stream.linear.gather [hbm4b:s15+s5], $0x28, $0x38;
	[tilespmem:$0x1BE80] =	vst v63  }
0x169: {  	_ =	swait.ge [sflag:s17], $0x1400  }
0x16a: {  	[sflag:s17] =	ssyncset.done $0x0  }
0x16b: {  	[sflag:s17] =	ssyncadd.s32 $0xFFFFEC00  }
0x16c: {  	_ =	swait.ge [sflag:s17], $0x28  }
0x16d: {  	[sflag:s17] =	ssyncset.done $0x0  }
0x16e: {  	s18 =	simm.s32 $0x7;
	[sflag:s17] =	ssyncadd.s32 $0xFFFFFFD8  }
0x16f: {  	_ =	swait.ge [sflag:s18], $0x28  }
0x170: {  	[sflag:s18] =	ssyncset.done $0x0  }
0x171: {  	[sflag:s18] =	ssyncadd.s32 $0xFFFFFFD8  }
0x172: {  	_ =	swait.ge [sflag:s18], $0x28  }
0x173: {  	[sflag:s18] =	ssyncset.done $0x0  }
0x174: {  	s14 =	simm.s32 $0xE;
	[sflag:s18] =	ssyncadd.s32 $0xFFFFFFD8  }
0x175: {  	[tilespmem:s7], [sflag:$0xC] =	stream.indirect.gather [hbm4b:s2+s10], $0x80, s8, s10, $0xb8;
	[tilespmem:$0x1BE80] =	vst v63  }
0x176: {  	_ =	swait.ge [sflag:s14], $0x1400  }
0x177: {  	[sflag:s14] =	ssyncset.done $0x0;
	s8 =	sld [smem:$0x7EB]  }
0x178: {  	p1 =	por $0x0, $0x0;
	s0 =	simm.s32 $0x4F00;
	[sflag:s14] =	ssyncadd.s32 $0xFFFFEC00  }
0x179: {  	[spmem:s3] =	stream.indirect.scatter.add.f32 [tilespmem:s0], [sflag:$0x13], $0x80, s24, s10, $0xb8;
	[tilespmem:$0x1BE80] =	vst v63  }
0x17a: {  	s15 =	simm.s32 @!p1 $0x1B980;
	s4 =	sshrl.u32 @!p1 s8, $0x3  }
0x17b: {  	[spmem:s31] =	stream.indirect.scatter.add.f32 [tilespmem:s9], [sflag:$0x13], $0x1, s24, s10, $0xb8;
	[tilespmem:$0x1BE80] =	vst v63  }
0x17c: {  	s13 =	rddreg [dreg:$0x6];
	s17 =	sadd.s32 @!p1 s20, s4;
	s4 =	simm.s32 @!p1 $0x0  }
0x17d: {  	[tilespmem:s15], [sflag:$0x1] =	stream.linear.gather @!p1 [hbm4b:s17+s4], $0x28, $0x38;
	[tilespmem:$0x1BE80] =	vst v63  }
0x17e: {  	s13 =	sadd.s32 @!p1 $0x0, s13;
	s24 =	simm.s32 $0x12;
	s17 =	simm.s32 @!p1 $0x1B9A8  }
0x17f: {  	[tilespmem:s17], [sflag:$0x1] =	stream.linear.gather @!p1 [hbm4b:s13+s4], $0x28, $0x38;
	[tilespmem:$0x1BE80] =	vst v63  }
0x180: {  	_ =	swait.ge [sflag:s24], $0x1400  }
0x181: {  	[sflag:s24] =	ssyncset.done $0x0  }
0x182: {  	[sflag:s24] =	ssyncadd.s32 $0xFFFFEC00  }
0x183: {  	_ =	swait.ge [sflag:s24], $0x28  }
0x184: {  	[sflag:s24] =	ssyncset.done $0x0  }
0x185: {  	s13 =	simm.s32 $0x8;
	[sflag:s24] =	ssyncadd.s32 $0xFFFFFFD8  }
0x186: {  	_ =	swait.ge [sflag:s13], $0x28  }
0x187: {  	[sflag:s13] =	ssyncset.done $0x0  }
0x188: {  	[sflag:s13] =	ssyncadd.s32 $0xFFFFFFD8  }
0x189: {  	_ =	swait.ge [sflag:s13], $0x28  }
0x18a: {  	[sflag:s13] =	ssyncset.done $0x0  }
0x18b: {  	s17 =	simm.s32 $0xF;
	[sflag:s13] =	ssyncadd.s32 $0xFFFFFFD8  }
0x18c: {  	[tilespmem:s21], [sflag:$0xD] =	stream.indirect.gather [hbm4b:s2+s10], $0x80, s30, s10, $0xb8;
	[tilespmem:$0x1BE80] =	vst v63  }
0x18d: {  	_ =	swait.ge [sflag:s17], $0x1400  }
0x18e: {  	[sflag:s17] =	ssyncset.done $0x0  }
0x18f: {  	s18 =	simm.s32 $0x1BBA8;
	[sflag:s17] =	ssyncadd.s32 $0xFFFFEC00  }
0x190: {  	[spmem:s3] =	stream.indirect.scatter.add.f32 [tilespmem:s19], [sflag:$0x14], $0x80, s18, s10, $0xb8;
	[tilespmem:$0x1BE80] =	vst v63  }
0x191: {  	s13 =	rddreg [dreg:$0x7]  }
0x192: {  	[spmem:s31] =	stream.indirect.scatter.add.f32 [tilespmem:s9], [sflag:$0x14], $0x1, s18, s10, $0xb8;
	[tilespmem:$0x1BE80] =	vst v63  }
0x193: {  	s17 =	rddreg [dreg:$0x8];
	s18 =	sadd.s32 @!p1 $0x0, s13;
	s13 =	simm.s32 @!p1 $0x1BA00  }
0x194: {  	[tilespmem:s13], [sflag:$0x2] =	stream.linear.gather @!p1 [hbm4b:s18+s4], $0x28, $0x38;
	[tilespmem:$0x1BE80] =	vst v63  }
0x195: {  	s21 =	simm.s32 $0x13;
	s17 =	sadd.s32 @!p1 $0x0, s17;
	s18 =	simm.s32 @!p1 $0x1BA28  }
0x196: {  	[tilespmem:s18], [sflag:$0x2] =	stream.linear.gather @!p1 [hbm4b:s17+s4], $0x28, $0x38;
	[tilespmem:$0x1BE80] =	vst v63  }
0x197: {  	_ =	swait.ge [sflag:s21], $0x1400  }
0x198: {  	[sflag:s21] =	ssyncset.done $0x0  }
0x199: {  	[sflag:s21] =	ssyncadd.s32 $0xFFFFEC00  }
0x19a: {  	_ =	swait.ge [sflag:s21], $0x28  }
0x19b: {  	[sflag:s21] =	ssyncset.done $0x0  }
0x19c: {  	s24 =	simm.s32 $0x9;
	[sflag:s21] =	ssyncadd.s32 $0xFFFFFFD8  }
0x19d: {  	_ =	swait.ge [sflag:s24], $0x28  }
0x19e: {  	[sflag:s24] =	ssyncset.done $0x0  }
0x19f: {  	[sflag:s24] =	ssyncadd.s32 $0xFFFFFFD8  }
0x1a0: {  	_ =	swait.ge [sflag:s24], $0x28  }
0x1a1: {  	[sflag:s24] =	ssyncset.done $0x0  }
0x1a2: {  	[sflag:s24] =	ssyncadd.s32 $0xFFFFFFD8  }
0x1a3: {  	[tilespmem:s0], [sflag:$0xE] =	stream.indirect.gather [hbm4b:s2+s10], $0x80, s1, s10, $0xb8;
	[tilespmem:$0x1BE80] =	vst v63  }
0x1a4: {  	_ =	swait.ge [sflag:s26], $0x1400  }
0x1a5: {  	[sflag:s26] =	ssyncset.done $0x0  }
0x1a6: {  	s1 =	simm.s32 $0x1BC28;
	[sflag:s26] =	ssyncadd.s32 $0xFFFFEC00  }
0x1a7: {  	[spmem:s3] =	stream.indirect.scatter.add.f32 [tilespmem:s11], [sflag:$0x10], $0x80, s1, s10, $0xb8;
	[tilespmem:$0x1BE80] =	vst v63  }
0x1a8: {  	s17 =	rddreg [dreg:$0x9]  }
0x1a9: {  	[spmem:s31] =	stream.indirect.scatter.add.f32 [tilespmem:s9], [sflag:$0x10], $0x1, s1, s10, $0xb8;
	[tilespmem:$0x1BE80] =	vst v63  }
0x1aa: {  	s21 =	simm.s32 @!p1 $0x1BA80;
	s18 =	rddreg [dreg:$0xa];
	s17 =	sadd.s32 @!p1 $0x0, s17  }
0x1ab: {  	[tilespmem:s21], [sflag:$0x3] =	stream.linear.gather @!p1 [hbm4b:s17+s4], $0x28, $0x38;
	[tilespmem:$0x1BE80] =	vst v63  }
0x1ac: {  	s17 =	sadd.s32 @!p1 $0x0, s18;
	s18 =	simm.s32 @!p1 $0x1BAA8  }
0x1ad: {  	[tilespmem:s18], [sflag:$0x3] =	stream.linear.gather @!p1 [hbm4b:s17+s4], $0x28, $0x38;
	[tilespmem:$0x1BE80] =	vst v63  }
0x1ae: {  	s18 =	simm.s32 $0x14  }
0x1af: {  	_ =	swait.ge [sflag:s18], $0x1400  }
0x1b0: {  	[sflag:s18] =	ssyncset.done $0x0  }
0x1b1: {  	[sflag:s18] =	ssyncadd.s32 $0xFFFFEC00  }
0x1b2: {  	_ =	swait.ge [sflag:s18], $0x28  }
0x1b3: {  	[sflag:s18] =	ssyncset.done $0x0  }
0x1b4: {  	s24 =	simm.s32 $0xA;
	[sflag:s18] =	ssyncadd.s32 $0xFFFFFFD8  }
0x1b5: {  	_ =	swait.ge [sflag:s24], $0x28  }
0x1b6: {  	[sflag:s24] =	ssyncset.done $0x0  }
0x1b7: {  	[sflag:s24] =	ssyncadd.s32 $0xFFFFFFD8  }
0x1b8: {  	_ =	swait.ge [sflag:s24], $0x28  }
0x1b9: {  	[sflag:s24] =	ssyncset.done $0x0  }
0x1ba: {  	[sflag:s24] =	ssyncadd.s32 $0xFFFFFFD8  }
0x1bb: {  	[tilespmem:s19], [sflag:$0xF] =	stream.indirect.gather [hbm4b:s2+s10], $0x80, s29, s10, $0xb8;
	[tilespmem:$0x1BE80] =	vst v63  }
0x1bc: {  	_ =	swait.ge [sflag:s22], $0x1400  }
0x1bd: {  	[sflag:s22] =	ssyncset.done $0x0  }
0x1be: {  	s26 =	simm.s32 $0x1BCA8;
	[sflag:s22] =	ssyncadd.s32 $0xFFFFEC00  }
0x1bf: {  	[spmem:s3] =	stream.indirect.scatter.add.f32 [tilespmem:s7], [sflag:$0x11], $0x80, s26, s10, $0xb8;
	[tilespmem:$0x1BE80] =	vst v63  }
0x1c0: {  	s17 =	simm.s32 @p1 $0x10  }
0x1c1: {  	[spmem:s31] =	stream.indirect.scatter.add.f32 [tilespmem:s9], [sflag:$0x11], $0x1, s26, s10, $0xb8;
	[tilespmem:$0x1BE80] =	vst v63  }
0x1c2: {  	_ =	swait.ge @p1 [sflag:s17], $0x1400  }
0x1c3: {  	[sflag:s17] =	ssyncset.done @p1 $0x0  }
0x1c4: {  	[sflag:s17] =	ssyncadd.s32 @p1 $0xFFFFEC00  }
0x1c5: {  	_ =	swait.ge @p1 [sflag:s17], $0x28  }
0x1c6: {  	s18 =	rddreg [dreg:$0xb]  }
0x1c7: {  	[sflag:s17] =	ssyncset.done @p1 $0x0;
	s19 =	rddreg [dreg:$0xc]  }
0x1c8: {  	[sflag:s17] =	ssyncadd.s32 @p1 $0xFFFFFFD8;
	s17 =	sadd.s32 @!p1 $0x0, s18;
	s18 =	simm.s32 @!p1 $0x1BB00  }
0x1c9: {  	[tilespmem:s18], [sflag:$0x4] =	stream.linear.gather @!p1 [hbm4b:s17+s4], $0x28, $0x38;
	[tilespmem:$0x1BE80] =	vst v63  }
0x1ca: {  	s17 =	sadd.s32 @!p1 $0x0, s19;
	s18 =	simm.s32 @!p1 $0x1BB28;
	s19 =	simm.s32 @!p1 $0x10  }
0x1cb: {  	[tilespmem:s18], [sflag:$0x4] =	stream.linear.gather @!p1 [hbm4b:s17+s4], $0x28, $0x38;
	[tilespmem:$0x1BE80] =	vst v63  }
0x1cc: {  	_ =	swait.ge @!p1 [sflag:s19], $0x1400  }
0x1cd: {  	[sflag:s19] =	ssyncset.done @!p1 $0x0  }
0x1ce: {  	[sflag:s19] =	ssyncadd.s32 @!p1 $0xFFFFEC00  }
0x1cf: {  	_ =	swait.ge @!p1 [sflag:s19], $0x28  }
0x1d0: {  	[sflag:s19] =	ssyncset.done @!p1 $0x0  }
0x1d1: {  	s17 =	simm.s32 @!p1 $0x1;
	[sflag:s19] =	ssyncadd.s32 @!p1 $0xFFFFFFD8  }
0x1d2: {  	_ =	swait.ge @!p1 [sflag:s17], $0x28  }
0x1d3: {  	[sflag:s17] =	ssyncset.done @!p1 $0x0  }
0x1d4: {  	[sflag:s17] =	ssyncadd.s32 @!p1 $0xFFFFFFD8  }
0x1d5: {  	_ =	swait.ge @!p1 [sflag:s17], $0x28  }
0x1d6: {  	[sflag:s17] =	ssyncset.done @!p1 $0x0  }
0x1d7: {  	s18 =	simm.s32 @!p1 $0x1300;
	s19 =	simm.s32 @!p1 $0x28;
	[sflag:s17] =	ssyncadd.s32 @!p1 $0xFFFFFFD8  }
0x1d8: {  	[tilespmem:s18], [sflag:$0xB] =	stream.indirect.gather @!p1 [hbm4b:s2+s19], $0x80, s15, s19, $0xb8;
	[tilespmem:$0x1BE80] =	vst v63  }
0x1d9: {  	_ =	swait.ge [sflag:s16], $0x1400  }
0x1da: {  	[sflag:s16] =	ssyncset.done $0x0  }
0x1db: {  	s30 =	simm.s32 $0x3B00;
	s29 =	simm.s32 $0x1BD28;
	[sflag:s16] =	ssyncadd.s32 $0xFFFFEC00  }
0x1dc: {  	[spmem:s3] =	stream.indirect.scatter.add.f32 [tilespmem:s30], [sflag:$0x12], $0x80, s29, s10, $0xb8;
	[tilespmem:$0x1BE80] =	vst v63  }
0x1dd: {  	s15 =	simm.s32 @p1 $0x11  }
0x1de: {  	[spmem:s31] =	stream.indirect.scatter.add.f32 [tilespmem:s9], [sflag:$0x12], $0x1, s29, s10, $0xb8;
	[tilespmem:$0x1BE80] =	vst v63  }
0x1df: {  	_ =	swait.ge @p1 [sflag:s15], $0x1400  }
0x1e0: {  	[sflag:s15] =	ssyncset.done @p1 $0x0  }
0x1e1: {  	[sflag:s15] =	ssyncadd.s32 @p1 $0xFFFFEC00  }
0x1e2: {  	_ =	swait.ge @p1 [sflag:s15], $0x28  }
0x1e3: {  	s17 =	rddreg [dreg:$0xd]  }
0x1e4: {  	[sflag:s15] =	ssyncset.done @p1 $0x0;
	s18 =	rddreg [dreg:$0xe]  }
0x1e5: {  	[sflag:s15] =	ssyncadd.s32 @p1 $0xFFFFFFD8;
	s15 =	sadd.s32 @!p1 $0x0, s17;
	s17 =	simm.s32 @!p1 $0x1BB80  }
0x1e6: {  	[tilespmem:s17], [sflag:$0x5] =	stream.linear.gather @!p1 [hbm4b:s15+s4], $0x28, $0x38;
	[tilespmem:$0x1BE80] =	vst v63  }
0x1e7: {  	s15 =	simm.s32 @!p1 $0x11;
	s17 =	sadd.s32 @!p1 $0x0, s18;
	s18 =	simm.s32 @!p1 $0x1BBA8  }
0x1e8: {  	[tilespmem:s18], [sflag:$0x5] =	stream.linear.gather @!p1 [hbm4b:s17+s4], $0x28, $0x38;
	[tilespmem:$0x1BE80] =	vst v63  }
0x1e9: {  	_ =	swait.ge @!p1 [sflag:s15], $0x1400  }
0x1ea: {  	[sflag:s15] =	ssyncset.done @!p1 $0x0  }
0x1eb: {  	[sflag:s15] =	ssyncadd.s32 @!p1 $0xFFFFEC00  }
0x1ec: {  	_ =	swait.ge @!p1 [sflag:s15], $0x28  }
0x1ed: {  	[sflag:s15] =	ssyncset.done @!p1 $0x0  }
0x1ee: {  	[sflag:s15] =	ssyncadd.s32 @!p1 $0xFFFFFFD8;
	s15 =	simm.s32 @!p1 $0x2  }
0x1ef: {  	_ =	swait.ge @!p1 [sflag:s15], $0x28  }
0x1f0: {  	[sflag:s15] =	ssyncset.done @!p1 $0x0  }
0x1f1: {  	[sflag:s15] =	ssyncadd.s32 @!p1 $0xFFFFFFD8  }
0x1f2: {  	_ =	swait.ge @!p1 [sflag:s15], $0x28  }
0x1f3: {  	[sflag:s15] =	ssyncset.done @!p1 $0x0  }
0x1f4: {  	s17 =	simm.s32 @!p1 $0x2700;
	[sflag:s15] =	ssyncadd.s32 @!p1 $0xFFFFFFD8  }
0x1f5: {  	[tilespmem:s17], [sflag:$0xC] =	stream.indirect.gather @!p1 [hbm4b:s2+s19], $0x80, s13, s19, $0xb8;
	[tilespmem:$0x1BE80] =	vst v63  }
0x1f6: {  	_ =	swait.ge [sflag:s14], $0x1400  }
0x1f7: {  	[sflag:s14] =	ssyncset.done $0x0  }
0x1f8: {  	s6 =	simm.s32 $0x4F00;
	[sflag:s14] =	ssyncadd.s32 $0xFFFFEC00  }
0x1f9: {  	[spmem:s3] =	stream.indirect.scatter.add.f32 [tilespmem:s6], [sflag:$0x13], $0x80, s25, s10, $0xb8;
	[tilespmem:$0x1BE80] =	vst v63  }
0x1fa: {  	s13 =	simm.s32 @p1 $0x12  }
0x1fb: {  	[spmem:s31] =	stream.indirect.scatter.add.f32 [tilespmem:s9], [sflag:$0x13], $0x1, s25, s10, $0xb8;
	[tilespmem:$0x1BE80] =	vst v63  }
0x1fc: {  	_ =	swait.ge @p1 [sflag:s13], $0x1400  }
0x1fd: {  	[sflag:s13] =	ssyncset.done @p1 $0x0  }
0x1fe: {  	[sflag:s13] =	ssyncadd.s32 @p1 $0xFFFFEC00  }
0x1ff: {  	_ =	swait.ge @p1 [sflag:s13], $0x28  }
0x200: {  	s15 =	rddreg [dreg:$0xf]  }
0x201: {  	[sflag:s13] =	ssyncset.done @p1 $0x0;
	s17 =	rddreg [dreg:$0x10]  }
0x202: {  	[sflag:s13] =	ssyncadd.s32 @p1 $0xFFFFFFD8;
	s13 =	sadd.s32 @!p1 $0x0, s15;
	s15 =	simm.s32 @!p1 $0x1BC00  }
0x203: {  	[tilespmem:s15], [sflag:$0x6] =	stream.linear.gather @!p1 [hbm4b:s13+s4], $0x28, $0x38;
	[tilespmem:$0x1BE80] =	vst v63  }
0x204: {  	s13 =	simm.s32 @!p1 $0x12;
	s15 =	sadd.s32 @!p1 $0x0, s17;
	s17 =	simm.s32 @!p1 $0x1BC28  }
0x205: {  	[tilespmem:s17], [sflag:$0x6] =	stream.linear.gather @!p1 [hbm4b:s15+s4], $0x28, $0x38;
	[tilespmem:$0x1BE80] =	vst v63  }
0x206: {  	_ =	swait.ge @!p1 [sflag:s13], $0x1400  }
0x207: {  	[sflag:s13] =	ssyncset.done @!p1 $0x0  }
0x208: {  	[sflag:s13] =	ssyncadd.s32 @!p1 $0xFFFFEC00  }
0x209: {  	_ =	swait.ge @!p1 [sflag:s13], $0x28  }
0x20a: {  	[sflag:s13] =	ssyncset.done @!p1 $0x0  }
0x20b: {  	s1 =	smov.u32 s2;
	s18 =	simm.s32 @!p1 $0x3;
	[sflag:s13] =	ssyncadd.s32 @!p1 $0xFFFFFFD8  }
0x20c: {  	s17 =	simm.s32 $0x64;
	s4 =	simm.s32 @!p1 $0x3B00;
	_ =	swait.ge @!p1 [sflag:s18], $0x28  }
0x20d: {  	s15 =	smov.u32 s8;
	s13 =	simm.s32 $0x32;
	[sflag:s18] =	ssyncset.done @!p1 $0x0  }
.LBB2_4:
0x20e: {  	[sflag:s18] =	ssyncadd.s32 @!p1 $0xFFFFFFD8  }
0x20f: {  	_ =	swait.ge @!p1 [sflag:s18], $0x28  }
0x210: {  	[sflag:s18] =	ssyncset.done @!p1 $0x0  }
0x211: {  	[sflag:s18] =	ssyncadd.s32 @!p1 $0xFFFFFFD8  }
0x212: {  	[tilespmem:s4], [sflag:$0xD] =	stream.indirect.gather @!p1 [hbm4b:s1+s19], $0x80, s21, s19, $0xb8;
	[tilespmem:$0x1BE80] =	vst v63  }
0x213: {  	s21 =	simm.s32 $0xF  }
0x214: {  	_ =	swait.ge [sflag:s21], $0x1400  }
0x215: {  	[sflag:s21] =	ssyncset.done $0x0  }
0x216: {  	s8 =	simm.s32 $0x6300;
	s19 =	simm.s32 $0x1BE28;
	[sflag:s21] =	ssyncadd.s32 $0xFFFFEC00  }
0x217: {  	[spmem:s3] =	stream.indirect.scatter.add.f32 [tilespmem:s8], [sflag:$0x14], $0x80, s19, s10, $0xb8;
	[tilespmem:$0x1BE80] =	vst v63  }
0x218: {  	s14 =	simm.s32 $0x1BC80;
	s24 =	rddreg [dreg:$0x17]  }
0x219: {  	[spmem:s31] =	stream.indirect.scatter.add.f32 [tilespmem:s9], [sflag:$0x14], $0x1, s19, s10, $0xb8;
	[tilespmem:$0x1BE80] =	vst v63  }
0x21a: {  	p1 =	seq.s32 s13, $0x0;
	s26 =	rddreg [dreg:$0x18];
	s4 =	sadd.s32 s13, s24  }
0x21b: {  	[tilespmem:s14], [sflag:$0x7] =	stream.linear.gather [hbm4b:s4+s5], $0x28, $0x38;
	[tilespmem:$0x1BE80] =	vst v63  }
0x21c: {  	s7 =	simm.s32 $0x1BCA8;
	s29 =	sadd.s32 s13, s26;
	s4 =	simm.s32 @!p1 $0x13  }
0x21d: {  	[tilespmem:s7], [sflag:$0x7] =	stream.linear.gather [hbm4b:s29+s5], $0x28, $0x38;
	[tilespmem:$0x1BE80] =	vst v63  }
0x21e: {  	_ =	swait.ge @!p1 [sflag:s4], $0x1400  }
0x21f: {  	[sflag:s4] =	ssyncset.done @!p1 $0x0  }
0x220: {  	[sflag:s4] =	ssyncadd.s32 @!p1 $0xFFFFEC00  }
0x221: {  	_ =	swait.ge @!p1 [sflag:s4], $0x28  }
0x222: {  	[sflag:s4] =	ssyncset.done @!p1 $0x0  }
0x223: {  	s0 =	simm.s32 $0x4;
	[sflag:s4] =	ssyncadd.s32 @!p1 $0xFFFFFFD8  }
0x224: {  	_ =	swait.ge [sflag:s0], $0x28  }
0x225: {  	[sflag:s0] =	ssyncset.done $0x0  }
0x226: {  	[sflag:s0] =	ssyncadd.s32 $0xFFFFFFD8  }
0x227: {  	_ =	swait.ge [sflag:s0], $0x28  }
0x228: {  	s30 =	simm.s32 $0x1BB00;
	[sflag:s0] =	ssyncset.done $0x0  }
0x229: {  	s24 =	simm.s32 $0x4F00;
	s26 =	simm.s32 $0xB;
	[sflag:s0] =	ssyncadd.s32 $0xFFFFFFD8  }
0x22a: {  	[tilespmem:s24], [sflag:$0xE] =	stream.indirect.gather [hbm4b:s1+s10], $0x80, s30, s10, $0xb8;
	[tilespmem:$0x1BE80] =	vst v63  }
0x22b: {  	_ =	swait.ge [sflag:s26], $0x1400  }
0x22c: {  	[sflag:s26] =	ssyncset.done $0x0  }
0x22d: {  	s11 =	simm.s32 $0x1300;
	[sflag:s26] =	ssyncadd.s32 $0xFFFFEC00  }
0x22e: {  	[spmem:s3] =	stream.indirect.scatter.add.f32 [tilespmem:s11], [sflag:$0x10], $0x80, s23, s10, $0xb8;
	[tilespmem:$0x1BE80] =	vst v63  }
0x22f: {  	s0 =	rddreg [dreg:$0x15]  }
0x230: {  	[spmem:s31] =	stream.indirect.scatter.add.f32 [tilespmem:s9], [sflag:$0x10], $0x1, s23, s10, $0xb8;
	[tilespmem:$0x1BE80] =	vst v63  }
0x231: {  	s30 =	simm.s32 $0x1BD00;
	s6 =	rddreg [dreg:$0x16];
	s4 =	sadd.s32 s13, s0  }
0x232: {  	[tilespmem:s30], [sflag:$0x8] =	stream.linear.gather [hbm4b:s4+s5], $0x28, $0x38;
	[tilespmem:$0x1BE80] =	vst v63  }
0x233: {  	s18 =	simm.s32 @!p1 $0x14;
	s16 =	sadd.s32 s13, s6;
	s6 =	simm.s32 $0x1BD28  }
0x234: {  	[tilespmem:s6], [sflag:$0x8] =	stream.linear.gather [hbm4b:s16+s5], $0x28, $0x38;
	[tilespmem:$0x1BE80] =	vst v63  }
0x235: {  	_ =	swait.ge @!p1 [sflag:s18], $0x1400  }
0x236: {  	[sflag:s18] =	ssyncset.done @!p1 $0x0  }
0x237: {  	[sflag:s18] =	ssyncadd.s32 @!p1 $0xFFFFEC00  }
0x238: {  	_ =	swait.ge @!p1 [sflag:s18], $0x28  }
0x239: {  	[sflag:s18] =	ssyncset.done @!p1 $0x0  }
0x23a: {  	s22 =	simm.s32 $0x5;
	[sflag:s18] =	ssyncadd.s32 @!p1 $0xFFFFFFD8  }
0x23b: {  	_ =	swait.ge [sflag:s22], $0x28  }
0x23c: {  	[sflag:s22] =	ssyncset.done $0x0  }
0x23d: {  	[sflag:s22] =	ssyncadd.s32 $0xFFFFFFD8  }
0x23e: {  	_ =	swait.ge [sflag:s22], $0x28  }
0x23f: {  	[sflag:s22] =	ssyncset.done $0x0  }
0x240: {  	s23 =	simm.s32 $0x1BB80;
	[sflag:s22] =	ssyncadd.s32 $0xFFFFFFD8;
	s22 =	simm.s32 $0xC  }
0x241: {  	[tilespmem:s8], [sflag:$0xF] =	stream.indirect.gather [hbm4b:s1+s10], $0x80, s23, s10, $0xb8;
	[tilespmem:$0x1BE80] =	vst v63  }
0x242: {  	_ =	swait.ge [sflag:s22], $0x1400  }
0x243: {  	[sflag:s22] =	ssyncset.done $0x0  }
0x244: {  	s1 =	simm.s32 $0x2700;
	[sflag:s22] =	ssyncadd.s32 $0xFFFFEC00  }
0x245: {  	[spmem:s3] =	stream.indirect.scatter.add.f32 [tilespmem:s1], [sflag:$0x11], $0x80, s28, s10, $0xb8;
	[tilespmem:$0x1BE80] =	vst v63  }
0x246: {  	s29 =	rddreg [dreg:$0x13]  }
0x247: {  	[spmem:s31] =	stream.indirect.scatter.add.f32 [tilespmem:s9], [sflag:$0x11], $0x1, s28, s10, $0xb8;
	[tilespmem:$0x1BE80] =	vst v63  }
0x248: {  	s0 =	rddreg [dreg:$0x14];
	s4 =	sadd.s32 s13, s29;
	s28 =	simm.s32 $0x1BD80  }
0x249: {  	[tilespmem:s28], [sflag:$0x9] =	stream.linear.gather [hbm4b:s4+s5], $0x28, $0x38;
	[tilespmem:$0x1BE80] =	vst v63  }
0x24a: {  	s18 =	simm.s32 $0x10;
	s16 =	sadd.s32 s13, s0;
	s0 =	simm.s32 $0x1BDA8  }
0x24b: {  	[tilespmem:s0], [sflag:$0x9] =	stream.linear.gather [hbm4b:s16+s5], $0x28, $0x38;
	[tilespmem:$0x1BE80] =	vst v63  }
0x24c: {  	_ =	swait.ge [sflag:s18], $0x1400  }
0x24d: {  	[sflag:s18] =	ssyncset.done $0x0  }
0x24e: {  	[sflag:s18] =	ssyncadd.s32 $0xFFFFEC00  }
0x24f: {  	_ =	swait.ge [sflag:s18], $0x28  }
0x250: {  	[sflag:s18] =	ssyncset.done $0x0  }
0x251: {  	s23 =	simm.s32 $0x6;
	[sflag:s18] =	ssyncadd.s32 $0xFFFFFFD8  }
0x252: {  	_ =	swait.ge [sflag:s23], $0x28  }
0x253: {  	[sflag:s23] =	ssyncset.done $0x0  }
0x254: {  	[sflag:s23] =	ssyncadd.s32 $0xFFFFFFD8  }
0x255: {  	_ =	swait.ge [sflag:s23], $0x28  }
0x256: {  	[sflag:s23] =	ssyncset.done $0x0  }
0x257: {  	s16 =	simm.s32 $0xD;
	[sflag:s23] =	ssyncadd.s32 $0xFFFFFFD8  }
0x258: {  	[tilespmem:s11], [sflag:$0xB] =	stream.indirect.gather [hbm4b:s2+s10], $0x80, s12, s10, $0xb8;
	[tilespmem:$0x1BE80] =	vst v63  }
0x259: {  	_ =	swait.ge [sflag:s16], $0x1400  }
0x25a: {  	[sflag:s16] =	ssyncset.done $0x0  }
0x25b: {  	s29 =	simm.s32 $0x1BAA8;
	s12 =	simm.s32 $0x3B00;
	[sflag:s16] =	ssyncadd.s32 $0xFFFFEC00  }
0x25c: {  	[spmem:s3] =	stream.indirect.scatter.add.f32 [tilespmem:s12], [sflag:$0x12], $0x80, s29, s10, $0xb8;
	[tilespmem:$0x1BE80] =	vst v63  }
0x25d: {  	s4 =	rddreg [dreg:$0x11]  }
0x25e: {  	[spmem:s31] =	stream.indirect.scatter.add.f32 [tilespmem:s9], [sflag:$0x12], $0x1, s29, s10, $0xb8;
	[tilespmem:$0x1BE80] =	vst v63  }
0x25f: {  	s18 =	rddreg [dreg:$0x12];
	s4 =	sadd.s32 s13, s4;
	s29 =	simm.s32 $0x1BE00  }
0x260: {  	[tilespmem:s29], [sflag:$0xA] =	stream.linear.gather [hbm4b:s4+s5], $0x28, $0x38;
	[tilespmem:$0x1BE80] =	vst v63  }
0x261: {  	s23 =	simm.s32 $0x11;
	s18 =	sadd.s32 s13, s18  }
0x262: {  	[tilespmem:s19], [sflag:$0xA] =	stream.linear.gather [hbm4b:s18+s5], $0x28, $0x38;
	[tilespmem:$0x1BE80] =	vst v63  }
0x263: {  	_ =	swait.ge [sflag:s23], $0x1400  }
0x264: {  	[sflag:s23] =	ssyncset.done $0x0  }
0x265: {  	[sflag:s23] =	ssyncadd.s32 $0xFFFFEC00  }
0x266: {  	_ =	swait.ge [sflag:s23], $0x28  }
0x267: {  	[sflag:s23] =	ssyncset.done $0x0  }
0x268: {  	s18 =	simm.s32 $0x7;
	[sflag:s23] =	ssyncadd.s32 $0xFFFFFFD8  }
0x269: {  	_ =	swait.ge [sflag:s18], $0x28  }
0x26a: {  	[sflag:s18] =	ssyncset.done $0x0  }
0x26b: {  	[sflag:s18] =	ssyncadd.s32 $0xFFFFFFD8  }
0x26c: {  	_ =	swait.ge [sflag:s18], $0x28  }
0x26d: {  	[sflag:s18] =	ssyncset.done $0x0  }
0x26e: {  	[sflag:s18] =	ssyncadd.s32 $0xFFFFFFD8  }
0x26f: {  	[tilespmem:s1], [sflag:$0xC] =	stream.indirect.gather [hbm4b:s2+s10], $0x80, s14, s10, $0xb8;
	[tilespmem:$0x1BE80] =	vst v63  }
0x270: {  	s14 =	simm.s32 $0xE  }
0x271: {  	_ =	swait.ge [sflag:s14], $0x1400  }
0x272: {  	s15 =	sadd.s32 $0x190, s15;
	p1 =	seq.s32 s13, $0x4B0;
	[sflag:s14] =	ssyncset.done $0x0  }
0x273: {  	s4 =	sshrl.u32 @!p1 s15, $0x3;
	s23 =	simm.s32 $0x1BB28;
	[sflag:s14] =	ssyncadd.s32 $0xFFFFEC00  }
0x274: {  	[spmem:s3] =	stream.indirect.scatter.add.f32 [tilespmem:s24], [sflag:$0x13], $0x80, s23, s10, $0xb8;
	[tilespmem:$0x1BE80] =	vst v63  }
0x275: {  	s4 =	sadd.s32 @!p1 s20, s4  }
0x276: {  	[spmem:s31] =	stream.indirect.scatter.add.f32 [tilespmem:s9], [sflag:$0x13], $0x1, s23, s10, $0xb8;
	[tilespmem:$0x1BE80] =	vst v63  }
0x277: {  	s18 =	simm.s32 @!p1 $0x1B980;
	s19 =	rddreg [dreg:$0x6];
	s23 =	simm.s32 @!p1 $0x0  }
0x278: {  	[tilespmem:s18], [sflag:$0x1] =	stream.linear.gather @!p1 [hbm4b:s4+s23], $0x28, $0x38;
	[tilespmem:$0x1BE80] =	vst v63  }
0x279: {  	s4 =	sadd.s32 @!p1 s13, s19;
	s19 =	simm.s32 @!p1 $0x1B9A8  }
0x27a: {  	[tilespmem:s19], [sflag:$0x1] =	stream.linear.gather @!p1 [hbm4b:s4+s23], $0x28, $0x38;
	[tilespmem:$0x1BE80] =	vst v63  }
0x27b: {  	s19 =	simm.s32 $0x12  }
0x27c: {  	_ =	swait.ge [sflag:s19], $0x1400  }
0x27d: {  	[sflag:s19] =	ssyncset.done $0x0  }
0x27e: {  	[sflag:s19] =	ssyncadd.s32 $0xFFFFEC00  }
0x27f: {  	_ =	swait.ge [sflag:s19], $0x28  }
0x280: {  	[sflag:s19] =	ssyncset.done $0x0  }
0x281: {  	[sflag:s19] =	ssyncadd.s32 $0xFFFFFFD8;
	s19 =	simm.s32 $0x8  }
0x282: {  	_ =	swait.ge [sflag:s19], $0x28  }
0x283: {  	[sflag:s19] =	ssyncset.done $0x0  }
0x284: {  	[sflag:s19] =	ssyncadd.s32 $0xFFFFFFD8  }
0x285: {  	_ =	swait.ge [sflag:s19], $0x28  }
0x286: {  	[sflag:s19] =	ssyncset.done $0x0  }
0x287: {  	[sflag:s19] =	ssyncadd.s32 $0xFFFFFFD8  }
0x288: {  	[tilespmem:s12], [sflag:$0xD] =	stream.indirect.gather [hbm4b:s2+s10], $0x80, s30, s10, $0xb8;
	[tilespmem:$0x1BE80] =	vst v63  }
0x289: {  	_ =	swait.ge [sflag:s21], $0x1400  }
0x28a: {  	[sflag:s21] =	ssyncset.done $0x0  }
0x28b: {  	s30 =	simm.s32 $0x1BBA8;
	[sflag:s21] =	ssyncadd.s32 $0xFFFFEC00  }
0x28c: {  	[spmem:s3] =	stream.indirect.scatter.add.f32 [tilespmem:s8], [sflag:$0x14], $0x80, s30, s10, $0xb8;
	[tilespmem:$0x1BE80] =	vst v63  }
0x28d: {  	s4 =	rddreg [dreg:$0x7]  }
0x28e: {  	[spmem:s31] =	stream.indirect.scatter.add.f32 [tilespmem:s9], [sflag:$0x14], $0x1, s30, s10, $0xb8;
	[tilespmem:$0x1BE80] =	vst v63  }
0x28f: {  	s19 =	rddreg [dreg:$0x8];
	s21 =	sadd.s32 @!p1 s13, s4;
	s4 =	simm.s32 @!p1 $0x1BA00  }
0x290: {  	[tilespmem:s4], [sflag:$0x2] =	stream.linear.gather @!p1 [hbm4b:s21+s23], $0x28, $0x38;
	[tilespmem:$0x1BE80] =	vst v63  }
0x291: {  	s19 =	sadd.s32 @!p1 s13, s19;
	s30 =	simm.s32 $0x13;
	s21 =	simm.s32 @!p1 $0x1BA28  }
0x292: {  	[tilespmem:s21], [sflag:$0x2] =	stream.linear.gather @!p1 [hbm4b:s19+s23], $0x28, $0x38;
	[tilespmem:$0x1BE80] =	vst v63  }
0x293: {  	_ =	swait.ge [sflag:s30], $0x1400  }
0x294: {  	[sflag:s30] =	ssyncset.done $0x0  }
0x295: {  	[sflag:s30] =	ssyncadd.s32 $0xFFFFEC00  }
0x296: {  	_ =	swait.ge [sflag:s30], $0x28  }
0x297: {  	[sflag:s30] =	ssyncset.done $0x0  }
0x298: {  	s21 =	simm.s32 $0x9;
	[sflag:s30] =	ssyncadd.s32 $0xFFFFFFD8  }
0x299: {  	_ =	swait.ge [sflag:s21], $0x28  }
0x29a: {  	[sflag:s21] =	ssyncset.done $0x0  }
0x29b: {  	[sflag:s21] =	ssyncadd.s32 $0xFFFFFFD8  }
0x29c: {  	_ =	swait.ge [sflag:s21], $0x28  }
0x29d: {  	[sflag:s21] =	ssyncset.done $0x0  }
0x29e: {  	[sflag:s21] =	ssyncadd.s32 $0xFFFFFFD8  }
0x29f: {  	[tilespmem:s24], [sflag:$0xE] =	stream.indirect.gather [hbm4b:s2+s10], $0x80, s28, s10, $0xb8;
	[tilespmem:$0x1BE80] =	vst v63  }
0x2a0: {  	_ =	swait.ge [sflag:s26], $0x1400  }
0x2a1: {  	[sflag:s26] =	ssyncset.done $0x0  }
0x2a2: {  	s30 =	simm.s32 $0x1BC28;
	[sflag:s26] =	ssyncadd.s32 $0xFFFFEC00  }
0x2a3: {  	[spmem:s3] =	stream.indirect.scatter.add.f32 [tilespmem:s11], [sflag:$0x10], $0x80, s30, s10, $0xb8;
	[tilespmem:$0x1BE80] =	vst v63  }
0x2a4: {  	s21 =	simm.s32 @!p1 $0x1BA80;
	s19 =	rddreg [dreg:$0x9]  }
0x2a5: {  	[spmem:s31] =	stream.indirect.scatter.add.f32 [tilespmem:s9], [sflag:$0x10], $0x1, s30, s10, $0xb8;
	[tilespmem:$0x1BE80] =	vst v63  }
0x2a6: {  	s28 =	smov.u32 s20;
	s20 =	rddreg [dreg:$0xa];
	s19 =	sadd.s32 @!p1 s13, s19  }
0x2a7: {  	[tilespmem:s21], [sflag:$0x3] =	stream.linear.gather @!p1 [hbm4b:s19+s23], $0x28, $0x38;
	[tilespmem:$0x1BE80] =	vst v63  }
0x2a8: {  	s26 =	simm.s32 $0x14;
	s19 =	sadd.s32 @!p1 s13, s20;
	s20 =	simm.s32 @!p1 $0x1BAA8  }
0x2a9: {  	[tilespmem:s20], [sflag:$0x3] =	stream.linear.gather @!p1 [hbm4b:s19+s23], $0x28, $0x38;
	[tilespmem:$0x1BE80] =	vst v63  }
0x2aa: {  	_ =	swait.ge [sflag:s26], $0x1400  }
0x2ab: {  	[sflag:s26] =	ssyncset.done $0x0  }
0x2ac: {  	[sflag:s26] =	ssyncadd.s32 $0xFFFFEC00  }
0x2ad: {  	_ =	swait.ge [sflag:s26], $0x28  }
0x2ae: {  	[sflag:s26] =	ssyncset.done $0x0  }
0x2af: {  	s30 =	simm.s32 $0xA;
	[sflag:s26] =	ssyncadd.s32 $0xFFFFFFD8  }
0x2b0: {  	_ =	swait.ge [sflag:s30], $0x28  }
0x2b1: {  	[sflag:s30] =	ssyncset.done $0x0  }
0x2b2: {  	[sflag:s30] =	ssyncadd.s32 $0xFFFFFFD8  }
0x2b3: {  	_ =	swait.ge [sflag:s30], $0x28  }
0x2b4: {  	[sflag:s30] =	ssyncset.done $0x0  }
0x2b5: {  	[sflag:s30] =	ssyncadd.s32 $0xFFFFFFD8  }
0x2b6: {  	[tilespmem:s8], [sflag:$0xF] =	stream.indirect.gather [hbm4b:s2+s10], $0x80, s29, s10, $0xb8;
	[tilespmem:$0x1BE80] =	vst v63  }
0x2b7: {  	_ =	swait.ge [sflag:s22], $0x1400  }
0x2b8: {  	[sflag:s22] =	ssyncset.done $0x0  }
0x2b9: {  	[sflag:s22] =	ssyncadd.s32 $0xFFFFEC00  }
0x2ba: {  	[spmem:s3] =	stream.indirect.scatter.add.f32 [tilespmem:s1], [sflag:$0x11], $0x80, s7, s10, $0xb8;
	[tilespmem:$0x1BE80] =	vst v63  }
0x2bb: {  	s19 =	simm.s32 @p1 $0x10  }
0x2bc: {  	[spmem:s31] =	stream.indirect.scatter.add.f32 [tilespmem:s9], [sflag:$0x11], $0x1, s7, s10, $0xb8;
	[tilespmem:$0x1BE80] =	vst v63  }
0x2bd: {  	_ =	swait.ge @p1 [sflag:s19], $0x1400  }
0x2be: {  	[sflag:s19] =	ssyncset.done @p1 $0x0  }
0x2bf: {  	[sflag:s19] =	ssyncadd.s32 @p1 $0xFFFFEC00  }
0x2c0: {  	_ =	swait.ge @p1 [sflag:s19], $0x28  }
0x2c1: {  	s8 =	simm.s32 @!p1 $0x1BB00;
	[sflag:s19] =	ssyncset.done @p1 $0x0;
	s20 =	rddreg [dreg:$0xb]  }
0x2c2: {  	[sflag:s19] =	ssyncadd.s32 @p1 $0xFFFFFFD8;
	s19 =	rddreg [dreg:$0xc];
	s20 =	sadd.s32 @!p1 s13, s20  }
0x2c3: {  	[tilespmem:s8], [sflag:$0x4] =	stream.linear.gather @!p1 [hbm4b:s20+s23], $0x28, $0x38;
	[tilespmem:$0x1BE80] =	vst v63  }
0x2c4: {  	s8 =	sadd.s32 @!p1 s13, s19;
	s19 =	simm.s32 @!p1 $0x1BB28;
	s20 =	simm.s32 @!p1 $0x10  }
0x2c5: {  	[tilespmem:s19], [sflag:$0x4] =	stream.linear.gather @!p1 [hbm4b:s8+s23], $0x28, $0x38;
	[tilespmem:$0x1BE80] =	vst v63  }
0x2c6: {  	_ =	swait.ge @!p1 [sflag:s20], $0x1400  }
0x2c7: {  	[sflag:s20] =	ssyncset.done @!p1 $0x0  }
0x2c8: {  	[sflag:s20] =	ssyncadd.s32 @!p1 $0xFFFFEC00  }
0x2c9: {  	_ =	swait.ge @!p1 [sflag:s20], $0x28  }
0x2ca: {  	[sflag:s20] =	ssyncset.done @!p1 $0x0  }
0x2cb: {  	[sflag:s20] =	ssyncadd.s32 @!p1 $0xFFFFFFD8;
	s20 =	simm.s32 @!p1 $0x1  }
0x2cc: {  	_ =	swait.ge @!p1 [sflag:s20], $0x28  }
0x2cd: {  	[sflag:s20] =	ssyncset.done @!p1 $0x0  }
0x2ce: {  	[sflag:s20] =	ssyncadd.s32 @!p1 $0xFFFFFFD8  }
0x2cf: {  	_ =	swait.ge @!p1 [sflag:s20], $0x28  }
0x2d0: {  	[sflag:s20] =	ssyncset.done @!p1 $0x0  }
0x2d1: {  	s19 =	simm.s32 @!p1 $0x28;
	s8 =	simm.s32 @!p1 $0x1300;
	[sflag:s20] =	ssyncadd.s32 @!p1 $0xFFFFFFD8  }
0x2d2: {  	[tilespmem:s8], [sflag:$0xB] =	stream.indirect.gather @!p1 [hbm4b:s2+s19], $0x80, s18, s19, $0xb8;
	[tilespmem:$0x1BE80] =	vst v63  }
0x2d3: {  	_ =	swait.ge [sflag:s16], $0x1400  }
0x2d4: {  	[sflag:s16] =	ssyncset.done $0x0  }
0x2d5: {  	[sflag:s16] =	ssyncadd.s32 $0xFFFFEC00  }
0x2d6: {  	[spmem:s3] =	stream.indirect.scatter.add.f32 [tilespmem:s12], [sflag:$0x12], $0x80, s6, s10, $0xb8;
	[tilespmem:$0x1BE80] =	vst v63  }
0x2d7: {  	s8 =	simm.s32 @p1 $0x11  }
0x2d8: {  	[spmem:s31] =	stream.indirect.scatter.add.f32 [tilespmem:s9], [sflag:$0x12], $0x1, s6, s10, $0xb8;
	[tilespmem:$0x1BE80] =	vst v63  }
0x2d9: {  	_ =	swait.ge @p1 [sflag:s8], $0x1400  }
0x2da: {  	[sflag:s8] =	ssyncset.done @p1 $0x0  }
0x2db: {  	[sflag:s8] =	ssyncadd.s32 @p1 $0xFFFFEC00  }
0x2dc: {  	_ =	swait.ge @p1 [sflag:s8], $0x28  }
0x2dd: {  	s12 =	simm.s32 @!p1 $0x1BB80;
	[sflag:s8] =	ssyncset.done @p1 $0x0;
	s20 =	rddreg [dreg:$0xd]  }
0x2de: {  	[sflag:s8] =	ssyncadd.s32 @p1 $0xFFFFFFD8;
	s8 =	rddreg [dreg:$0xe];
	s20 =	sadd.s32 @!p1 s13, s20  }
0x2df: {  	[tilespmem:s12], [sflag:$0x5] =	stream.linear.gather @!p1 [hbm4b:s20+s23], $0x28, $0x38;
	[tilespmem:$0x1BE80] =	vst v63  }
0x2e0: {  	s18 =	simm.s32 @!p1 $0x11;
	s8 =	sadd.s32 @!p1 s13, s8;
	s12 =	simm.s32 @!p1 $0x1BBA8  }
0x2e1: {  	[tilespmem:s12], [sflag:$0x5] =	stream.linear.gather @!p1 [hbm4b:s8+s23], $0x28, $0x38;
	[tilespmem:$0x1BE80] =	vst v63  }
0x2e2: {  	_ =	swait.ge @!p1 [sflag:s18], $0x1400  }
0x2e3: {  	[sflag:s18] =	ssyncset.done @!p1 $0x0  }
0x2e4: {  	[sflag:s18] =	ssyncadd.s32 @!p1 $0xFFFFEC00  }
0x2e5: {  	_ =	swait.ge @!p1 [sflag:s18], $0x28  }
0x2e6: {  	[sflag:s18] =	ssyncset.done @!p1 $0x0  }
0x2e7: {  	s12 =	simm.s32 @!p1 $0x2;
	[sflag:s18] =	ssyncadd.s32 @!p1 $0xFFFFFFD8  }
0x2e8: {  	_ =	swait.ge @!p1 [sflag:s12], $0x28  }
0x2e9: {  	[sflag:s12] =	ssyncset.done @!p1 $0x0  }
0x2ea: {  	[sflag:s12] =	ssyncadd.s32 @!p1 $0xFFFFFFD8  }
0x2eb: {  	_ =	swait.ge @!p1 [sflag:s12], $0x28  }
0x2ec: {  	[sflag:s12] =	ssyncset.done @!p1 $0x0  }
0x2ed: {  	s8 =	simm.s32 @!p1 $0x2700;
	[sflag:s12] =	ssyncadd.s32 @!p1 $0xFFFFFFD8  }
0x2ee: {  	[tilespmem:s8], [sflag:$0xC] =	stream.indirect.gather @!p1 [hbm4b:s2+s19], $0x80, s4, s19, $0xb8;
	[tilespmem:$0x1BE80] =	vst v63  }
0x2ef: {  	_ =	swait.ge [sflag:s14], $0x1400  }
0x2f0: {  	[sflag:s14] =	ssyncset.done $0x0  }
0x2f1: {  	[sflag:s14] =	ssyncadd.s32 $0xFFFFEC00  }
0x2f2: {  	[spmem:s3] =	stream.indirect.scatter.add.f32 [tilespmem:s24], [sflag:$0x13], $0x80, s0, s10, $0xb8;
	[tilespmem:$0x1BE80] =	vst v63  }
0x2f3: {  	s4 =	simm.s32 @p1 $0x12  }
0x2f4: {  	[spmem:s31] =	stream.indirect.scatter.add.f32 [tilespmem:s9], [sflag:$0x13], $0x1, s0, s10, $0xb8;
	[tilespmem:$0x1BE80] =	vst v63  }
0x2f5: {  	_ =	swait.ge @p1 [sflag:s4], $0x1400  }
0x2f6: {  	[sflag:s4] =	ssyncset.done @p1 $0x0  }
0x2f7: {  	[sflag:s4] =	ssyncadd.s32 @p1 $0xFFFFEC00  }
0x2f8: {  	_ =	swait.ge @p1 [sflag:s4], $0x28  }
0x2f9: {  	s18 =	simm.s32 @!p1 $0x1BC00;
	[sflag:s4] =	ssyncset.done @p1 $0x0;
	s12 =	rddreg [dreg:$0xf]  }
0x2fa: {  	[sflag:s4] =	ssyncadd.s32 @p1 $0xFFFFFFD8;
	s4 =	rddreg [dreg:$0x10];
	s12 =	sadd.s32 @!p1 s13, s12  }
0x2fb: {  	[tilespmem:s18], [sflag:$0x6] =	stream.linear.gather @!p1 [hbm4b:s12+s23], $0x28, $0x38;
	[tilespmem:$0x1BE80] =	vst v63  }
0x2fc: {  	s8 =	simm.s32 @!p1 $0x12;
	s4 =	sadd.s32 @!p1 s13, s4;
	s12 =	simm.s32 @!p1 $0x1BC28  }
0x2fd: {  	[tilespmem:s12], [sflag:$0x6] =	stream.linear.gather @!p1 [hbm4b:s4+s23], $0x28, $0x38;
	[tilespmem:$0x1BE80] =	vst v63  }
0x2fe: {  	_ =	swait.ge @!p1 [sflag:s8], $0x1400  }
0x2ff: {  	s25 =	smov.u32 s17;
	s17 =	sadd.s32 $0x32, s17;
	[sflag:s8] =	ssyncset.done @!p1 $0x0  }
0x300: {  	p0 =	sne.s32 s17, $0x4E2;
	[sflag:s8] =	ssyncadd.s32 @!p1 $0xFFFFEC00  }
.Ltmp1:
0x301: {  	_ =	swait.ge @!p1 [sflag:s8], $0x28;
	(pc) =	sbr.rel @p0 .LBB2_4-.Ltmp1, $4  }
0x302: {  	s1 =	smov.u32 s2;
	s20 =	smov.u32 s28;
	[sflag:s8] =	ssyncset.done @!p1 $0x0  }
0x303: {  	s28 =	simm.s32 $0x1BA28;
	s18 =	simm.s32 @!p1 $0x3;
	[sflag:s8] =	ssyncadd.s32 @!p1 $0xFFFFFFD8  }
0x304: {  	s13 =	smov.u32 s25;
	s12 =	simm.s32 $0x1BC00;
	_ =	swait.ge @!p1 [sflag:s18], $0x28  }
0x305: {  	s23 =	simm.s32 $0x1B9A8;
	s4 =	simm.s32 @!p1 $0x3B00;
	[sflag:s18] =	ssyncset.done @!p1 $0x0  }
0x306: {  	[sflag:s18] =	ssyncadd.s32 @!p1 $0xFFFFFFD8  }
0x307: {  	_ =	swait.ge @!p1 [sflag:s18], $0x28  }
0x308: {  	[sflag:s18] =	ssyncset.done @!p1 $0x0  }
0x309: {  	s25 =	simm.s32 $0xF;
	[sflag:s18] =	ssyncadd.s32 @!p1 $0xFFFFFFD8  }
0x30a: {  	[tilespmem:s4], [sflag:$0xD] =	stream.indirect.gather @!p1 [hbm4b:s1+s19], $0x80, s21, s19, $0xb8;
	[tilespmem:$0x1BE80] =	vst v63  }
0x30b: {  	_ =	swait.ge [sflag:s25], $0x1400  }
0x30c: {  	[sflag:s25] =	ssyncset.done $0x0  }
0x30d: {  	s26 =	simm.s32 $0x1BE28;
	s21 =	simm.s32 $0x6300;
	[sflag:s25] =	ssyncadd.s32 $0xFFFFEC00  }
0x30e: {  	[spmem:s3] =	stream.indirect.scatter.add.f32 [tilespmem:s21], [sflag:$0x14], $0x80, s26, s10, $0xb8;
	[tilespmem:$0x1BE80] =	vst v63  }
0x30f: {  	p0 =	seq.s32 s13, $0x0;
	s16 =	rddreg [dreg:$0x17]  }
0x310: {  	[spmem:s31] =	stream.indirect.scatter.add.f32 [tilespmem:s9], [sflag:$0x14], $0x1, s26, s10, $0xb8;
	[tilespmem:$0x1BE80] =	vst v63  }
0x311: {  	s8 =	rddreg [dreg:$0x18];
	s4 =	sadd.s32 s13, s16;
	s16 =	simm.s32 $0x1BC80  }
0x312: {  	[tilespmem:s16], [sflag:$0x7] =	stream.linear.gather [hbm4b:s4+s5], $0x28, $0x38;
	[tilespmem:$0x1BE80] =	vst v63  }
0x313: {  	s7 =	simm.s32 $0x1BCA8;
	s17 =	sadd.s32 s13, s8;
	s4 =	simm.s32 @!p0 $0x13  }
0x314: {  	[tilespmem:s7], [sflag:$0x7] =	stream.linear.gather [hbm4b:s17+s5], $0x28, $0x38;
	[tilespmem:$0x1BE80] =	vst v63  }
0x315: {  	_ =	swait.ge @!p0 [sflag:s4], $0x1400  }
0x316: {  	[sflag:s4] =	ssyncset.done @!p0 $0x0  }
0x317: {  	[sflag:s4] =	ssyncadd.s32 @!p0 $0xFFFFEC00  }
0x318: {  	_ =	swait.ge @!p0 [sflag:s4], $0x28  }
0x319: {  	[sflag:s4] =	ssyncset.done @!p0 $0x0  }
0x31a: {  	s0 =	simm.s32 $0x4;
	[sflag:s4] =	ssyncadd.s32 @!p0 $0xFFFFFFD8  }
0x31b: {  	_ =	swait.ge [sflag:s0], $0x28  }
0x31c: {  	[sflag:s0] =	ssyncset.done $0x0  }
0x31d: {  	[sflag:s0] =	ssyncadd.s32 $0xFFFFFFD8  }
0x31e: {  	_ =	swait.ge [sflag:s0], $0x28  }
0x31f: {  	s24 =	simm.s32 $0x4F00;
	[sflag:s0] =	ssyncset.done $0x0  }
0x320: {  	s18 =	simm.s32 $0x1BB00;
	[sflag:s0] =	ssyncadd.s32 $0xFFFFFFD8;
	s0 =	simm.s32 $0xB  }
0x321: {  	[tilespmem:s24], [sflag:$0xE] =	stream.indirect.gather [hbm4b:s1+s10], $0x80, s18, s10, $0xb8;
	[tilespmem:$0x1BE80] =	vst v63  }
0x322: {  	_ =	swait.ge [sflag:s0], $0x1400  }
0x323: {  	[sflag:s0] =	ssyncset.done $0x0  }
0x324: {  	s11 =	simm.s32 $0x1300;
	[sflag:s0] =	ssyncadd.s32 $0xFFFFEC00  }
0x325: {  	[spmem:s3] =	stream.indirect.scatter.add.f32 [tilespmem:s11], [sflag:$0x10], $0x80, s23, s10, $0xb8;
	[tilespmem:$0x1BE80] =	vst v63  }
0x326: {  	s19 =	rddreg [dreg:$0x15]  }
0x327: {  	[spmem:s31] =	stream.indirect.scatter.add.f32 [tilespmem:s9], [sflag:$0x10], $0x1, s23, s10, $0xb8;
	[tilespmem:$0x1BE80] =	vst v63  }
0x328: {  	s14 =	simm.s32 $0x1BD00;
	s22 =	rddreg [dreg:$0x16];
	s4 =	sadd.s32 s13, s19  }
0x329: {  	[tilespmem:s14], [sflag:$0x8] =	stream.linear.gather [hbm4b:s4+s5], $0x28, $0x38;
	[tilespmem:$0x1BE80] =	vst v63  }
0x32a: {  	s6 =	simm.s32 $0x1BD28;
	s8 =	simm.s32 @!p0 $0x14;
	s29 =	sadd.s32 s13, s22  }
0x32b: {  	[tilespmem:s6], [sflag:$0x8] =	stream.linear.gather [hbm4b:s29+s5], $0x28, $0x38;
	[tilespmem:$0x1BE80] =	vst v63  }
0x32c: {  	_ =	swait.ge @!p0 [sflag:s8], $0x1400  }
0x32d: {  	[sflag:s8] =	ssyncset.done @!p0 $0x0  }
0x32e: {  	[sflag:s8] =	ssyncadd.s32 @!p0 $0xFFFFEC00  }
0x32f: {  	_ =	swait.ge @!p0 [sflag:s8], $0x28  }
0x330: {  	[sflag:s8] =	ssyncset.done @!p0 $0x0  }
0x331: {  	s30 =	simm.s32 $0x5;
	[sflag:s8] =	ssyncadd.s32 @!p0 $0xFFFFFFD8  }
0x332: {  	_ =	swait.ge [sflag:s30], $0x28  }
0x333: {  	[sflag:s30] =	ssyncset.done $0x0  }
0x334: {  	[sflag:s30] =	ssyncadd.s32 $0xFFFFFFD8  }
0x335: {  	_ =	swait.ge [sflag:s30], $0x28  }
0x336: {  	[sflag:s30] =	ssyncset.done $0x0  }
0x337: {  	s19 =	simm.s32 $0xC;
	s6 =	simm.s32 $0x1BB80;
	[sflag:s30] =	ssyncadd.s32 $0xFFFFFFD8  }
0x338: {  	[tilespmem:s21], [sflag:$0xF] =	stream.indirect.gather [hbm4b:s1+s10], $0x80, s6, s10, $0xb8;
	[tilespmem:$0x1BE80] =	vst v63  }
0x339: {  	_ =	swait.ge [sflag:s19], $0x1400  }
0x33a: {  	[sflag:s19] =	ssyncset.done $0x0  }
0x33b: {  	s1 =	simm.s32 $0x2700;
	[sflag:s19] =	ssyncadd.s32 $0xFFFFEC00  }
0x33c: {  	[spmem:s3] =	stream.indirect.scatter.add.f32 [tilespmem:s1], [sflag:$0x11], $0x80, s28, s10, $0xb8;
	[tilespmem:$0x1BE80] =	vst v63  }
0x33d: {  	s8 =	rddreg [dreg:$0x13]  }
0x33e: {  	[spmem:s31] =	stream.indirect.scatter.add.f32 [tilespmem:s9], [sflag:$0x11], $0x1, s28, s10, $0xb8;
	[tilespmem:$0x1BE80] =	vst v63  }
0x33f: {  	s6 =	simm.s32 $0x1BD80;
	s17 =	rddreg [dreg:$0x14];
	s4 =	sadd.s32 s13, s8  }
0x340: {  	[tilespmem:s6], [sflag:$0x9] =	stream.linear.gather [hbm4b:s4+s5], $0x28, $0x38;
	[tilespmem:$0x1BE80] =	vst v63  }
0x341: {  	s22 =	simm.s32 $0x1BDA8;
	s29 =	simm.s32 $0x10;
	s18 =	sadd.s32 s13, s17  }
0x342: {  	[tilespmem:s22], [sflag:$0x9] =	stream.linear.gather [hbm4b:s18+s5], $0x28, $0x38;
	[tilespmem:$0x1BE80] =	vst v63  }
0x343: {  	_ =	swait.ge [sflag:s29], $0x1400  }
0x344: {  	[sflag:s29] =	ssyncset.done $0x0  }
0x345: {  	[sflag:s29] =	ssyncadd.s32 $0xFFFFEC00  }
0x346: {  	_ =	swait.ge [sflag:s29], $0x28  }
0x347: {  	[sflag:s29] =	ssyncset.done $0x0  }
0x348: {  	s30 =	simm.s32 $0x6;
	[sflag:s29] =	ssyncadd.s32 $0xFFFFFFD8  }
0x349: {  	_ =	swait.ge [sflag:s30], $0x28  }
0x34a: {  	[sflag:s30] =	ssyncset.done $0x0  }
0x34b: {  	[sflag:s30] =	ssyncadd.s32 $0xFFFFFFD8  }
0x34c: {  	_ =	swait.ge [sflag:s30], $0x28  }
0x34d: {  	[sflag:s30] =	ssyncset.done $0x0  }
0x34e: {  	s29 =	simm.s32 $0xD;
	[sflag:s30] =	ssyncadd.s32 $0xFFFFFFD8  }
0x34f: {  	[tilespmem:s11], [sflag:$0xB] =	stream.indirect.gather [hbm4b:s2+s10], $0x80, s12, s10, $0xb8;
	[tilespmem:$0x1BE80] =	vst v63  }
0x350: {  	_ =	swait.ge [sflag:s29], $0x1400  }
0x351: {  	[sflag:s29] =	ssyncset.done $0x0  }
0x352: {  	s17 =	simm.s32 $0x1BAA8;
	s22 =	simm.s32 $0x3B00;
	[sflag:s29] =	ssyncadd.s32 $0xFFFFEC00  }
0x353: {  	[spmem:s3] =	stream.indirect.scatter.add.f32 [tilespmem:s22], [sflag:$0x12], $0x80, s17, s10, $0xb8;
	[tilespmem:$0x1BE80] =	vst v63  }
0x354: {  	s8 =	rddreg [dreg:$0x11]  }
0x355: {  	[spmem:s31] =	stream.indirect.scatter.add.f32 [tilespmem:s9], [sflag:$0x12], $0x1, s17, s10, $0xb8;
	[tilespmem:$0x1BE80] =	vst v63  }
0x356: {  	s30 =	simm.s32 $0x1BE00;
	s18 =	rddreg [dreg:$0x12];
	s4 =	sadd.s32 s13, s8  }
0x357: {  	[tilespmem:s30], [sflag:$0xA] =	stream.linear.gather [hbm4b:s4+s5], $0x28, $0x38;
	[tilespmem:$0x1BE80] =	vst v63  }
0x358: {  	s12 =	simm.s32 $0x11;
	s8 =	sadd.s32 s13, s18  }
0x359: {  	[tilespmem:s26], [sflag:$0xA] =	stream.linear.gather [hbm4b:s8+s5], $0x28, $0x38;
	[tilespmem:$0x1BE80] =	vst v63  }
0x35a: {  	_ =	swait.ge [sflag:s12], $0x1400  }
0x35b: {  	[sflag:s12] =	ssyncset.done $0x0  }
0x35c: {  	[sflag:s12] =	ssyncadd.s32 $0xFFFFEC00  }
0x35d: {  	_ =	swait.ge [sflag:s12], $0x28  }
0x35e: {  	[sflag:s12] =	ssyncset.done $0x0  }
0x35f: {  	s17 =	simm.s32 $0x7;
	[sflag:s12] =	ssyncadd.s32 $0xFFFFFFD8  }
0x360: {  	_ =	swait.ge [sflag:s17], $0x28  }
0x361: {  	[sflag:s17] =	ssyncset.done $0x0  }
0x362: {  	[sflag:s17] =	ssyncadd.s32 $0xFFFFFFD8  }
0x363: {  	_ =	swait.ge [sflag:s17], $0x28  }
0x364: {  	[sflag:s17] =	ssyncset.done $0x0  }
0x365: {  	[sflag:s17] =	ssyncadd.s32 $0xFFFFFFD8  }
0x366: {  	[tilespmem:s1], [sflag:$0xC] =	stream.indirect.gather [hbm4b:s2+s10], $0x80, s16, s10, $0xb8;
	[tilespmem:$0x1BE80] =	vst v63  }
0x367: {  	s16 =	simm.s32 $0xE  }
0x368: {  	_ =	swait.ge [sflag:s16], $0x1400  }
0x369: {  	p0 =	seq.s32 s13, $0x4B0;
	s4 =	sadd.s32 $0x190, s15;
	[sflag:s16] =	ssyncset.done $0x0  }
0x36a: {  	s18 =	simm.s32 $0x1BB28;
	s4 =	sshrl.u32 @!p0 s4, $0x3;
	[sflag:s16] =	ssyncadd.s32 $0xFFFFEC00  }
0x36b: {  	[spmem:s3] =	stream.indirect.scatter.add.f32 [tilespmem:s24], [sflag:$0x13], $0x80, s18, s10, $0xb8;
	[tilespmem:$0x1BE80] =	vst v63  }
0x36c: {  	s12 =	sadd.s32 @!p0 s20, s4  }
0x36d: {  	[spmem:s31] =	stream.indirect.scatter.add.f32 [tilespmem:s9], [sflag:$0x13], $0x1, s18, s10, $0xb8;
	[tilespmem:$0x1BE80] =	vst v63  }
0x36e: {  	s4 =	simm.s32 @!p0 $0x0;
	s8 =	rddreg [dreg:$0x6];
	s18 =	simm.s32 @!p0 $0x1B980  }
0x36f: {  	[tilespmem:s18], [sflag:$0x1] =	stream.linear.gather @!p0 [hbm4b:s12+s4], $0x28, $0x38;
	[tilespmem:$0x1BE80] =	vst v63  }
0x370: {  	s8 =	sadd.s32 @!p0 s13, s8;
	s12 =	simm.s32 @!p0 $0x1B9A8  }
0x371: {  	[tilespmem:s12], [sflag:$0x1] =	stream.linear.gather @!p0 [hbm4b:s8+s4], $0x28, $0x38;
	[tilespmem:$0x1BE80] =	vst v63  }
0x372: {  	s8 =	simm.s32 $0x12  }
0x373: {  	_ =	swait.ge [sflag:s8], $0x1400  }
0x374: {  	[sflag:s8] =	ssyncset.done $0x0  }
0x375: {  	[sflag:s8] =	ssyncadd.s32 $0xFFFFEC00  }
0x376: {  	_ =	swait.ge [sflag:s8], $0x28  }
0x377: {  	[sflag:s8] =	ssyncset.done $0x0  }
0x378: {  	s12 =	simm.s32 $0x8;
	[sflag:s8] =	ssyncadd.s32 $0xFFFFFFD8  }
0x379: {  	_ =	swait.ge [sflag:s12], $0x28  }
0x37a: {  	[sflag:s12] =	ssyncset.done $0x0  }
0x37b: {  	[sflag:s12] =	ssyncadd.s32 $0xFFFFFFD8  }
0x37c: {  	_ =	swait.ge [sflag:s12], $0x28  }
0x37d: {  	[sflag:s12] =	ssyncset.done $0x0  }
0x37e: {  	[sflag:s12] =	ssyncadd.s32 $0xFFFFFFD8  }
0x37f: {  	[tilespmem:s22], [sflag:$0xD] =	stream.indirect.gather [hbm4b:s2+s10], $0x80, s14, s10, $0xb8;
	[tilespmem:$0x1BE80] =	vst v63  }
0x380: {  	_ =	swait.ge [sflag:s25], $0x1400  }
0x381: {  	[sflag:s25] =	ssyncset.done $0x0  }
0x382: {  	s14 =	simm.s32 $0x1BBA8;
	[sflag:s25] =	ssyncadd.s32 $0xFFFFEC00  }
0x383: {  	[spmem:s3] =	stream.indirect.scatter.add.f32 [tilespmem:s21], [sflag:$0x14], $0x80, s14, s10, $0xb8;
	[tilespmem:$0x1BE80] =	vst v63  }
0x384: {  	s8 =	rddreg [dreg:$0x7]  }
0x385: {  	[spmem:s31] =	stream.indirect.scatter.add.f32 [tilespmem:s9], [sflag:$0x14], $0x1, s14, s10, $0xb8;
	[tilespmem:$0x1BE80] =	vst v63  }
0x386: {  	s17 =	simm.s32 @!p0 $0x1BA00;
	s12 =	rddreg [dreg:$0x8];
	s8 =	sadd.s32 @!p0 s13, s8  }
0x387: {  	[tilespmem:s17], [sflag:$0x2] =	stream.linear.gather @!p0 [hbm4b:s8+s4], $0x28, $0x38;
	[tilespmem:$0x1BE80] =	vst v63  }
0x388: {  	s14 =	simm.s32 $0x13;
	s8 =	sadd.s32 @!p0 s13, s12;
	s12 =	simm.s32 @!p0 $0x1BA28  }
0x389: {  	[tilespmem:s12], [sflag:$0x2] =	stream.linear.gather @!p0 [hbm4b:s8+s4], $0x28, $0x38;
	[tilespmem:$0x1BE80] =	vst v63  }
0x38a: {  	_ =	swait.ge [sflag:s14], $0x1400  }
0x38b: {  	[sflag:s14] =	ssyncset.done $0x0  }
0x38c: {  	[sflag:s14] =	ssyncadd.s32 $0xFFFFEC00  }
0x38d: {  	_ =	swait.ge [sflag:s14], $0x28  }
0x38e: {  	[sflag:s14] =	ssyncset.done $0x0  }
0x38f: {  	s15 =	simm.s32 $0x9;
	[sflag:s14] =	ssyncadd.s32 $0xFFFFFFD8  }
0x390: {  	_ =	swait.ge [sflag:s15], $0x28  }
0x391: {  	[sflag:s15] =	ssyncset.done $0x0  }
0x392: {  	[sflag:s15] =	ssyncadd.s32 $0xFFFFFFD8  }
0x393: {  	_ =	swait.ge [sflag:s15], $0x28  }
0x394: {  	[sflag:s15] =	ssyncset.done $0x0  }
0x395: {  	[sflag:s15] =	ssyncadd.s32 $0xFFFFFFD8  }
0x396: {  	[tilespmem:s24], [sflag:$0xE] =	stream.indirect.gather [hbm4b:s2+s10], $0x80, s6, s10, $0xb8;
	[tilespmem:$0x1BE80] =	vst v63  }
0x397: {  	_ =	swait.ge [sflag:s0], $0x1400  }
0x398: {  	[sflag:s0] =	ssyncset.done $0x0  }
0x399: {  	[sflag:s0] =	ssyncadd.s32 $0xFFFFEC00;
	s0 =	simm.s32 $0x1BC28  }
0x39a: {  	[spmem:s3] =	stream.indirect.scatter.add.f32 [tilespmem:s11], [sflag:$0x10], $0x80, s0, s10, $0xb8;
	[tilespmem:$0x1BE80] =	vst v63  }
0x39b: {  	s8 =	rddreg [dreg:$0x9]  }
0x39c: {  	[spmem:s31] =	stream.indirect.scatter.add.f32 [tilespmem:s9], [sflag:$0x10], $0x1, s0, s10, $0xb8;
	[tilespmem:$0x1BE80] =	vst v63  }
0x39d: {  	s15 =	simm.s32 @!p0 $0x1BA80;
	s12 =	rddreg [dreg:$0xa];
	s8 =	sadd.s32 @!p0 s13, s8  }
0x39e: {  	[tilespmem:s15], [sflag:$0x3] =	stream.linear.gather @!p0 [hbm4b:s8+s4], $0x28, $0x38;
	[tilespmem:$0x1BE80] =	vst v63  }
0x39f: {  	s6 =	simm.s32 $0x14;
	s8 =	sadd.s32 @!p0 s13, s12;
	s12 =	simm.s32 @!p0 $0x1BAA8  }
0x3a0: {  	[tilespmem:s12], [sflag:$0x3] =	stream.linear.gather @!p0 [hbm4b:s8+s4], $0x28, $0x38;
	[tilespmem:$0x1BE80] =	vst v63  }
0x3a1: {  	_ =	swait.ge [sflag:s6], $0x1400  }
0x3a2: {  	[sflag:s6] =	ssyncset.done $0x0  }
0x3a3: {  	[sflag:s6] =	ssyncadd.s32 $0xFFFFEC00  }
0x3a4: {  	_ =	swait.ge [sflag:s6], $0x28  }
0x3a5: {  	[sflag:s6] =	ssyncset.done $0x0  }
0x3a6: {  	s11 =	simm.s32 $0xA;
	[sflag:s6] =	ssyncadd.s32 $0xFFFFFFD8  }
0x3a7: {  	_ =	swait.ge [sflag:s11], $0x28  }
0x3a8: {  	[sflag:s11] =	ssyncset.done $0x0  }
0x3a9: {  	[sflag:s11] =	ssyncadd.s32 $0xFFFFFFD8  }
0x3aa: {  	_ =	swait.ge [sflag:s11], $0x28  }
0x3ab: {  	[sflag:s11] =	ssyncset.done $0x0  }
0x3ac: {  	[sflag:s11] =	ssyncadd.s32 $0xFFFFFFD8  }
0x3ad: {  	[tilespmem:s21], [sflag:$0xF] =	stream.indirect.gather [hbm4b:s2+s10], $0x80, s30, s10, $0xb8;
	[tilespmem:$0x1BE80] =	vst v63  }
0x3ae: {  	_ =	swait.ge [sflag:s19], $0x1400  }
0x3af: {  	[sflag:s19] =	ssyncset.done $0x0  }
0x3b0: {  	[sflag:s19] =	ssyncadd.s32 $0xFFFFEC00  }
0x3b1: {  	[spmem:s3] =	stream.indirect.scatter.add.f32 [tilespmem:s1], [sflag:$0x11], $0x80, s7, s10, $0xb8;
	[tilespmem:$0x1BE80] =	vst v63  }
0x3b2: {  	s8 =	simm.s32 @p0 $0x10  }
0x3b3: {  	[spmem:s31] =	stream.indirect.scatter.add.f32 [tilespmem:s9], [sflag:$0x11], $0x1, s7, s10, $0xb8;
	[tilespmem:$0x1BE80] =	vst v63  }
0x3b4: {  	_ =	swait.ge @p0 [sflag:s8], $0x1400  }
0x3b5: {  	[sflag:s8] =	ssyncset.done @p0 $0x0  }
0x3b6: {  	[sflag:s8] =	ssyncadd.s32 @p0 $0xFFFFEC00  }
0x3b7: {  	_ =	swait.ge @p0 [sflag:s8], $0x28  }
0x3b8: {  	s12 =	rddreg [dreg:$0xb]  }
0x3b9: {  	[sflag:s8] =	ssyncset.done @p0 $0x0;
	s19 =	rddreg [dreg:$0xc]  }
0x3ba: {  	[sflag:s8] =	ssyncadd.s32 @p0 $0xFFFFFFD8;
	s8 =	sadd.s32 @!p0 s13, s12;
	s12 =	simm.s32 @!p0 $0x1BB00  }
0x3bb: {  	[tilespmem:s12], [sflag:$0x4] =	stream.linear.gather @!p0 [hbm4b:s8+s4], $0x28, $0x38;
	[tilespmem:$0x1BE80] =	vst v63  }
0x3bc: {  	s8 =	sadd.s32 @!p0 s13, s19;
	s12 =	simm.s32 @!p0 $0x1BB28;
	s19 =	simm.s32 @!p0 $0x10  }
0x3bd: {  	[tilespmem:s12], [sflag:$0x4] =	stream.linear.gather @!p0 [hbm4b:s8+s4], $0x28, $0x38;
	[tilespmem:$0x1BE80] =	vst v63  }
0x3be: {  	_ =	swait.ge @!p0 [sflag:s19], $0x1400  }
0x3bf: {  	[sflag:s19] =	ssyncset.done @!p0 $0x0  }
0x3c0: {  	[sflag:s19] =	ssyncadd.s32 @!p0 $0xFFFFEC00  }
0x3c1: {  	_ =	swait.ge @!p0 [sflag:s19], $0x28  }
0x3c2: {  	[sflag:s19] =	ssyncset.done @!p0 $0x0  }
0x3c3: {  	s8 =	simm.s32 @!p0 $0x1;
	[sflag:s19] =	ssyncadd.s32 @!p0 $0xFFFFFFD8  }
0x3c4: {  	_ =	swait.ge @!p0 [sflag:s8], $0x28  }
0x3c5: {  	[sflag:s8] =	ssyncset.done @!p0 $0x0  }
0x3c6: {  	[sflag:s8] =	ssyncadd.s32 @!p0 $0xFFFFFFD8  }
0x3c7: {  	_ =	swait.ge @!p0 [sflag:s8], $0x28  }
0x3c8: {  	[sflag:s8] =	ssyncset.done @!p0 $0x0  }
0x3c9: {  	s12 =	simm.s32 @!p0 $0x1300;
	s19 =	simm.s32 @!p0 $0x28;
	[sflag:s8] =	ssyncadd.s32 @!p0 $0xFFFFFFD8  }
0x3ca: {  	[tilespmem:s12], [sflag:$0xB] =	stream.indirect.gather @!p0 [hbm4b:s2+s19], $0x80, s18, s19, $0xb8;
	[tilespmem:$0x1BE80] =	vst v63  }
0x3cb: {  	_ =	swait.ge [sflag:s29], $0x1400  }
0x3cc: {  	[sflag:s29] =	ssyncset.done $0x0  }
0x3cd: {  	s12 =	simm.s32 $0x1BD28;
	[sflag:s29] =	ssyncadd.s32 $0xFFFFEC00  }
0x3ce: {  	[spmem:s3] =	stream.indirect.scatter.add.f32 [tilespmem:s22], [sflag:$0x12], $0x80, s12, s10, $0xb8;
	[tilespmem:$0x1BE80] =	vst v63  }
0x3cf: {  	s8 =	simm.s32 @p0 $0x11  }
0x3d0: {  	[spmem:s31] =	stream.indirect.scatter.add.f32 [tilespmem:s9], [sflag:$0x12], $0x1, s12, s10, $0xb8;
	[tilespmem:$0x1BE80] =	vst v63  }
0x3d1: {  	_ =	swait.ge @p0 [sflag:s8], $0x1400  }
0x3d2: {  	[sflag:s8] =	ssyncset.done @p0 $0x0  }
0x3d3: {  	[sflag:s8] =	ssyncadd.s32 @p0 $0xFFFFEC00  }
0x3d4: {  	_ =	swait.ge @p0 [sflag:s8], $0x28  }
0x3d5: {  	s12 =	rddreg [dreg:$0xd]  }
0x3d6: {  	[sflag:s8] =	ssyncset.done @p0 $0x0;
	s18 =	rddreg [dreg:$0xe]  }
0x3d7: {  	[sflag:s8] =	ssyncadd.s32 @p0 $0xFFFFFFD8;
	s8 =	sadd.s32 @!p0 s13, s12;
	s12 =	simm.s32 @!p0 $0x1BB80  }
0x3d8: {  	[tilespmem:s12], [sflag:$0x5] =	stream.linear.gather @!p0 [hbm4b:s8+s4], $0x28, $0x38;
	[tilespmem:$0x1BE80] =	vst v63  }
0x3d9: {  	s8 =	sadd.s32 @!p0 s13, s18;
	s12 =	simm.s32 @!p0 $0x1BBA8  }
0x3da: {  	[tilespmem:s12], [sflag:$0x5] =	stream.linear.gather @!p0 [hbm4b:s8+s4], $0x28, $0x38;
	[tilespmem:$0x1BE80] =	vst v63  }
0x3db: {  	s8 =	simm.s32 @!p0 $0x11  }
0x3dc: {  	_ =	swait.ge @!p0 [sflag:s8], $0x1400  }
0x3dd: {  	[sflag:s8] =	ssyncset.done @!p0 $0x0  }
0x3de: {  	[sflag:s8] =	ssyncadd.s32 @!p0 $0xFFFFEC00  }
0x3df: {  	_ =	swait.ge @!p0 [sflag:s8], $0x28  }
0x3e0: {  	[sflag:s8] =	ssyncset.done @!p0 $0x0  }
0x3e1: {  	[sflag:s8] =	ssyncadd.s32 @!p0 $0xFFFFFFD8;
	s8 =	simm.s32 @!p0 $0x2  }
0x3e2: {  	_ =	swait.ge @!p0 [sflag:s8], $0x28  }
0x3e3: {  	[sflag:s8] =	ssyncset.done @!p0 $0x0  }
0x3e4: {  	[sflag:s8] =	ssyncadd.s32 @!p0 $0xFFFFFFD8  }
0x3e5: {  	_ =	swait.ge @!p0 [sflag:s8], $0x28  }
0x3e6: {  	[sflag:s8] =	ssyncset.done @!p0 $0x0  }
0x3e7: {  	s12 =	simm.s32 @!p0 $0x2700;
	[sflag:s8] =	ssyncadd.s32 @!p0 $0xFFFFFFD8  }
0x3e8: {  	[tilespmem:s12], [sflag:$0xC] =	stream.indirect.gather @!p0 [hbm4b:s2+s19], $0x80, s17, s19, $0xb8;
	[tilespmem:$0x1BE80] =	vst v63  }
0x3e9: {  	_ =	swait.ge [sflag:s16], $0x1400  }
0x3ea: {  	[sflag:s16] =	ssyncset.done $0x0  }
0x3eb: {  	s18 =	simm.s32 $0x1BDA8;
	[sflag:s16] =	ssyncadd.s32 $0xFFFFEC00  }
0x3ec: {  	[spmem:s3] =	stream.indirect.scatter.add.f32 [tilespmem:s24], [sflag:$0x13], $0x80, s18, s10, $0xb8;
	[tilespmem:$0x1BE80] =	vst v63  }
0x3ed: {  	s8 =	simm.s32 @p0 $0x12  }
0x3ee: {  	[spmem:s31] =	stream.indirect.scatter.add.f32 [tilespmem:s9], [sflag:$0x13], $0x1, s18, s10, $0xb8;
	[tilespmem:$0x1BE80] =	vst v63  }
0x3ef: {  	_ =	swait.ge @p0 [sflag:s8], $0x1400  }
0x3f0: {  	[sflag:s8] =	ssyncset.done @p0 $0x0  }
0x3f1: {  	[sflag:s8] =	ssyncadd.s32 @p0 $0xFFFFEC00  }
0x3f2: {  	_ =	swait.ge @p0 [sflag:s8], $0x28  }
0x3f3: {  	s12 =	rddreg [dreg:$0xf]  }
0x3f4: {  	[sflag:s8] =	ssyncset.done @p0 $0x0;
	s17 =	rddreg [dreg:$0x10]  }
0x3f5: {  	[sflag:s8] =	ssyncadd.s32 @p0 $0xFFFFFFD8;
	s8 =	sadd.s32 @!p0 s13, s12;
	s12 =	simm.s32 @!p0 $0x1BC00  }
0x3f6: {  	[tilespmem:s12], [sflag:$0x6] =	stream.linear.gather @!p0 [hbm4b:s8+s4], $0x28, $0x38;
	[tilespmem:$0x1BE80] =	vst v63  }
0x3f7: {  	s8 =	sadd.s32 @!p0 s13, s17;
	s12 =	simm.s32 @!p0 $0x1BC28  }
0x3f8: {  	[tilespmem:s12], [sflag:$0x6] =	stream.linear.gather @!p0 [hbm4b:s8+s4], $0x28, $0x38;
	[tilespmem:$0x1BE80] =	vst v63  }
0x3f9: {  	s4 =	simm.s32 @!p0 $0x12  }
0x3fa: {  	_ =	swait.ge @!p0 [sflag:s4], $0x1400  }
0x3fb: {  	[sflag:s4] =	ssyncset.done @!p0 $0x0  }
0x3fc: {  	[sflag:s4] =	ssyncadd.s32 @!p0 $0xFFFFEC00  }
0x3fd: {  	_ =	swait.ge @!p0 [sflag:s4], $0x28  }
0x3fe: {  	[sflag:s4] =	ssyncset.done @!p0 $0x0  }
0x3ff: {  	[sflag:s4] =	ssyncadd.s32 @!p0 $0xFFFFFFD8;
	s4 =	simm.s32 @!p0 $0x3  }
0x400: {  	_ =	swait.ge @!p0 [sflag:s4], $0x28  }
0x401: {  	[sflag:s4] =	ssyncset.done @!p0 $0x0  }
0x402: {  	[sflag:s4] =	ssyncadd.s32 @!p0 $0xFFFFFFD8  }
0x403: {  	_ =	swait.ge @!p0 [sflag:s4], $0x28  }
0x404: {  	[sflag:s4] =	ssyncset.done @!p0 $0x0  }
0x405: {  	[sflag:s4] =	ssyncadd.s32 @!p0 $0xFFFFFFD8;
	s4 =	simm.s32 @!p0 $0x3B00  }
0x406: {  	[tilespmem:s4], [sflag:$0xD] =	stream.indirect.gather @!p0 [hbm4b:s2+s19], $0x80, s15, s19, $0xb8;
	[tilespmem:$0x1BE80] =	vst v63  }
0x407: {  	_ =	swait.ge [sflag:s25], $0x1400  }
0x408: {  	[sflag:s25] =	ssyncset.done $0x0  }
0x409: {  	[sflag:s25] =	ssyncadd.s32 $0xFFFFEC00  }
0x40a: {  	[spmem:s3] =	stream.indirect.scatter.add.f32 [tilespmem:s21], [sflag:$0x14], $0x80, s26, s10, $0xb8;
	[tilespmem:$0x1BE80] =	vst v63  }
0x40b: {  	_ = 	snop  }
0x40c: {  	[spmem:s31] =	stream.indirect.scatter.add.f32 [tilespmem:s9], [sflag:$0x14], $0x1, s26, s10, $0xb8;
	[tilespmem:$0x1BE80] =	vst v63  }
0x40d: {  	_ =	swait.ge [sflag:s14], $0x1400  }
0x40e: {  	[sflag:s14] =	ssyncset.done $0x0  }
0x40f: {  	[sflag:s14] =	ssyncadd.s32 $0xFFFFEC00  }
0x410: {  	_ =	swait.ge [sflag:s14], $0x28  }
0x411: {  	[sflag:s14] =	ssyncset.done $0x0  }
0x412: {  	[sflag:s14] =	ssyncadd.s32 $0xFFFFFFD8  }
0x413: {  	_ =	swait.ge [sflag:s6], $0x1400  }
0x414: {  	[sflag:s6] =	ssyncset.done $0x0  }
0x415: {  	[sflag:s6] =	ssyncadd.s32 $0xFFFFEC00  }
0x416: {  	_ =	swait.ge [sflag:s6], $0x28  }
0x417: {  	[sflag:s6] =	ssyncset.done $0x0  }
0x418: {  	[sflag:s6] =	ssyncadd.s32 $0xFFFFFFD8  }
0x419: {  	[bflag:$0x0] =	sbarrier.arrive $0xFFFF  }
0x41a: {  	s19 =	stileid.u32;
	s22 =	sld [smem:$0x7E8]  }
0x41b: {  	s4 =	sshll.u32 s19, $0x6;
	s17 =	rddreg [dreg:$0x1a]  }
0x41c: {  	s24 =	simm.s32 $0x16;
	s4 =	sor.u32 $0x1C16, s4;
	s21 =	sshrl.u32 s17, $0x3  }
0x41d: {  	[hbm:s22], [sflag:s4] =	dma.local [spmem:s21], $0x2800  }
0x41e: {  	_ =	swait.ge [sflag:s24], $0x2800  }
0x41f: {  	s26 =	sld [smem:$0x7E4]  }
0x420: {  	[sflag:s24] =	ssyncset.done $0x0;
	s15 =	rddreg [dreg:$0x19]  }
0x421: {  	[sflag:s24] =	ssyncadd.s32 $0xFFFFD800;
	s25 =	sshrl.u32 s15, $0x3  }
0x422: {  	[hbm:s26], [sflag:s4] =	dma.local [spmem:s25], $0x50  }
0x423: {  	_ =	swait.ge [sflag:s24], $0x50  }
0x424: {  	s29 =	sld [smem:$0x7DF]  }
0x425: {  	s30 =	sld [smem:$0x7E9];
	_ =	sdelay $0x1  }
0x426: {  	s7 =	sadd.s32 $0x1, s29  }
0x427: {  	p0 =	sne.s32 s7, s30  }
.Ltmp2:
0x428: {  	_ = 	snop;
	(pc) =	sbr.rel @p0 .LBB2_1-.Ltmp2, $4  }
0x429: {  	_ = 	snop  }
0x42a: {  	s5 =	simm.s32 $0x0;
	s18 =	simm.s32 $0x1BAA8  }
0x42b: {  	s19 =	simm.s32 $0x1BB00;
	s6 =	simm.s32 $0x1BE28;
	[sflag:s24] =	ssyncset.done $0x0  }
0x42c: {  	s25 =	simm.s32 $0x1BB80;
	[sflag:s24] =	ssyncadd.s32 $0xFFFFFFB0;
	s24 =	simm.s32 $0x1BB28  }
0x42d: {  	_ =	sfence.sel $0x180000  }
0x42e: {  	[bflag:$0x0] =	sbarrier.arrive $0xFFFF  }
0x42f: {  	_ =	strace $0x90000047  }
0x430: {  	s0 =	stileid.u32;
	[bflag:$0x2] =	sbarrier.arrive $0xFFFF  }
0x431: {  	p0 =	sne.s32 s0, $0x0;
	s0 =	rddreg [dreg:$0x5]  }
0x432: {  	s0 =	sadd.s32 @!p0 $0x100000, s0  }
0x433: {  	[sflag:s0] =	ssyncadd.tile.s32 @!p0 $0x1;
	_ =	shalt  }
.Lfunc_end2:
_tile_overlayer_lowered:
.L_overlay_start_2:
0x434: {  	(tag) =	ssettag $0x2  }
0x435: {  	s0 =	rddreg [dreg:$0x0];
	s2 =	stileid.u32  }
0x436: {  	s1 =	rddreg [dreg:$0x1];
	p0 =	sne.s32 s2, $0x0  }
0x437: {  	s3 =	rddreg [dreg:$0x2];
	[bflag:$0x3] =	sbarrier.arrive $0xFFFF;
	s2 =	simm.s32 @!p0 $0x1C16  }
0x438: {  	[timem:s3], [sflag:s2] =	dma.local @!p0 [hbm:s0], s1  }
0x439: {  	s0 =	simm.s32 @!p0 $0x16  }
0x43a: {  	_ =	swait.ge @!p0 [sflag:s0], s1  }
0x43b: {  	s1 =	ssub.s32 @!p0 $0x0, s1;
	[sflag:s0] =	ssyncset.done @!p0 $0x0  }
0x43c: {  	[sflag:s0] =	ssyncadd.s32 @!p0 s1  }
0x43d: {  	[bflag:$0x3] =	sbarrier.arrive $0xFFFF  }
0x43e: {  	_ =	shalt  }

</sc_bundles>
